<compile_context>
chip_gen: v7x
topology: tpu7x:2x2x1
jax: 0.10.2.dev20260603
libtpu: 0.0.44.dev20260713+nightly
codegen_flags: <defaults>
</compile_context>

<pallas_src>
import functools

import numpy as np
import jax
import jax.numpy as jnp
from jax import lax
from jax.experimental import pallas as pl
from jax.experimental.pallas import tpu as pltpu
from jax.experimental.pallas import tpu_sc as plsc

_N = 10000
_M = 32
_K = 8
_DD = 16
_D = 128
_ROUTIT = 6
_NW = 32
_CH = 128

_NPAD = 10240

_S_np = np.zeros((_D, _K), np.float32)
for _d in range(_D):
    _S_np[_d, _d // _DD] = 1.0
_T_np = np.zeros((_D, _DD), np.float32)
for _d in range(_D):
    _T_np[_d, _d % _DD] = 1.0



_BNA = 1000


def _front_body(x_ref, pw_ref, pb_ref, lgt_ref, lbt_ref, wqbd_ref, wkbd_ref,
                s_ref, st_ref, tt_ref, xn_ref, acc_ref):
    x = x_ref[...]
    s = s_ref[...]
    st = st_ref[...]
    h = jnp.dot(x, pw_ref[...], preferred_element_type=jnp.float32,
                 precision=lax.Precision.HIGHEST) + pb_ref[...]
    mu = jnp.dot(h, s, preferred_element_type=jnp.float32,
                 precision=lax.Precision.HIGHEST) * (1.0 / _DD)
    mue = jnp.dot(mu, st, preferred_element_type=jnp.float32,
                 precision=lax.Precision.HIGHEST)
    hc = h - mue
    var = jnp.dot(hc * hc, s, preferred_element_type=jnp.float32,
                 precision=lax.Precision.HIGHEST) * (1.0 / _DD)
    inve = jnp.dot(lax.rsqrt(var + 1e-6), st,
                   preferred_element_type=jnp.float32,
                 precision=lax.Precision.HIGHEST)
    qn = hc * inve * lgt_ref[...] + lbt_ref[...]
    qp = jnp.dot(qn, wqbd_ref[...], preferred_element_type=jnp.float32) * 0.25
    kp = jnp.dot(h, wkbd_ref[...], preferred_element_type=jnp.float32)
    alj = []
    for j in range(_K):
        kp_jt = jnp.dot(kp * st[j:j + 1, :], tt_ref[...],
                        preferred_element_type=jnp.float32)
        alj.append(jnp.dot(qp * kp_jt, s,
                           preferred_element_type=jnp.float32))
    mx = alj[0]
    for j in range(1, _K):
        mx = jnp.maximum(mx, alj[j])
    se = jnp.zeros_like(mx)
    dg = jnp.zeros_like(mx)
    ks = lax.broadcasted_iota(jnp.int32, (_BNA, _K), 1)
    for j in range(_K):
        e = jnp.exp(alj[j] - mx)
        se = se + e
        dg = dg + e * (ks == j).astype(jnp.float32)
    off = jnp.sum(1.0 - dg / se).reshape(1, 1)

    @pl.when(pl.program_id(0) == 0)
    def _():
        acc_ref[...] = jnp.zeros((1, 1), jnp.float32)

    acc_ref[...] += off

    r = jnp.maximum(h, 0.0)
    n2 = jnp.dot(r * r, s, preferred_element_type=jnp.float32,
                 precision=lax.Precision.HIGHEST)
    inv = 1.0 / jnp.maximum(jnp.sqrt(n2), 1e-12)
    xn_ref[...] = r * jnp.dot(inv, st, preferred_element_type=jnp.float32,
                 precision=lax.Precision.HIGHEST)


def _run_front(x, pca_w, pca_b, lgt, lbt, wqbd, wkbd, s, st, p_tile):
    nblk = _N // _BNA
    return pl.pallas_call(
        _front_body,
        grid=(nblk,),
        in_specs=[
            pl.BlockSpec((_BNA, _D), lambda i: (i, 0)),
            pl.BlockSpec((_D, _D), lambda i: (0, 0)),
            pl.BlockSpec((1, _D), lambda i: (0, 0)),
            pl.BlockSpec((1, _D), lambda i: (0, 0)),
            pl.BlockSpec((1, _D), lambda i: (0, 0)),
            pl.BlockSpec((_D, _D), lambda i: (0, 0)),
            pl.BlockSpec((_D, _D), lambda i: (0, 0)),
            pl.BlockSpec((_D, _K), lambda i: (0, 0)),
            pl.BlockSpec((_K, _D), lambda i: (0, 0)),
            pl.BlockSpec((_D, _D), lambda i: (0, 0)),
        ],
        out_specs=[
            pl.BlockSpec((_BNA, _D), lambda i: (i, 0)),
            pl.BlockSpec((1, 1), lambda i: (0, 0)),
        ],
        out_shape=[
            jax.ShapeDtypeStruct((_N, _D), jnp.float32),
            jax.ShapeDtypeStruct((1, 1), jnp.float32),
        ],
    )(x, pca_w, pca_b, lgt, lbt, wqbd, wkbd, s, st, p_tile)




def _sc_gather(table, idx3, dt):
    nw, n_chunks, ch = idx3.shape
    per_w = n_chunks * ch
    mesh = plsc.VectorSubcoreMesh(core_axis_name="c", subcore_axis_name="s",
                                  num_cores=2, num_subcores=16)

    @functools.partial(
        pl.kernel, mesh=mesh,
        out_type=jax.ShapeDtypeStruct((nw * per_w, dt), jnp.float32),
        scratch_types=[
            pltpu.VMEM((n_chunks, ch), jnp.int32),
            pltpu.VMEM((ch, dt), jnp.float32),
            pltpu.VMEM((ch, dt), jnp.float32),
            pltpu.SemaphoreType.DMA,
            pltpu.SemaphoreType.DMA,
        ],
    )
    def gk(table_hbm, idx_hbm, out_hbm, idx_v, buf0, buf1, sem0, sem1):
        wid = lax.axis_index("s") * 2 + lax.axis_index("c")
        base = wid * per_w
        pltpu.sync_copy(idx_hbm.at[wid], idx_v)
        pltpu.async_copy(table_hbm.at[idx_v.at[0]], buf0, sem0)

        @pl.loop(0, n_chunks, step=2)
        def _(j):
            j1 = j + 1
            pltpu.async_copy(table_hbm.at[idx_v.at[j1]], buf1, sem1)
            pltpu.make_async_copy(table_hbm.at[idx_v.at[j]], buf0, sem0).wait()
            pltpu.sync_copy(buf0, out_hbm.at[pl.ds(base + j * ch, ch)])

            @pl.when(j + 2 < n_chunks)
            def _():
                pltpu.async_copy(table_hbm.at[idx_v.at[j + 2]], buf0, sem0)

            pltpu.make_async_copy(table_hbm.at[idx_v.at[j1]], buf1, sem1).wait()
            pltpu.sync_copy(buf1, out_hbm.at[pl.ds(base + j1 * ch, ch)])

    return gk(table, idx3)



_BNR = 512
_MC = 8


def _routing_body(last, z_ref, xn_ref, s_ref, st_ref, t_ref, *outs):
    x = xn_ref[...]
    s = s_ref[...]
    st = st_ref[...]

    def capsn(u):
        n2 = jnp.dot(u * u, s, preferred_element_type=jnp.float32,
                 precision=lax.Precision.HIGHEST)
        inv = 1.0 / jnp.maximum(jnp.sqrt(n2), 1e-12)
        return u * jnp.dot(inv, st, preferred_element_type=jnp.float32,
                 precision=lax.Precision.HIGHEST)

    def logits(zm, u):
        return jnp.dot(zm * u, s, preferred_element_type=jnp.float32,
                 precision=lax.Precision.HIGHEST)

    def accum(c, carry):
        u, acc = carry
        zc = z_ref[pl.ds(c * _MC, _MC)]
        zu = (zc * u[None, :, :]).reshape(_MC * _BNR, _D)
        l = jnp.dot(zu, s, preferred_element_type=jnp.float32,
                    precision=lax.Precision.HIGHEST)
        e = jnp.exp(l - jnp.max(l, axis=1, keepdims=True))
        p = e / jnp.sum(e, axis=1, keepdims=True)
        pe = jnp.dot(p, st, preferred_element_type=jnp.float32,
                     precision=lax.Precision.HIGHEST)
        return u, acc + jnp.sum(zc * pe.reshape(_MC, _BNR, _D), axis=0)

    def mean_step(c, acc):
        return acc + jnp.sum(z_ref[pl.ds(c * _MC, _MC)], axis=0)

    nchunk = _M // _MC
    u = lax.fori_loop(0, nchunk, mean_step,
                      jnp.zeros((_BNR, _D), jnp.float32))
    u = capsn(u * (1.0 / _K) + x)

    def iter_step(_, u):
        _, acc = lax.fori_loop(0, nchunk, accum,
                               (u, jnp.zeros((_BNR, _D), jnp.float32)))
        return capsn(acc + x)

    u = lax.fori_loop(0, _ROUTIT - 2, iter_step, u)
    _, acc = lax.fori_loop(0, nchunk, accum,
                           (u, jnp.zeros((_BNR, _D), jnp.float32)))
    ufin = acc + x
    if not last:
        outs[0][...] = capsn(jnp.maximum(ufin, 0.0))
        return
    outs[0][...] = ufin
    ks = lax.broadcasted_iota(jnp.int32, (_BNR, _K), 1)
    hsum = jnp.zeros((_BNR, _D), jnp.float32)
    for a in range(5):
        za = z_ref[a]
        l = logits(za, u)
        mx = jnp.max(l, axis=1, keepdims=True)
        eq = l == mx
        first = jnp.min(jnp.where(eq, ks, _K), axis=1, keepdims=True)
        oh = (ks == first).astype(jnp.float32)
        outs[1][:, a, :] = oh
        hsum = hsum + za * jnp.dot(oh, st,
                                   preferred_element_type=jnp.float32,
                 precision=lax.Precision.HIGHEST)
    outs[2][...] = jnp.dot(hsum, t_ref[...],
                           preferred_element_type=jnp.float32,
                 precision=lax.Precision.HIGHEST)


def _run_routing(z, xn, s, st, t, last):
    nblk = _NPAD // _BNR
    if last:
        out_specs = [
            pl.BlockSpec((_BNR, _D), lambda i: (i, 0)),
            pl.BlockSpec((_BNR, 5, _K), lambda i: (i, 0, 0)),
            pl.BlockSpec((_BNR, _D), lambda i: (i, 0)),
        ]
        out_shape = [
            jax.ShapeDtypeStruct((_NPAD, _D), jnp.float32),
            jax.ShapeDtypeStruct((_NPAD, 5, _K), jnp.float32),
            jax.ShapeDtypeStruct((_NPAD, _D), jnp.float32),
        ]
    else:
        out_specs = [pl.BlockSpec((_BNR, _D), lambda i: (i, 0))]
        out_shape = [jax.ShapeDtypeStruct((_NPAD, _D), jnp.float32)]
    return pl.pallas_call(
        functools.partial(_routing_body, last),
        grid=(nblk,),
        in_specs=[
            pl.BlockSpec((_M, _BNR, _D), lambda i: (0, i, 0)),
            pl.BlockSpec((_BNR, _D), lambda i: (i, 0)),
            pl.BlockSpec((_D, _K), lambda i: (0, 0)),
            pl.BlockSpec((_K, _D), lambda i: (0, 0)),
            pl.BlockSpec((_D, _D), lambda i: (0, 0)),
        ],
        out_specs=out_specs,
        out_shape=out_shape,
    )(z, xn, s, st, t)



_BNF = 1000


def _final_body(u_ref, oh_ref, hg_ref, st_ref, tt_ref, mw_ref, mb_ref,
                lp_ref, mo_ref):
    mp = jnp.zeros((_BNF, _D), jnp.float32)
    for a in range(5):
        ohe = jnp.dot(oh_ref[:, a, :], st_ref[...],
                      preferred_element_type=jnp.float32,
                 precision=lax.Precision.HIGHEST)
        hgt = jnp.dot(hg_ref[:, a, :], tt_ref[...],
                      preferred_element_type=jnp.float32,
                 precision=lax.Precision.HIGHEST)
        mp = mp + ohe * hgt
    mh = u_ref[...] + mp * (1.0 / 25.0)
    mo = jnp.dot(jnp.maximum(mh, 0.0), mw_ref[...],
                 preferred_element_type=jnp.float32,
                 precision=lax.Precision.HIGHEST) + mb_ref[...]
    mx = jnp.max(mo, axis=1, keepdims=True)
    e = jnp.exp(mo - mx)
    lse = jnp.log(jnp.sum(e, axis=1, keepdims=True)) + mx
    lp_ref[...] = mo - lse
    mo_ref[...] = mo


def _run_final(u, oh, hg, st, tt, mlp_w, mlp_b):
    nblk = _N // _BNF
    return pl.pallas_call(
        _final_body,
        grid=(nblk,),
        in_specs=[
            pl.BlockSpec((_BNF, _D), lambda i: (i, 0)),
            pl.BlockSpec((_BNF, 5, _K), lambda i: (i, 0, 0)),
            pl.BlockSpec((_BNF, 5, _D), lambda i: (i, 0, 0)),
            pl.BlockSpec((_K, _D), lambda i: (0, 0)),
            pl.BlockSpec((_D, _D), lambda i: (0, 0)),
            pl.BlockSpec((_D, _DD), lambda i: (0, 0)),
            pl.BlockSpec((1, _DD), lambda i: (0, 0)),
        ],
        out_specs=[
            pl.BlockSpec((_BNF, _DD), lambda i: (i, 0)),
            pl.BlockSpec((_BNF, _DD), lambda i: (i, 0)),
        ],
        out_shape=[
            jax.ShapeDtypeStruct((_N, _DD), jnp.float32),
            jax.ShapeDtypeStruct((_N, _DD), jnp.float32),
        ],
    )(u, oh, hg, st, tt, mlp_w, mlp_b)




def kernel(x, nb, pca_w, pca_b, ln_g, ln_b, wq, wk, mlp_w, mlp_b):
    s = jnp.asarray(_S_np)
    st = jnp.asarray(_S_np.T.copy())
    t = jnp.asarray(np.pad(_T_np, ((0, 0), (0, _D - _DD))))
    tt = jnp.asarray(np.pad(_T_np.T, ((0, _D - _DD), (0, 0))))
    eye = jnp.eye(_K, dtype=jnp.float32)

    nb = nb.reshape(-1).astype(jnp.int32)
    nzc = (_NPAD * _M) // (_NW * _CH)
    nb_t = jnp.zeros((_M, _NPAD), jnp.int32).at[:, : _N].set(
        nb.reshape(_N, _M).T)
    idx_z = nb_t.reshape(_NW, nzc, _CH)
    nb5 = nb.reshape(_N, _M)[:, :5].reshape(-1)
    nhc = -(-(_N * 5) // (_NW * _CH))
    nhc += nhc % 2
    nb5_pad = jnp.zeros((_NW * nhc * _CH,), jnp.int32).at[: _N * 5].set(nb5)
    idx_h = nb5_pad.reshape(_NW, nhc, _CH)

    lgt = jnp.tile(ln_g, _K).reshape(1, _D)
    lbt = jnp.tile(ln_b, _K).reshape(1, _D)
    wqbd = jnp.kron(eye, wq)
    wkbd = jnp.kron(eye, wk)
    p_tile = jnp.asarray(_T_np @ _T_np.T)
    xn1, acc = _run_front(x, pca_w, pca_b.reshape(1, _D), lgt, lbt,
                          wqbd, wkbd, s, st, p_tile)
    attn_loss = acc[0, 0] / (56.0 * _N)

    xn1p = jnp.zeros((_NPAD, _D), jnp.float32).at[:_N].set(xn1)
    z1 = _sc_gather(xn1p, idx_z, _D).reshape(_M, _NPAD, _D)
    (xn2,) = _run_routing(z1, xn1p, s, st, t, last=False)

    z2 = _sc_gather(xn2, idx_z, _D).reshape(_M, _NPAD, _D)
    u2, oh, hh = _run_routing(z2, xn2, s, st, t, last=True)

    hg = _sc_gather(hh, idx_h, _D)[: _N * 5].reshape(_N, 5, _D)
    lp, mo = _run_final(u2[:_N], oh[:_N], hg, st, tt, mlp_w,
                        mlp_b.reshape(1, _DD))
    return lp, attn_loss, mo

# --- scband reference (transcript-rebuilt; emitter-appended) ---
"""Pipeline reference for scband-capsule-net-2173253452541 (READ-ONLY COPY).

The authoritative reference and input builder live on the scoring server;
editing this copy changes nothing except your own understanding.
"""

import jax, jax.numpy as jnp
import numpy as np

N = 10000
M = 32
NFEAT = 128
NCLASS = 16
NCAPS = 8
NHIDDEN = 16
NLAYER = 2
ROUTIT = 6
REP = NCAPS * NHIDDEN


def setup_inputs(seed: int = 0):
    key = jax.random.key(seed)
    ks = jax.random.split(key, 12)
    x = jax.random.normal(ks[0], (N, NFEAT), dtype=jnp.float32)
    nb = jax.random.randint(ks[1], (N * M,), 0, N, dtype=jnp.int32)
    stdv = 1.0 / np.sqrt(REP)
    pca_w = jax.random.uniform(ks[2], (NFEAT, REP), jnp.float32, -stdv, stdv)
    pca_b = jax.random.uniform(ks[3], (REP,), jnp.float32, -stdv, stdv)
    ln_g = jnp.ones((NHIDDEN,), jnp.float32)
    ln_b = jnp.zeros((NHIDDEN,), jnp.float32)
    s2 = 1.0 / np.sqrt(NHIDDEN)
    wq = jax.random.uniform(ks[4], (NHIDDEN, NHIDDEN), jnp.float32, -s2, s2)
    wk = jax.random.uniform(ks[5], (NHIDDEN, NHIDDEN), jnp.float32, -s2, s2)
    s3 = 1.0 / np.sqrt(REP)
    mlp_w = jax.random.uniform(ks[6], (REP, NCLASS), jnp.float32, -s3, s3)
    mlp_b = jax.random.uniform(ks[7], (NCLASS,), jnp.float32, -s3, s3)
    return {"x": x, "nb": nb, "pca_w": pca_w, "pca_b": pca_b, "ln_g": ln_g,
            "ln_b": ln_b, "wq": wq, "wk": wk, "mlp_w": mlp_w, "mlp_b": mlp_b}


def _normalize(v, axis):
    nrm = jnp.linalg.norm(v, axis=axis, keepdims=True)
    return v / jnp.maximum(nrm, 1e-12)


def _routing(x, nb, last):
    n = x.shape[0]
    m = nb.shape[0] // n
    d, k = REP, NCAPS
    dd = d // k
    x = _normalize(x.reshape(n, k, dd), 2).reshape(n, d)
    x_c = jnp.concatenate([x, jnp.zeros((1, d), x.dtype)], axis=0)
    z = x_c[nb].reshape(n, m, k, dd)
    u = None
    p = None
    for it in range(ROUTIT):
        if u is None:
            p = jnp.zeros((n, m, k), x.dtype)
        else:
            p = jnp.sum(z * u.reshape(n, 1, k, dd), axis=3)
        p = jax.nn.softmax(p, axis=2)
        u = jnp.sum(z * p.reshape(n, m, k, 1), axis=1)
        u = u + x.reshape(n, k, dd)
        if it < ROUTIT - 1:
            u = _normalize(u, 2)
    if not last:
        return u.reshape(n, d)
    nbv = nb.reshape(n, m)
    nei_mask = (nbv >= 0).astype(jnp.float32)
    p1 = jnp.argmax(p, axis=2)
    A = jax.nn.one_hot(p1, k, dtype=jnp.float32)
    A = A * nei_mask[:, :, None]
    Ai = jnp.transpose(A, (2, 0, 1)).astype(jnp.int32)
    B = Ai * nbv.reshape(1, n, m).astype(jnp.int32) + (Ai - 1)
    B = jnp.concatenate([B, jnp.full((k, 1, m), -1, jnp.int32)], axis=1)
    cut = 5
    xc = x_c.reshape(n + 1, k, dd)
    meta_list = []
    for i in range(k):
        for j in range(k):
            idx = B[i, :, :cut].reshape((n + 1) * cut)
            tmp_B = B[j][idx][:, :cut].reshape(n + 1, cut * cut)
            tmp_B = tmp_B[:n]
            tmp_h = xc[tmp_B.reshape(n * cut * cut), j, :].reshape(n, cut * cut, dd)
            meta_list.append(jnp.mean(tmp_h, axis=1))
    meta_h = jnp.stack(meta_list, axis=0).reshape(k, k, n, dd)
    meta_h = jnp.transpose(meta_h, (2, 0, 1, 3))
    meta_h = jnp.sum(meta_h, axis=2)
    meta_h = u + meta_h
    return u.reshape(n, d), meta_h.reshape(n, d)


def reference(x, nb, pca_w, pca_b, ln_g, ln_b, wq, wk, mlp_w, mlp_b):
    nb = nb.reshape(-1)
    h = x @ pca_w + pca_b
    h = h.reshape(-1, NCAPS, NHIDDEN)
    n = h.shape[0]
    # Independence block: returned features are the residual (= h); only attn matters
    mu = jnp.mean(h, axis=-1, keepdims=True)
    var = jnp.var(h, axis=-1, keepdims=True)
    qn = (h - mu) / jnp.sqrt(var + 1e-6) * ln_g + ln_b
    qp = qn @ wq
    kp = h @ wk
    temp = float(np.sqrt(NHIDDEN))
    attn = jax.nn.softmax((qp / temp) @ jnp.swapaxes(kp, -1, -2), axis=-1)
    attn = attn[:, None, :, :]
    attn_mask = (jnp.eye(NCAPS) == 0.0).astype(jnp.float32).reshape(1, 1, NCAPS, NCAPS)
    attn = attn * attn_mask
    attn_loss = jnp.sum(attn) / (jnp.sum(attn_mask) * n)
    xcur = jax.nn.relu(h)
    for layer in range(NLAYER - 1):
        xcur = jax.nn.relu(_routing(xcur, nb, False))  # dropout p=0.0 (eval)
    u, meta = _routing(xcur, nb, True)
    meta = jax.nn.relu(meta)
    meta = meta @ mlp_w + mlp_b
    return (jax.nn.log_softmax(meta, axis=1), attn_loss, meta)

if __name__ == "__main__":
    import jax
    _d = setup_inputs()
    print(jax.jit(kernel)(*tuple(_d.values())))

</pallas_src>

<mosaic_0001>
#map = affine_map<(d0, d1) -> (0, 0)>
#map1 = affine_map<(d0, d1) -> (0, 0, 0)>
module attributes {stable_mosaic.version = 14 : i64} {
  func.func @gk(%arg0: i32, %arg1: i32, %arg2: memref<10240x128xf32, #tpu.memory_space<hbm>>, %arg3: memref<32x80x128xi32, #tpu.memory_space<hbm>>, %arg4: memref<327680x128xf32, #tpu.memory_space<hbm>>, %arg5: memref<80x128xi32, #tpu.memory_space<vmem>>, %arg6: memref<128x128xf32, #tpu.memory_space<vmem>>, %arg7: memref<128x128xf32, #tpu.memory_space<vmem>>, %arg8: memref<!tpu.dma_semaphore, #tpu.memory_space<semaphore_mem>>, %arg9: memref<!tpu.dma_semaphore, #tpu.memory_space<semaphore_mem>>) attributes {dimension_semantics = [#tpu.dimension_semantics<core_parallel>, #tpu.dimension_semantics<subcore_parallel>], iteration_bounds = array<i64: 2, 16>, scalar_prefetch = 0 : i64, scratch_operands = 5 : i64, tpu.core_type = #tpu.core_type<sc_vector_subcore>, window_params = [{transform_indices = #map}, {transform_indices = #map1}, {transform_indices = #map}]} {
    %mul3A = arith.constant 2 : i32
    %mul3A_0 = arith.muli %arg1, %mul3A : i32
    %add3A = arith.addi %mul3A_0, %arg0 : i32
    %mul3A_1 = arith.constant 10240 : i32
    %mul3A_2 = arith.muli %add3A, %mul3A_1 : i32
    "tpu.region"() ({
      %run_scoped3A = tpu.sem_alloc : memref<!tpu.dma_semaphore, #tpu.memory_space<semaphore_mem>>
      %dma_start3A_13 = arith.constant 0 : i32
      %dma_start3A_14 = arith.constant 0 : i32
      %dma_start3A_15 = tpu.memref_slice %arg3[%add3A, %dma_start3A_13, %dma_start3A_14] : memref<32x80x128xi32, #tpu.memory_space<hbm>> -> memref<1x80x128xi32, #tpu.memory_space<hbm>>
      %dma_start3A_16 = tpu.memref_squeeze %dma_start3A_15 : memref<1x80x128xi32, #tpu.memory_space<hbm>> -> memref<80x128xi32, #tpu.memory_space<hbm>>
      %dma_start3A_17 = arith.constant 0 : i32
      %dma_start3A_18 = arith.constant 0 : i32
      %dma_start3A_19 = tpu.memref_slice %arg3[%add3A, %dma_start3A_17, %dma_start3A_18] : memref<32x80x128xi32, #tpu.memory_space<hbm>> -> memref<1x80x128xi32, #tpu.memory_space<hbm>>
      %dma_start3A_20 = tpu.memref_squeeze %dma_start3A_19 : memref<1x80x128xi32, #tpu.memory_space<hbm>> -> memref<80x128xi32, #tpu.memory_space<hbm>>
      tpu.enqueue_dma source(%dma_start3A_20 : memref<80x128xi32, #tpu.memory_space<hbm>>) target(%arg5 : memref<80x128xi32, #tpu.memory_space<vmem>>) target_semaphore(%run_scoped3A : memref<!tpu.dma_semaphore, #tpu.memory_space<semaphore_mem>>)
      %dma_wait3A = arith.constant 0 : i32
      %dma_wait3A_21 = arith.constant 0 : i32
      %dma_wait3A_22 = tpu.memref_slice %arg3[%add3A, %dma_wait3A, %dma_wait3A_21] : memref<32x80x128xi32, #tpu.memory_space<hbm>> -> memref<1x80x128xi32, #tpu.memory_space<hbm>>
      %dma_wait3A_23 = tpu.memref_squeeze %dma_wait3A_22 : memref<1x80x128xi32, #tpu.memory_space<hbm>> -> memref<80x128xi32, #tpu.memory_space<hbm>>
      %dma_wait3A_24 = arith.constant 0 : i32
      %dma_wait3A_25 = arith.constant 0 : i32
      %dma_wait3A_26 = tpu.memref_slice %arg3[%add3A, %dma_wait3A_24, %dma_wait3A_25] : memref<32x80x128xi32, #tpu.memory_space<hbm>> -> memref<1x80x128xi32, #tpu.memory_space<hbm>>
      %dma_wait3A_27 = tpu.memref_squeeze %dma_wait3A_26 : memref<1x80x128xi32, #tpu.memory_space<hbm>> -> memref<80x128xi32, #tpu.memory_space<hbm>>
      tpu.wait_dma2 semaphore(%run_scoped3A : memref<!tpu.dma_semaphore, #tpu.memory_space<semaphore_mem>>) src(%dma_wait3A_27 : memref<80x128xi32, #tpu.memory_space<hbm>>) dst(%arg5 : memref<80x128xi32, #tpu.memory_space<vmem>>)
      tpu.yield
    }) : () -> ()
    %dma_start3A = arith.constant 0 : i32
    %dma_start3A_3 = arith.constant 0 : i32
    %dma_start3A_4 = tpu.memref_slice %arg5[%dma_start3A, %dma_start3A_3] : memref<80x128xi32, #tpu.memory_space<vmem>> -> memref<1x128xi32, #tpu.memory_space<vmem>>
    %dma_start3A_5 = tpu.memref_squeeze %dma_start3A_4 : memref<1x128xi32, #tpu.memory_space<vmem>> -> memref<128xi32, #tpu.memory_space<vmem>>
    %dma_start3A_6 = arith.constant 0 : i32
    %dma_start3A_7 = arith.constant 0 : i32
    %dma_start3A_8 = tpu.memref_slice %arg2[%dma_start3A_6, %dma_start3A_7] : memref<10240x128xf32, #tpu.memory_space<hbm>> -> memref<10240x128xf32, #tpu.memory_space<hbm>>
    tpu.enqueue_indirect_dma source(%dma_start3A_8 : memref<10240x128xf32, #tpu.memory_space<hbm>>) target(%arg6 : memref<128x128xf32, #tpu.memory_space<vmem>>) offsets(%dma_start3A_5 : memref<128xi32, #tpu.memory_space<vmem>>) semaphore(%arg8 : memref<!tpu.dma_semaphore, #tpu.memory_space<semaphore_mem>>)
    %scan3A = arith.constant 0 : i32
    %scan3A_9 = arith.constant 40 : i32
    %scan3A_10 = arith.addi %scan3A, %scan3A_9 : i32
    %scan3A_11 = arith.constant 1 : i32
    scf.for %scan3A_13 = %scan3A to %scan3A_10 step %scan3A_11  : i32 {
      %mul3A_14 = arith.constant 2 : i32
      %mul3A_15 = arith.muli %scan3A_13, %mul3A_14 : i32
      %add3A_16 = arith.constant 0 : i32
      %add3A_17 = arith.addi %add3A_16, %mul3A_15 : i32
      %add3A_18 = arith.constant 1 : i32
      %add3A_19 = arith.addi %add3A_17, %add3A_18 : i32
      %dma_start3A_20 = arith.constant 0 : i32
      %dma_start3A_21 = tpu.memref_slice %arg5[%add3A_19, %dma_start3A_20] : memref<80x128xi32, #tpu.memory_space<vmem>> -> memref<1x128xi32, #tpu.memory_space<vmem>>
      %dma_start3A_22 = tpu.memref_squeeze %dma_start3A_21 : memref<1x128xi32, #tpu.memory_space<vmem>> -> memref<128xi32, #tpu.memory_space<vmem>>
      %dma_start3A_23 = arith.constant 0 : i32
      %dma_start3A_24 = arith.constant 0 : i32
      %dma_start3A_25 = tpu.memref_slice %arg2[%dma_start3A_23, %dma_start3A_24] : memref<10240x128xf32, #tpu.memory_space<hbm>> -> memref<10240x128xf32, #tpu.memory_space<hbm>>
      tpu.enqueue_indirect_dma source(%dma_start3A_25 : memref<10240x128xf32, #tpu.memory_space<hbm>>) target(%arg7 : memref<128x128xf32, #tpu.memory_space<vmem>>) offsets(%dma_start3A_22 : memref<128xi32, #tpu.memory_space<vmem>>) semaphore(%arg9 : memref<!tpu.dma_semaphore, #tpu.memory_space<semaphore_mem>>)
      %dma_wait3A = arith.constant 0 : i32
      %dma_wait3A_26 = tpu.memref_slice %arg5[%add3A_17, %dma_wait3A] : memref<80x128xi32, #tpu.memory_space<vmem>> -> memref<1x128xi32, #tpu.memory_space<vmem>>
      %dma_wait3A_27 = tpu.memref_squeeze %dma_wait3A_26 : memref<1x128xi32, #tpu.memory_space<vmem>> -> memref<128xi32, #tpu.memory_space<vmem>>
      %dma_wait3A_28 = arith.constant 0 : i32
      %dma_wait3A_29 = arith.constant 0 : i32
      %dma_wait3A_30 = tpu.memref_slice %arg2[%dma_wait3A_28, %dma_wait3A_29] : memref<10240x128xf32, #tpu.memory_space<hbm>> -> memref<10240x128xf32, #tpu.memory_space<hbm>>
      tpu.wait_indirect_dma semaphore(%arg8 : memref<!tpu.dma_semaphore, #tpu.memory_space<semaphore_mem>>) src(%dma_wait3A_30 : memref<10240x128xf32, #tpu.memory_space<hbm>>) dst(%arg6 : memref<128x128xf32, #tpu.memory_space<vmem>>)
      %mul3A_31 = arith.constant 128 : i32
      %mul3A_32 = arith.muli %add3A_17, %mul3A_31 : i32
      %add3A_33 = arith.addi %mul3A_2, %mul3A_32 : i32
      "tpu.region"() ({
        %run_scoped3A = tpu.sem_alloc : memref<!tpu.dma_semaphore, #tpu.memory_space<semaphore_mem>>
        %dma_start3A_47 = arith.constant 0 : i32
        %dma_start3A_48 = tpu.memref_slice %arg4[%add3A_33, %dma_start3A_47] : memref<327680x128xf32, #tpu.memory_space<hbm>> -> memref<128x128xf32, #tpu.memory_space<hbm>>
        %dma_start3A_49 = arith.constant 0 : i32
        %dma_start3A_50 = tpu.memref_slice %arg4[%add3A_33, %dma_start3A_49] : memref<327680x128xf32, #tpu.memory_space<hbm>> -> memref<128x128xf32, #tpu.memory_space<hbm>>
        tpu.enqueue_dma source(%arg6 : memref<128x128xf32, #tpu.memory_space<vmem>>) target(%dma_start3A_50 : memref<128x128xf32, #tpu.memory_space<hbm>>) target_semaphore(%run_scoped3A : memref<!tpu.dma_semaphore, #tpu.memory_space<semaphore_mem>>)
        %dma_wait3A_51 = arith.constant 0 : i32
        %dma_wait3A_52 = tpu.memref_slice %arg4[%add3A_33, %dma_wait3A_51] : memref<327680x128xf32, #tpu.memory_space<hbm>> -> memref<128x128xf32, #tpu.memory_space<hbm>>
        %dma_wait3A_53 = arith.constant 0 : i32
        %dma_wait3A_54 = tpu.memref_slice %arg4[%add3A_33, %dma_wait3A_53] : memref<327680x128xf32, #tpu.memory_space<hbm>> -> memref<128x128xf32, #tpu.memory_space<hbm>>
        tpu.wait_dma2 semaphore(%run_scoped3A : memref<!tpu.dma_semaphore, #tpu.memory_space<semaphore_mem>>) src(%arg6 : memref<128x128xf32, #tpu.memory_space<vmem>>) dst(%dma_wait3A_54 : memref<128x128xf32, #tpu.memory_space<hbm>>)
        tpu.yield
      }) : () -> ()
      %add3A_34 = arith.constant 2 : i32
      %add3A_35 = arith.addi %add3A_17, %add3A_34 : i32
      %lt3A = arith.constant 80 : i32
      %lt3A_36 = arith.cmpi slt, %add3A_35, %lt3A : i32
      %convert_element_type3A = arith.extui %lt3A_36 : i1 to i32
      %cond3A = arith.constant 0 : i32
      %cond3A_37 = arith.cmpi ne, %convert_element_type3A, %cond3A : i32
      scf.if %cond3A_37 {
        %add3A_47 = arith.constant 2 : i32
        %add3A_48 = arith.addi %add3A_17, %add3A_47 : i32
        %dma_start3A_49 = arith.constant 0 : i32
        %dma_start3A_50 = tpu.memref_slice %arg5[%add3A_48, %dma_start3A_49] : memref<80x128xi32, #tpu.memory_space<vmem>> -> memref<1x128xi32, #tpu.memory_space<vmem>>
        %dma_start3A_51 = tpu.memref_squeeze %dma_start3A_50 : memref<1x128xi32, #tpu.memory_space<vmem>> -> memref<128xi32, #tpu.memory_space<vmem>>
        %dma_start3A_52 = arith.constant 0 : i32
        %dma_start3A_53 = arith.constant 0 : i32
        %dma_start3A_54 = tpu.memref_slice %arg2[%dma_start3A_52, %dma_start3A_53] : memref<10240x128xf32, #tpu.memory_space<hbm>> -> memref<10240x128xf32, #tpu.memory_space<hbm>>
        tpu.enqueue_indirect_dma source(%dma_start3A_54 : memref<10240x128xf32, #tpu.memory_space<hbm>>) target(%arg6 : memref<128x128xf32, #tpu.memory_space<vmem>>) offsets(%dma_start3A_51 : memref<128xi32, #tpu.memory_space<vmem>>) semaphore(%arg8 : memref<!tpu.dma_semaphore, #tpu.memory_space<semaphore_mem>>)
      } else {
      }
      %dma_wait3A_38 = arith.constant 0 : i32
      %dma_wait3A_39 = tpu.memref_slice %arg5[%add3A_19, %dma_wait3A_38] : memref<80x128xi32, #tpu.memory_space<vmem>> -> memref<1x128xi32, #tpu.memory_space<vmem>>
      %dma_wait3A_40 = tpu.memref_squeeze %dma_wait3A_39 : memref<1x128xi32, #tpu.memory_space<vmem>> -> memref<128xi32, #tpu.memory_space<vmem>>
      %dma_wait3A_41 = arith.constant 0 : i32
      %dma_wait3A_42 = arith.constant 0 : i32
      %dma_wait3A_43 = tpu.memref_slice %arg2[%dma_wait3A_41, %dma_wait3A_42] : memref<10240x128xf32, #tpu.memory_space<hbm>> -> memref<10240x128xf32, #tpu.memory_space<hbm>>
      tpu.wait_indirect_dma semaphore(%arg9 : memref<!tpu.dma_semaphore, #tpu.memory_space<semaphore_mem>>) src(%dma_wait3A_43 : memref<10240x128xf32, #tpu.memory_space<hbm>>) dst(%arg7 : memref<128x128xf32, #tpu.memory_space<vmem>>)
      %mul3A_44 = arith.constant 128 : i32
      %mul3A_45 = arith.muli %add3A_19, %mul3A_44 : i32
      %add3A_46 = arith.addi %mul3A_2, %mul3A_45 : i32
      "tpu.region"() ({
        %run_scoped3A = tpu.sem_alloc : memref<!tpu.dma_semaphore, #tpu.memory_space<semaphore_mem>>
        %dma_start3A_47 = arith.constant 0 : i32
        %dma_start3A_48 = tpu.memref_slice %arg4[%add3A_46, %dma_start3A_47] : memref<327680x128xf32, #tpu.memory_space<hbm>> -> memref<128x128xf32, #tpu.memory_space<hbm>>
        %dma_start3A_49 = arith.constant 0 : i32
        %dma_start3A_50 = tpu.memref_slice %arg4[%add3A_46, %dma_start3A_49] : memref<327680x128xf32, #tpu.memory_space<hbm>> -> memref<128x128xf32, #tpu.memory_space<hbm>>
        tpu.enqueue_dma source(%arg7 : memref<128x128xf32, #tpu.memory_space<vmem>>) target(%dma_start3A_50 : memref<128x128xf32, #tpu.memory_space<hbm>>) target_semaphore(%run_scoped3A : memref<!tpu.dma_semaphore, #tpu.memory_space<semaphore_mem>>)
        %dma_wait3A_51 = arith.constant 0 : i32
        %dma_wait3A_52 = tpu.memref_slice %arg4[%add3A_46, %dma_wait3A_51] : memref<327680x128xf32, #tpu.memory_space<hbm>> -> memref<128x128xf32, #tpu.memory_space<hbm>>
        %dma_wait3A_53 = arith.constant 0 : i32
        %dma_wait3A_54 = tpu.memref_slice %arg4[%add3A_46, %dma_wait3A_53] : memref<327680x128xf32, #tpu.memory_space<hbm>> -> memref<128x128xf32, #tpu.memory_space<hbm>>
        tpu.wait_dma2 semaphore(%run_scoped3A : memref<!tpu.dma_semaphore, #tpu.memory_space<semaphore_mem>>) src(%arg7 : memref<128x128xf32, #tpu.memory_space<vmem>>) dst(%dma_wait3A_54 : memref<128x128xf32, #tpu.memory_space<hbm>>)
        tpu.yield
      }) : () -> ()
    }
    %scan3A_12 = arith.constant 40 : i32
    return
  }
}

#map = affine_map<(d0, d1) -> (0, 0)>
#map1 = affine_map<(d0, d1) -> (0, 0, 0)>
module attributes {stable_mosaic.version = 14 : i64} {
  func.func @gk(%arg0: i32, %arg1: i32, %arg2: memref<10240x128xf32, #tpu.memory_space<hbm>>, %arg3: memref<32x14x128xi32, #tpu.memory_space<hbm>>, %arg4: memref<57344x128xf32, #tpu.memory_space<hbm>>, %arg5: memref<14x128xi32, #tpu.memory_space<vmem>>, %arg6: memref<128x128xf32, #tpu.memory_space<vmem>>, %arg7: memref<128x128xf32, #tpu.memory_space<vmem>>, %arg8: memref<!tpu.dma_semaphore, #tpu.memory_space<semaphore_mem>>, %arg9: memref<!tpu.dma_semaphore, #tpu.memory_space<semaphore_mem>>) attributes {dimension_semantics = [#tpu.dimension_semantics<core_parallel>, #tpu.dimension_semantics<subcore_parallel>], iteration_bounds = array<i64: 2, 16>, scalar_prefetch = 0 : i64, scratch_operands = 5 : i64, tpu.core_type = #tpu.core_type<sc_vector_subcore>, window_params = [{transform_indices = #map}, {transform_indices = #map1}, {transform_indices = #map}]} {
    %mul3A = arith.constant 2 : i32
    %mul3A_0 = arith.muli %arg1, %mul3A : i32
    %add3A = arith.addi %mul3A_0, %arg0 : i32
    %mul3A_1 = arith.constant 1792 : i32
    %mul3A_2 = arith.muli %add3A, %mul3A_1 : i32
    "tpu.region"() ({
      %run_scoped3A = tpu.sem_alloc : memref<!tpu.dma_semaphore, #tpu.memory_space<semaphore_mem>>
      %dma_start3A_13 = arith.constant 0 : i32
      %dma_start3A_14 = arith.constant 0 : i32
      %dma_start3A_15 = tpu.memref_slice %arg3[%add3A, %dma_start3A_13, %dma_start3A_14] : memref<32x14x128xi32, #tpu.memory_space<hbm>> -> memref<1x14x128xi32, #tpu.memory_space<hbm>>
      %dma_start3A_16 = tpu.memref_squeeze %dma_start3A_15 : memref<1x14x128xi32, #tpu.memory_space<hbm>> -> memref<14x128xi32, #tpu.memory_space<hbm>>
      %dma_start3A_17 = arith.constant 0 : i32
      %dma_start3A_18 = arith.constant 0 : i32
      %dma_start3A_19 = tpu.memref_slice %arg3[%add3A, %dma_start3A_17, %dma_start3A_18] : memref<32x14x128xi32, #tpu.memory_space<hbm>> -> memref<1x14x128xi32, #tpu.memory_space<hbm>>
      %dma_start3A_20 = tpu.memref_squeeze %dma_start3A_19 : memref<1x14x128xi32, #tpu.memory_space<hbm>> -> memref<14x128xi32, #tpu.memory_space<hbm>>
      tpu.enqueue_dma source(%dma_start3A_20 : memref<14x128xi32, #tpu.memory_space<hbm>>) target(%arg5 : memref<14x128xi32, #tpu.memory_space<vmem>>) target_semaphore(%run_scoped3A : memref<!tpu.dma_semaphore, #tpu.memory_space<semaphore_mem>>)
      %dma_wait3A = arith.constant 0 : i32
      %dma_wait3A_21 = arith.constant 0 : i32
      %dma_wait3A_22 = tpu.memref_slice %arg3[%add3A, %dma_wait3A, %dma_wait3A_21] : memref<32x14x128xi32, #tpu.memory_space<hbm>> -> memref<1x14x128xi32, #tpu.memory_space<hbm>>
      %dma_wait3A_23 = tpu.memref_squeeze %dma_wait3A_22 : memref<1x14x128xi32, #tpu.memory_space<hbm>> -> memref<14x128xi32, #tpu.memory_space<hbm>>
      %dma_wait3A_24 = arith.constant 0 : i32
      %dma_wait3A_25 = arith.constant 0 : i32
      %dma_wait3A_26 = tpu.memref_slice %arg3[%add3A, %dma_wait3A_24, %dma_wait3A_25] : memref<32x14x128xi32, #tpu.memory_space<hbm>> -> memref<1x14x128xi32, #tpu.memory_space<hbm>>
      %dma_wait3A_27 = tpu.memref_squeeze %dma_wait3A_26 : memref<1x14x128xi32, #tpu.memory_space<hbm>> -> memref<14x128xi32, #tpu.memory_space<hbm>>
      tpu.wait_dma2 semaphore(%run_scoped3A : memref<!tpu.dma_semaphore, #tpu.memory_space<semaphore_mem>>) src(%dma_wait3A_27 : memref<14x128xi32, #tpu.memory_space<hbm>>) dst(%arg5 : memref<14x128xi32, #tpu.memory_space<vmem>>)
      tpu.yield
    }) : () -> ()
    %dma_start3A = arith.constant 0 : i32
    %dma_start3A_3 = arith.constant 0 : i32
    %dma_start3A_4 = tpu.memref_slice %arg5[%dma_start3A, %dma_start3A_3] : memref<14x128xi32, #tpu.memory_space<vmem>> -> memref<1x128xi32, #tpu.memory_space<vmem>>
    %dma_start3A_5 = tpu.memref_squeeze %dma_start3A_4 : memref<1x128xi32, #tpu.memory_space<vmem>> -> memref<128xi32, #tpu.memory_space<vmem>>
    %dma_start3A_6 = arith.constant 0 : i32
    %dma_start3A_7 = arith.constant 0 : i32
    %dma_start3A_8 = tpu.memref_slice %arg2[%dma_start3A_6, %dma_start3A_7] : memref<10240x128xf32, #tpu.memory_space<hbm>> -> memref<10240x128xf32, #tpu.memory_space<hbm>>
    tpu.enqueue_indirect_dma source(%dma_start3A_8 : memref<10240x128xf32, #tpu.memory_space<hbm>>) target(%arg6 : memref<128x128xf32, #tpu.memory_space<vmem>>) offsets(%dma_start3A_5 : memref<128xi32, #tpu.memory_space<vmem>>) semaphore(%arg8 : memref<!tpu.dma_semaphore, #tpu.memory_space<semaphore_mem>>)
    %scan3A = arith.constant 0 : i32
    %scan3A_9 = arith.constant 7 : i32
    %scan3A_10 = arith.addi %scan3A, %scan3A_9 : i32
    %scan3A_11 = arith.constant 1 : i32
    scf.for %scan3A_13 = %scan3A to %scan3A_10 step %scan3A_11  : i32 {
      %mul3A_14 = arith.constant 2 : i32
      %mul3A_15 = arith.muli %scan3A_13, %mul3A_14 : i32
      %add3A_16 = arith.constant 0 : i32
      %add3A_17 = arith.addi %add3A_16, %mul3A_15 : i32
      %add3A_18 = arith.constant 1 : i32
      %add3A_19 = arith.addi %add3A_17, %add3A_18 : i32
      %dma_start3A_20 = arith.constant 0 : i32
      %dma_start3A_21 = tpu.memref_slice %arg5[%add3A_19, %dma_start3A_20] : memref<14x128xi32, #tpu.memory_space<vmem>> -> memref<1x128xi32, #tpu.memory_space<vmem>>
      %dma_start3A_22 = tpu.memref_squeeze %dma_start3A_21 : memref<1x128xi32, #tpu.memory_space<vmem>> -> memref<128xi32, #tpu.memory_space<vmem>>
      %dma_start3A_23 = arith.constant 0 : i32
      %dma_start3A_24 = arith.constant 0 : i32
      %dma_start3A_25 = tpu.memref_slice %arg2[%dma_start3A_23, %dma_start3A_24] : memref<10240x128xf32, #tpu.memory_space<hbm>> -> memref<10240x128xf32, #tpu.memory_space<hbm>>
      tpu.enqueue_indirect_dma source(%dma_start3A_25 : memref<10240x128xf32, #tpu.memory_space<hbm>>) target(%arg7 : memref<128x128xf32, #tpu.memory_space<vmem>>) offsets(%dma_start3A_22 : memref<128xi32, #tpu.memory_space<vmem>>) semaphore(%arg9 : memref<!tpu.dma_semaphore, #tpu.memory_space<semaphore_mem>>)
      %dma_wait3A = arith.constant 0 : i32
      %dma_wait3A_26 = tpu.memref_slice %arg5[%add3A_17, %dma_wait3A] : memref<14x128xi32, #tpu.memory_space<vmem>> -> memref<1x128xi32, #tpu.memory_space<vmem>>
      %dma_wait3A_27 = tpu.memref_squeeze %dma_wait3A_26 : memref<1x128xi32, #tpu.memory_space<vmem>> -> memref<128xi32, #tpu.memory_space<vmem>>
      %dma_wait3A_28 = arith.constant 0 : i32
      %dma_wait3A_29 = arith.constant 0 : i32
      %dma_wait3A_30 = tpu.memref_slice %arg2[%dma_wait3A_28, %dma_wait3A_29] : memref<10240x128xf32, #tpu.memory_space<hbm>> -> memref<10240x128xf32, #tpu.memory_space<hbm>>
      tpu.wait_indirect_dma semaphore(%arg8 : memref<!tpu.dma_semaphore, #tpu.memory_space<semaphore_mem>>) src(%dma_wait3A_30 : memref<10240x128xf32, #tpu.memory_space<hbm>>) dst(%arg6 : memref<128x128xf32, #tpu.memory_space<vmem>>)
      %mul3A_31 = arith.constant 128 : i32
      %mul3A_32 = arith.muli %add3A_17, %mul3A_31 : i32
      %add3A_33 = arith.addi %mul3A_2, %mul3A_32 : i32
      "tpu.region"() ({
        %run_scoped3A = tpu.sem_alloc : memref<!tpu.dma_semaphore, #tpu.memory_space<semaphore_mem>>
        %dma_start3A_47 = arith.constant 0 : i32
        %dma_start3A_48 = tpu.memref_slice %arg4[%add3A_33, %dma_start3A_47] : memref<57344x128xf32, #tpu.memory_space<hbm>> -> memref<128x128xf32, #tpu.memory_space<hbm>>
        %dma_start3A_49 = arith.constant 0 : i32
        %dma_start3A_50 = tpu.memref_slice %arg4[%add3A_33, %dma_start3A_49] : memref<57344x128xf32, #tpu.memory_space<hbm>> -> memref<128x128xf32, #tpu.memory_space<hbm>>
        tpu.enqueue_dma source(%arg6 : memref<128x128xf32, #tpu.memory_space<vmem>>) target(%dma_start3A_50 : memref<128x128xf32, #tpu.memory_space<hbm>>) target_semaphore(%run_scoped3A : memref<!tpu.dma_semaphore, #tpu.memory_space<semaphore_mem>>)
        %dma_wait3A_51 = arith.constant 0 : i32
        %dma_wait3A_52 = tpu.memref_slice %arg4[%add3A_33, %dma_wait3A_51] : memref<57344x128xf32, #tpu.memory_space<hbm>> -> memref<128x128xf32, #tpu.memory_space<hbm>>
        %dma_wait3A_53 = arith.constant 0 : i32
        %dma_wait3A_54 = tpu.memref_slice %arg4[%add3A_33, %dma_wait3A_53] : memref<57344x128xf32, #tpu.memory_space<hbm>> -> memref<128x128xf32, #tpu.memory_space<hbm>>
        tpu.wait_dma2 semaphore(%run_scoped3A : memref<!tpu.dma_semaphore, #tpu.memory_space<semaphore_mem>>) src(%arg6 : memref<128x128xf32, #tpu.memory_space<vmem>>) dst(%dma_wait3A_54 : memref<128x128xf32, #tpu.memory_space<hbm>>)
        tpu.yield
      }) : () -> ()
      %add3A_34 = arith.constant 2 : i32
      %add3A_35 = arith.addi %add3A_17, %add3A_34 : i32
      %lt3A = arith.constant 14 : i32
      %lt3A_36 = arith.cmpi slt, %add3A_35, %lt3A : i32
      %convert_element_type3A = arith.extui %lt3A_36 : i1 to i32
      %cond3A = arith.constant 0 : i32
      %cond3A_37 = arith.cmpi ne, %convert_element_type3A, %cond3A : i32
      scf.if %cond3A_37 {
        %add3A_47 = arith.constant 2 : i32
        %add3A_48 = arith.addi %add3A_17, %add3A_47 : i32
        %dma_start3A_49 = arith.constant 0 : i32
        %dma_start3A_50 = tpu.memref_slice %arg5[%add3A_48, %dma_start3A_49] : memref<14x128xi32, #tpu.memory_space<vmem>> -> memref<1x128xi32, #tpu.memory_space<vmem>>
        %dma_start3A_51 = tpu.memref_squeeze %dma_start3A_50 : memref<1x128xi32, #tpu.memory_space<vmem>> -> memref<128xi32, #tpu.memory_space<vmem>>
        %dma_start3A_52 = arith.constant 0 : i32
        %dma_start3A_53 = arith.constant 0 : i32
        %dma_start3A_54 = tpu.memref_slice %arg2[%dma_start3A_52, %dma_start3A_53] : memref<10240x128xf32, #tpu.memory_space<hbm>> -> memref<10240x128xf32, #tpu.memory_space<hbm>>
        tpu.enqueue_indirect_dma source(%dma_start3A_54 : memref<10240x128xf32, #tpu.memory_space<hbm>>) target(%arg6 : memref<128x128xf32, #tpu.memory_space<vmem>>) offsets(%dma_start3A_51 : memref<128xi32, #tpu.memory_space<vmem>>) semaphore(%arg8 : memref<!tpu.dma_semaphore, #tpu.memory_space<semaphore_mem>>)
      } else {
      }
      %dma_wait3A_38 = arith.constant 0 : i32
      %dma_wait3A_39 = tpu.memref_slice %arg5[%add3A_19, %dma_wait3A_38] : memref<14x128xi32, #tpu.memory_space<vmem>> -> memref<1x128xi32, #tpu.memory_space<vmem>>
      %dma_wait3A_40 = tpu.memref_squeeze %dma_wait3A_39 : memref<1x128xi32, #tpu.memory_space<vmem>> -> memref<128xi32, #tpu.memory_space<vmem>>
      %dma_wait3A_41 = arith.constant 0 : i32
      %dma_wait3A_42 = arith.constant 0 : i32
      %dma_wait3A_43 = tpu.memref_slice %arg2[%dma_wait3A_41, %dma_wait3A_42] : memref<10240x128xf32, #tpu.memory_space<hbm>> -> memref<10240x128xf32, #tpu.memory_space<hbm>>
      tpu.wait_indirect_dma semaphore(%arg9 : memref<!tpu.dma_semaphore, #tpu.memory_space<semaphore_mem>>) src(%dma_wait3A_43 : memref<10240x128xf32, #tpu.memory_space<hbm>>) dst(%arg7 : memref<128x128xf32, #tpu.memory_space<vmem>>)
      %mul3A_44 = arith.constant 128 : i32
      %mul3A_45 = arith.muli %add3A_19, %mul3A_44 : i32
      %add3A_46 = arith.addi %mul3A_2, %mul3A_45 : i32
      "tpu.region"() ({
        %run_scoped3A = tpu.sem_alloc : memref<!tpu.dma_semaphore, #tpu.memory_space<semaphore_mem>>
        %dma_start3A_47 = arith.constant 0 : i32
        %dma_start3A_48 = tpu.memref_slice %arg4[%add3A_46, %dma_start3A_47] : memref<57344x128xf32, #tpu.memory_space<hbm>> -> memref<128x128xf32, #tpu.memory_space<hbm>>
        %dma_start3A_49 = arith.constant 0 : i32
        %dma_start3A_50 = tpu.memref_slice %arg4[%add3A_46, %dma_start3A_49] : memref<57344x128xf32, #tpu.memory_space<hbm>> -> memref<128x128xf32, #tpu.memory_space<hbm>>
        tpu.enqueue_dma source(%arg7 : memref<128x128xf32, #tpu.memory_space<vmem>>) target(%dma_start3A_50 : memref<128x128xf32, #tpu.memory_space<hbm>>) target_semaphore(%run_scoped3A : memref<!tpu.dma_semaphore, #tpu.memory_space<semaphore_mem>>)
        %dma_wait3A_51 = arith.constant 0 : i32
        %dma_wait3A_52 = tpu.memref_slice %arg4[%add3A_46, %dma_wait3A_51] : memref<57344x128xf32, #tpu.memory_space<hbm>> -> memref<128x128xf32, #tpu.memory_space<hbm>>
        %dma_wait3A_53 = arith.constant 0 : i32
        %dma_wait3A_54 = tpu.memref_slice %arg4[%add3A_46, %dma_wait3A_53] : memref<57344x128xf32, #tpu.memory_space<hbm>> -> memref<128x128xf32, #tpu.memory_space<hbm>>
        tpu.wait_dma2 semaphore(%run_scoped3A : memref<!tpu.dma_semaphore, #tpu.memory_space<semaphore_mem>>) src(%arg7 : memref<128x128xf32, #tpu.memory_space<vmem>>) dst(%dma_wait3A_54 : memref<128x128xf32, #tpu.memory_space<hbm>>)
        tpu.yield
      }) : () -> ()
    }
    %scan3A_12 = arith.constant 7 : i32
    return
  }
}

#map = affine_map<(d0, d1) -> (0, 0)>
#map1 = affine_map<(d0, d1) -> (0, 0, 0)>
module attributes {stable_mosaic.version = 14 : i64} {
  func.func @gk(%arg0: i32, %arg1: i32, %arg2: memref<10240x128xf32, #tpu.memory_space<hbm>>, %arg3: memref<32x80x128xi32, #tpu.memory_space<hbm>>, %arg4: memref<327680x128xf32, #tpu.memory_space<hbm>>, %arg5: memref<80x128xi32, #tpu.memory_space<vmem>>, %arg6: memref<128x128xf32, #tpu.memory_space<vmem>>, %arg7: memref<128x128xf32, #tpu.memory_space<vmem>>, %arg8: memref<!tpu.dma_semaphore, #tpu.memory_space<semaphore_mem>>, %arg9: memref<!tpu.dma_semaphore, #tpu.memory_space<semaphore_mem>>) attributes {dimension_semantics = [#tpu.dimension_semantics<core_parallel>, #tpu.dimension_semantics<subcore_parallel>], iteration_bounds = array<i64: 2, 16>, scalar_prefetch = 0 : i64, scratch_operands = 5 : i64, tpu.core_type = #tpu.core_type<sc_vector_subcore>, window_params = [{transform_indices = #map}, {transform_indices = #map1}, {transform_indices = #map}]} {
    %mul3A = arith.constant 2 : i32
    %mul3A_0 = arith.muli %arg1, %mul3A : i32
    %add3A = arith.addi %mul3A_0, %arg0 : i32
    %mul3A_1 = arith.constant 10240 : i32
    %mul3A_2 = arith.muli %add3A, %mul3A_1 : i32
    "tpu.region"() ({
      %run_scoped3A = tpu.sem_alloc : memref<!tpu.dma_semaphore, #tpu.memory_space<semaphore_mem>>
      %dma_start3A_13 = arith.constant 0 : i32
      %dma_start3A_14 = arith.constant 0 : i32
      %dma_start3A_15 = tpu.memref_slice %arg3[%add3A, %dma_start3A_13, %dma_start3A_14] : memref<32x80x128xi32, #tpu.memory_space<hbm>> -> memref<1x80x128xi32, #tpu.memory_space<hbm>>
      %dma_start3A_16 = tpu.memref_squeeze %dma_start3A_15 : memref<1x80x128xi32, #tpu.memory_space<hbm>> -> memref<80x128xi32, #tpu.memory_space<hbm>>
      %dma_start3A_17 = arith.constant 0 : i32
      %dma_start3A_18 = arith.constant 0 : i32
      %dma_start3A_19 = tpu.memref_slice %arg3[%add3A, %dma_start3A_17, %dma_start3A_18] : memref<32x80x128xi32, #tpu.memory_space<hbm>> -> memref<1x80x128xi32, #tpu.memory_space<hbm>>
      %dma_start3A_20 = tpu.memref_squeeze %dma_start3A_19 : memref<1x80x128xi32, #tpu.memory_space<hbm>> -> memref<80x128xi32, #tpu.memory_space<hbm>>
      tpu.enqueue_dma source(%dma_start3A_20 : memref<80x128xi32, #tpu.memory_space<hbm>>) target(%arg5 : memref<80x128xi32, #tpu.memory_space<vmem>>) target_semaphore(%run_scoped3A : memref<!tpu.dma_semaphore, #tpu.memory_space<semaphore_mem>>)
      %dma_wait3A = arith.constant 0 : i32
      %dma_wait3A_21 = arith.constant 0 : i32
      %dma_wait3A_22 = tpu.memref_slice %arg3[%add3A, %dma_wait3A, %dma_wait3A_21] : memref<32x80x128xi32, #tpu.memory_space<hbm>> -> memref<1x80x128xi32, #tpu.memory_space<hbm>>
      %dma_wait3A_23 = tpu.memref_squeeze %dma_wait3A_22 : memref<1x80x128xi32, #tpu.memory_space<hbm>> -> memref<80x128xi32, #tpu.memory_space<hbm>>
      %dma_wait3A_24 = arith.constant 0 : i32
      %dma_wait3A_25 = arith.constant 0 : i32
      %dma_wait3A_26 = tpu.memref_slice %arg3[%add3A, %dma_wait3A_24, %dma_wait3A_25] : memref<32x80x128xi32, #tpu.memory_space<hbm>> -> memref<1x80x128xi32, #tpu.memory_space<hbm>>
      %dma_wait3A_27 = tpu.memref_squeeze %dma_wait3A_26 : memref<1x80x128xi32, #tpu.memory_space<hbm>> -> memref<80x128xi32, #tpu.memory_space<hbm>>
      tpu.wait_dma2 semaphore(%run_scoped3A : memref<!tpu.dma_semaphore, #tpu.memory_space<semaphore_mem>>) src(%dma_wait3A_27 : memref<80x128xi32, #tpu.memory_space<hbm>>) dst(%arg5 : memref<80x128xi32, #tpu.memory_space<vmem>>)
      tpu.yield
    }) : () -> ()
    %dma_start3A = arith.constant 0 : i32
    %dma_start3A_3 = arith.constant 0 : i32
    %dma_start3A_4 = tpu.memref_slice %arg5[%dma_start3A, %dma_start3A_3] : memref<80x128xi32, #tpu.memory_space<vmem>> -> memref<1x128xi32, #tpu.memory_space<vmem>>
    %dma_start3A_5 = tpu.memref_squeeze %dma_start3A_4 : memref<1x128xi32, #tpu.memory_space<vmem>> -> memref<128xi32, #tpu.memory_space<vmem>>
    %dma_start3A_6 = arith.constant 0 : i32
    %dma_start3A_7 = arith.constant 0 : i32
    %dma_start3A_8 = tpu.memref_slice %arg2[%dma_start3A_6, %dma_start3A_7] : memref<10240x128xf32, #tpu.memory_space<hbm>> -> memref<10240x128xf32, #tpu.memory_space<hbm>>
    tpu.enqueue_indirect_dma source(%dma_start3A_8 : memref<10240x128xf32, #tpu.memory_space<hbm>>) target(%arg6 : memref<128x128xf32, #tpu.memory_space<vmem>>) offsets(%dma_start3A_5 : memref<128xi32, #tpu.memory_space<vmem>>) semaphore(%arg8 : memref<!tpu.dma_semaphore, #tpu.memory_space<semaphore_mem>>)
    %scan3A = arith.constant 0 : i32
    %scan3A_9 = arith.constant 40 : i32
    %scan3A_10 = arith.addi %scan3A, %scan3A_9 : i32
    %scan3A_11 = arith.constant 1 : i32
    scf.for %scan3A_13 = %scan3A to %scan3A_10 step %scan3A_11  : i32 {
      %mul3A_14 = arith.constant 2 : i32
      %mul3A_15 = arith.muli %scan3A_13, %mul3A_14 : i32
      %add3A_16 = arith.constant 0 : i32
      %add3A_17 = arith.addi %add3A_16, %mul3A_15 : i32
      %add3A_18 = arith.constant 1 : i32
      %add3A_19 = arith.addi %add3A_17, %add3A_18 : i32
      %dma_start3A_20 = arith.constant 0 : i32
      %dma_start3A_21 = tpu.memref_slice %arg5[%add3A_19, %dma_start3A_20] : memref<80x128xi32, #tpu.memory_space<vmem>> -> memref<1x128xi32, #tpu.memory_space<vmem>>
      %dma_start3A_22 = tpu.memref_squeeze %dma_start3A_21 : memref<1x128xi32, #tpu.memory_space<vmem>> -> memref<128xi32, #tpu.memory_space<vmem>>
      %dma_start3A_23 = arith.constant 0 : i32
      %dma_start3A_24 = arith.constant 0 : i32
      %dma_start3A_25 = tpu.memref_slice %arg2[%dma_start3A_23, %dma_start3A_24] : memref<10240x128xf32, #tpu.memory_space<hbm>> -> memref<10240x128xf32, #tpu.memory_space<hbm>>
      tpu.enqueue_indirect_dma source(%dma_start3A_25 : memref<10240x128xf32, #tpu.memory_space<hbm>>) target(%arg7 : memref<128x128xf32, #tpu.memory_space<vmem>>) offsets(%dma_start3A_22 : memref<128xi32, #tpu.memory_space<vmem>>) semaphore(%arg9 : memref<!tpu.dma_semaphore, #tpu.memory_space<semaphore_mem>>)
      %dma_wait3A = arith.constant 0 : i32
      %dma_wait3A_26 = tpu.memref_slice %arg5[%add3A_17, %dma_wait3A] : memref<80x128xi32, #tpu.memory_space<vmem>> -> memref<1x128xi32, #tpu.memory_space<vmem>>
      %dma_wait3A_27 = tpu.memref_squeeze %dma_wait3A_26 : memref<1x128xi32, #tpu.memory_space<vmem>> -> memref<128xi32, #tpu.memory_space<vmem>>
      %dma_wait3A_28 = arith.constant 0 : i32
      %dma_wait3A_29 = arith.constant 0 : i32
      %dma_wait3A_30 = tpu.memref_slice %arg2[%dma_wait3A_28, %dma_wait3A_29] : memref<10240x128xf32, #tpu.memory_space<hbm>> -> memref<10240x128xf32, #tpu.memory_space<hbm>>
      tpu.wait_indirect_dma semaphore(%arg8 : memref<!tpu.dma_semaphore, #tpu.memory_space<semaphore_mem>>) src(%dma_wait3A_30 : memref<10240x128xf32, #tpu.memory_space<hbm>>) dst(%arg6 : memref<128x128xf32, #tpu.memory_space<vmem>>)
      %mul3A_31 = arith.constant 128 : i32
      %mul3A_32 = arith.muli %add3A_17, %mul3A_31 : i32
      %add3A_33 = arith.addi %mul3A_2, %mul3A_32 : i32
      "tpu.region"() ({
        %run_scoped3A = tpu.sem_alloc : memref<!tpu.dma_semaphore, #tpu.memory_space<semaphore_mem>>
        %dma_start3A_47 = arith.constant 0 : i32
        %dma_start3A_48 = tpu.memref_slice %arg4[%add3A_33, %dma_start3A_47] : memref<327680x128xf32, #tpu.memory_space<hbm>> -> memref<128x128xf32, #tpu.memory_space<hbm>>
        %dma_start3A_49 = arith.constant 0 : i32
        %dma_start3A_50 = tpu.memref_slice %arg4[%add3A_33, %dma_start3A_49] : memref<327680x128xf32, #tpu.memory_space<hbm>> -> memref<128x128xf32, #tpu.memory_space<hbm>>
        tpu.enqueue_dma source(%arg6 : memref<128x128xf32, #tpu.memory_space<vmem>>) target(%dma_start3A_50 : memref<128x128xf32, #tpu.memory_space<hbm>>) target_semaphore(%run_scoped3A : memref<!tpu.dma_semaphore, #tpu.memory_space<semaphore_mem>>)
        %dma_wait3A_51 = arith.constant 0 : i32
        %dma_wait3A_52 = tpu.memref_slice %arg4[%add3A_33, %dma_wait3A_51] : memref<327680x128xf32, #tpu.memory_space<hbm>> -> memref<128x128xf32, #tpu.memory_space<hbm>>
        %dma_wait3A_53 = arith.constant 0 : i32
        %dma_wait3A_54 = tpu.memref_slice %arg4[%add3A_33, %dma_wait3A_53] : memref<327680x128xf32, #tpu.memory_space<hbm>> -> memref<128x128xf32, #tpu.memory_space<hbm>>
        tpu.wait_dma2 semaphore(%run_scoped3A : memref<!tpu.dma_semaphore, #tpu.memory_space<semaphore_mem>>) src(%arg6 : memref<128x128xf32, #tpu.memory_space<vmem>>) dst(%dma_wait3A_54 : memref<128x128xf32, #tpu.memory_space<hbm>>)
        tpu.yield
      }) : () -> ()
      %add3A_34 = arith.constant 2 : i32
      %add3A_35 = arith.addi %add3A_17, %add3A_34 : i32
      %lt3A = arith.constant 80 : i32
      %lt3A_36 = arith.cmpi slt, %add3A_35, %lt3A : i32
      %convert_element_type3A = arith.extui %lt3A_36 : i1 to i32
      %cond3A = arith.constant 0 : i32
      %cond3A_37 = arith.cmpi ne, %convert_element_type3A, %cond3A : i32
      scf.if %cond3A_37 {
        %add3A_47 = arith.constant 2 : i32
        %add3A_48 = arith.addi %add3A_17, %add3A_47 : i32
        %dma_start3A_49 = arith.constant 0 : i32
        %dma_start3A_50 = tpu.memref_slice %arg5[%add3A_48, %dma_start3A_49] : memref<80x128xi32, #tpu.memory_space<vmem>> -> memref<1x128xi32, #tpu.memory_space<vmem>>
        %dma_start3A_51 = tpu.memref_squeeze %dma_start3A_50 : memref<1x128xi32, #tpu.memory_space<vmem>> -> memref<128xi32, #tpu.memory_space<vmem>>
        %dma_start3A_52 = arith.constant 0 : i32
        %dma_start3A_53 = arith.constant 0 : i32
        %dma_start3A_54 = tpu.memref_slice %arg2[%dma_start3A_52, %dma_start3A_53] : memref<10240x128xf32, #tpu.memory_space<hbm>> -> memref<10240x128xf32, #tpu.memory_space<hbm>>
        tpu.enqueue_indirect_dma source(%dma_start3A_54 : memref<10240x128xf32, #tpu.memory_space<hbm>>) target(%arg6 : memref<128x128xf32, #tpu.memory_space<vmem>>) offsets(%dma_start3A_51 : memref<128xi32, #tpu.memory_space<vmem>>) semaphore(%arg8 : memref<!tpu.dma_semaphore, #tpu.memory_space<semaphore_mem>>)
      } else {
      }
      %dma_wait3A_38 = arith.constant 0 : i32
      %dma_wait3A_39 = tpu.memref_slice %arg5[%add3A_19, %dma_wait3A_38] : memref<80x128xi32, #tpu.memory_space<vmem>> -> memref<1x128xi32, #tpu.memory_space<vmem>>
      %dma_wait3A_40 = tpu.memref_squeeze %dma_wait3A_39 : memref<1x128xi32, #tpu.memory_space<vmem>> -> memref<128xi32, #tpu.memory_space<vmem>>
      %dma_wait3A_41 = arith.constant 0 : i32
      %dma_wait3A_42 = arith.constant 0 : i32
      %dma_wait3A_43 = tpu.memref_slice %arg2[%dma_wait3A_41, %dma_wait3A_42] : memref<10240x128xf32, #tpu.memory_space<hbm>> -> memref<10240x128xf32, #tpu.memory_space<hbm>>
      tpu.wait_indirect_dma semaphore(%arg9 : memref<!tpu.dma_semaphore, #tpu.memory_space<semaphore_mem>>) src(%dma_wait3A_43 : memref<10240x128xf32, #tpu.memory_space<hbm>>) dst(%arg7 : memref<128x128xf32, #tpu.memory_space<vmem>>)
      %mul3A_44 = arith.constant 128 : i32
      %mul3A_45 = arith.muli %add3A_19, %mul3A_44 : i32
      %add3A_46 = arith.addi %mul3A_2, %mul3A_45 : i32
      "tpu.region"() ({
        %run_scoped3A = tpu.sem_alloc : memref<!tpu.dma_semaphore, #tpu.memory_space<semaphore_mem>>
        %dma_start3A_47 = arith.constant 0 : i32
        %dma_start3A_48 = tpu.memref_slice %arg4[%add3A_46, %dma_start3A_47] : memref<327680x128xf32, #tpu.memory_space<hbm>> -> memref<128x128xf32, #tpu.memory_space<hbm>>
        %dma_start3A_49 = arith.constant 0 : i32
        %dma_start3A_50 = tpu.memref_slice %arg4[%add3A_46, %dma_start3A_49] : memref<327680x128xf32, #tpu.memory_space<hbm>> -> memref<128x128xf32, #tpu.memory_space<hbm>>
        tpu.enqueue_dma source(%arg7 : memref<128x128xf32, #tpu.memory_space<vmem>>) target(%dma_start3A_50 : memref<128x128xf32, #tpu.memory_space<hbm>>) target_semaphore(%run_scoped3A : memref<!tpu.dma_semaphore, #tpu.memory_space<semaphore_mem>>)
        %dma_wait3A_51 = arith.constant 0 : i32
        %dma_wait3A_52 = tpu.memref_slice %arg4[%add3A_46, %dma_wait3A_51] : memref<327680x128xf32, #tpu.memory_space<hbm>> -> memref<128x128xf32, #tpu.memory_space<hbm>>
        %dma_wait3A_53 = arith.constant 0 : i32
        %dma_wait3A_54 = tpu.memref_slice %arg4[%add3A_46, %dma_wait3A_53] : memref<327680x128xf32, #tpu.memory_space<hbm>> -> memref<128x128xf32, #tpu.memory_space<hbm>>
        tpu.wait_dma2 semaphore(%run_scoped3A : memref<!tpu.dma_semaphore, #tpu.memory_space<semaphore_mem>>) src(%arg7 : memref<128x128xf32, #tpu.memory_space<vmem>>) dst(%dma_wait3A_54 : memref<128x128xf32, #tpu.memory_space<hbm>>)
        tpu.yield
      }) : () -> ()
    }
    %scan3A_12 = arith.constant 40 : i32
    return
  }
}

module attributes {stable_mosaic.version = 14 : i64} {
  func.func @_front_body(%arg0: i32, %arg1: memref<1000x128xf32, #tpu.memory_space<vmem>>, %arg2: memref<128x128xf32, #tpu.memory_space<vmem>>, %arg3: memref<1x128xf32, #tpu.memory_space<vmem>>, %arg4: memref<1x128xf32, #tpu.memory_space<vmem>>, %arg5: memref<1x128xf32, #tpu.memory_space<vmem>>, %arg6: memref<128x128xf32, #tpu.memory_space<vmem>>, %arg7: memref<128x128xf32, #tpu.memory_space<vmem>>, %arg8: memref<128x8xf32, #tpu.memory_space<vmem>>, %arg9: memref<8x128xf32, #tpu.memory_space<vmem>>, %arg10: memref<128x128xf32, #tpu.memory_space<vmem>>, %arg11: memref<1000x128xf32, #tpu.memory_space<vmem>>, %arg12: memref<1x1xf32, #tpu.memory_space<vmem>>) attributes {dimension_semantics = [#tpu.dimension_semantics<arbitrary>], iteration_bounds = array<i64: 10>, scalar_prefetch = 0 : i64, scratch_operands = 0 : i64, tpu.core_type = #tpu.core_type<tc>, window_params = [{transform_indices = @transform_0, window_bounds = array<i64: 1000, 128>}, {pipeline_mode = #tpu.pipeline_mode<synchronous>, transform_indices = @transform_1, window_bounds = array<i64: 128, 128>}, {pipeline_mode = #tpu.pipeline_mode<synchronous>, transform_indices = @transform_2, window_bounds = array<i64: 1, 128>}, {pipeline_mode = #tpu.pipeline_mode<synchronous>, transform_indices = @transform_3, window_bounds = array<i64: 1, 128>}, {pipeline_mode = #tpu.pipeline_mode<synchronous>, transform_indices = @transform_4, window_bounds = array<i64: 1, 128>}, {pipeline_mode = #tpu.pipeline_mode<synchronous>, transform_indices = @transform_5, window_bounds = array<i64: 128, 128>}, {pipeline_mode = #tpu.pipeline_mode<synchronous>, transform_indices = @transform_6, window_bounds = array<i64: 128, 128>}, {pipeline_mode = #tpu.pipeline_mode<synchronous>, transform_indices = @transform_7, window_bounds = array<i64: 128, 8>}, {pipeline_mode = #tpu.pipeline_mode<synchronous>, transform_indices = @transform_8, window_bounds = array<i64: 8, 128>}, {pipeline_mode = #tpu.pipeline_mode<synchronous>, transform_indices = @transform_9, window_bounds = array<i64: 128, 128>}, {transform_indices = @transform_10, window_bounds = array<i64: 1000, 128>}, {pipeline_mode = #tpu.pipeline_mode<synchronous>, transform_indices = @transform_11, window_bounds = array<i64: 1, 1>}]} {
    %get3A = arith.constant 0 : index
    %get3A_0 = arith.constant 0 : index
    %get3A_1 = vector.load %arg1[%get3A, %get3A_0] : memref<1000x128xf32, #tpu.memory_space<vmem>>, vector<1000x128xf32>
    %get3A_2 = arith.constant 0 : index
    %get3A_3 = arith.constant 0 : index
    %get3A_4 = vector.load %arg8[%get3A_2, %get3A_3] : memref<128x8xf32, #tpu.memory_space<vmem>>, vector<128x8xf32>
    %get3A_5 = arith.constant 0 : index
    %get3A_6 = arith.constant 0 : index
    %get3A_7 = vector.load %arg9[%get3A_5, %get3A_6] : memref<8x128xf32, #tpu.memory_space<vmem>>, vector<8x128xf32>
    %get3A_8 = arith.constant 0 : index
    %get3A_9 = arith.constant 0 : index
    %get3A_10 = vector.load %arg2[%get3A_8, %get3A_9] : memref<128x128xf32, #tpu.memory_space<vmem>>, vector<128x128xf32>
    %dot_general3A = arith.constant dense<0.000000e+00> : vector<1000x128xf32>
    %dot_general3A_11 = tpu.matmul %get3A_1, %get3A_10, %dot_general3A {dimension_numbers = #tpu.dot_dimension_numbers<[1], [0], [0], [1], [0, 0, 1, 1], [], []>, precision = #tpu.contract_precision<fp32>, transpose_lhs_hint = false} : vector<1000x128xf32>, vector<128x128xf32>, vector<1000x128xf32> -> vector<1000x128xf32>
    %get3A_12 = arith.constant 0 : index
    %get3A_13 = arith.constant 0 : index
    %get3A_14 = vector.load %arg3[%get3A_12, %get3A_13] : memref<1x128xf32, #tpu.memory_space<vmem>>, vector<1x128xf32>
    %add3A = vector.broadcast %get3A_14 : vector<1x128xf32> to vector<1000x128xf32>
    %add3A_15 = arith.addf %dot_general3A_11, %add3A : vector<1000x128xf32>
    %dot_general3A_16 = arith.constant dense<0.000000e+00> : vector<1000x8xf32>
    %dot_general3A_17 = tpu.matmul %add3A_15, %get3A_4, %dot_general3A_16 {dimension_numbers = #tpu.dot_dimension_numbers<[1], [0], [0], [1], [0, 0, 1, 1], [], []>, precision = #tpu.contract_precision<fp32>, transpose_lhs_hint = false} : vector<1000x128xf32>, vector<128x8xf32>, vector<1000x8xf32> -> vector<1000x8xf32>
    %mul3A = arith.constant 6.250000e-02 : f32
    %mul3A_18 = vector.broadcast %mul3A : f32 to vector<1000x8xf32>
    %mul3A_19 = arith.mulf %dot_general3A_17, %mul3A_18 : vector<1000x8xf32>
    %dot_general3A_20 = arith.constant dense<0.000000e+00> : vector<1000x128xf32>
    %dot_general3A_21 = tpu.matmul %mul3A_19, %get3A_7, %dot_general3A_20 {dimension_numbers = #tpu.dot_dimension_numbers<[1], [0], [0], [1], [0, 0, 1, 1], [], []>, precision = #tpu.contract_precision<fp32>, transpose_lhs_hint = false} : vector<1000x8xf32>, vector<8x128xf32>, vector<1000x128xf32> -> vector<1000x128xf32>
    %sub3A = arith.subf %add3A_15, %dot_general3A_21 : vector<1000x128xf32>
    %mul3A_22 = arith.mulf %sub3A, %sub3A : vector<1000x128xf32>
    %dot_general3A_23 = arith.constant dense<0.000000e+00> : vector<1000x8xf32>
    %dot_general3A_24 = tpu.matmul %mul3A_22, %get3A_4, %dot_general3A_23 {dimension_numbers = #tpu.dot_dimension_numbers<[1], [0], [0], [1], [0, 0, 1, 1], [], []>, precision = #tpu.contract_precision<fp32>, transpose_lhs_hint = false} : vector<1000x128xf32>, vector<128x8xf32>, vector<1000x8xf32> -> vector<1000x8xf32>
    %mul3A_25 = arith.constant 6.250000e-02 : f32
    %mul3A_26 = vector.broadcast %mul3A_25 : f32 to vector<1000x8xf32>
    %mul3A_27 = arith.mulf %dot_general3A_24, %mul3A_26 : vector<1000x8xf32>
    %add3A_28 = arith.constant 9.99999997E-7 : f32
    %add3A_29 = vector.broadcast %add3A_28 : f32 to vector<1000x8xf32>
    %add3A_30 = arith.addf %mul3A_27, %add3A_29 : vector<1000x8xf32>
    %rsqrt3A = math.rsqrt %add3A_30 : vector<1000x8xf32>
    %dot_general3A_31 = arith.constant dense<0.000000e+00> : vector<1000x128xf32>
    %dot_general3A_32 = tpu.matmul %rsqrt3A, %get3A_7, %dot_general3A_31 {dimension_numbers = #tpu.dot_dimension_numbers<[1], [0], [0], [1], [0, 0, 1, 1], [], []>, precision = #tpu.contract_precision<fp32>, transpose_lhs_hint = false} : vector<1000x8xf32>, vector<8x128xf32>, vector<1000x128xf32> -> vector<1000x128xf32>
    %mul3A_33 = arith.mulf %sub3A, %dot_general3A_32 : vector<1000x128xf32>
    %get3A_34 = arith.constant 0 : index
    %get3A_35 = arith.constant 0 : index
    %get3A_36 = vector.load %arg4[%get3A_34, %get3A_35] : memref<1x128xf32, #tpu.memory_space<vmem>>, vector<1x128xf32>
    %mul3A_37 = vector.broadcast %get3A_36 : vector<1x128xf32> to vector<1000x128xf32>
    %mul3A_38 = arith.mulf %mul3A_33, %mul3A_37 : vector<1000x128xf32>
    %get3A_39 = arith.constant 0 : index
    %get3A_40 = arith.constant 0 : index
    %get3A_41 = vector.load %arg5[%get3A_39, %get3A_40] : memref<1x128xf32, #tpu.memory_space<vmem>>, vector<1x128xf32>
    %add3A_42 = vector.broadcast %get3A_41 : vector<1x128xf32> to vector<1000x128xf32>
    %add3A_43 = arith.addf %mul3A_38, %add3A_42 : vector<1000x128xf32>
    %get3A_44 = arith.constant 0 : index
    %get3A_45 = arith.constant 0 : index
    %get3A_46 = vector.load %arg6[%get3A_44, %get3A_45] : memref<128x128xf32, #tpu.memory_space<vmem>>, vector<128x128xf32>
    %dot_general3A_47 = arith.constant dense<0.000000e+00> : vector<1000x128xf32>
    %dot_general3A_48 = tpu.matmul %add3A_43, %get3A_46, %dot_general3A_47 {dimension_numbers = #tpu.dot_dimension_numbers<[1], [0], [0], [1], [0, 0, 1, 1], [], []>, transpose_lhs_hint = false} : vector<1000x128xf32>, vector<128x128xf32>, vector<1000x128xf32> -> vector<1000x128xf32>
    %mul3A_49 = arith.constant 2.500000e-01 : f32
    %mul3A_50 = vector.broadcast %mul3A_49 : f32 to vector<1000x128xf32>
    %mul3A_51 = arith.mulf %dot_general3A_48, %mul3A_50 : vector<1000x128xf32>
    %get3A_52 = arith.constant 0 : index
    %get3A_53 = arith.constant 0 : index
    %get3A_54 = vector.load %arg7[%get3A_52, %get3A_53] : memref<128x128xf32, #tpu.memory_space<vmem>>, vector<128x128xf32>
    %dot_general3A_55 = arith.constant dense<0.000000e+00> : vector<1000x128xf32>
    %dot_general3A_56 = tpu.matmul %add3A_15, %get3A_54, %dot_general3A_55 {dimension_numbers = #tpu.dot_dimension_numbers<[1], [0], [0], [1], [0, 0, 1, 1], [], []>, transpose_lhs_hint = false} : vector<1000x128xf32>, vector<128x128xf32>, vector<1000x128xf32> -> vector<1000x128xf32>
    %slice3A = vector.extract_strided_slice %get3A_7 {offsets = [0, 0], sizes = [1, 128], strides = [1, 1]} : vector<8x128xf32> to vector<1x128xf32>
    %mul3A_57 = vector.broadcast %slice3A : vector<1x128xf32> to vector<1000x128xf32>
    %mul3A_58 = arith.mulf %dot_general3A_56, %mul3A_57 : vector<1000x128xf32>
    %get3A_59 = arith.constant 0 : index
    %get3A_60 = arith.constant 0 : index
    %get3A_61 = vector.load %arg10[%get3A_59, %get3A_60] : memref<128x128xf32, #tpu.memory_space<vmem>>, vector<128x128xf32>
    %dot_general3A_62 = arith.constant dense<0.000000e+00> : vector<1000x128xf32>
    %dot_general3A_63 = tpu.matmul %mul3A_58, %get3A_61, %dot_general3A_62 {dimension_numbers = #tpu.dot_dimension_numbers<[1], [0], [0], [1], [0, 0, 1, 1], [], []>, transpose_lhs_hint = false} : vector<1000x128xf32>, vector<128x128xf32>, vector<1000x128xf32> -> vector<1000x128xf32>
    %mul3A_64 = arith.mulf %mul3A_51, %dot_general3A_63 : vector<1000x128xf32>
    %dot_general3A_65 = arith.constant dense<0.000000e+00> : vector<1000x8xf32>
    %dot_general3A_66 = tpu.matmul %mul3A_64, %get3A_4, %dot_general3A_65 {dimension_numbers = #tpu.dot_dimension_numbers<[1], [0], [0], [1], [0, 0, 1, 1], [], []>, transpose_lhs_hint = false} : vector<1000x128xf32>, vector<128x8xf32>, vector<1000x8xf32> -> vector<1000x8xf32>
    %slice3A_67 = vector.extract_strided_slice %get3A_7 {offsets = [1, 0], sizes = [1, 128], strides = [1, 1]} : vector<8x128xf32> to vector<1x128xf32>
    %mul3A_68 = vector.broadcast %slice3A_67 : vector<1x128xf32> to vector<1000x128xf32>
    %mul3A_69 = arith.mulf %dot_general3A_56, %mul3A_68 : vector<1000x128xf32>
    %get3A_70 = arith.constant 0 : index
    %get3A_71 = arith.constant 0 : index
    %get3A_72 = vector.load %arg10[%get3A_70, %get3A_71] : memref<128x128xf32, #tpu.memory_space<vmem>>, vector<128x128xf32>
    %dot_general3A_73 = arith.constant dense<0.000000e+00> : vector<1000x128xf32>
    %dot_general3A_74 = tpu.matmul %mul3A_69, %get3A_72, %dot_general3A_73 {dimension_numbers = #tpu.dot_dimension_numbers<[1], [0], [0], [1], [0, 0, 1, 1], [], []>, transpose_lhs_hint = false} : vector<1000x128xf32>, vector<128x128xf32>, vector<1000x128xf32> -> vector<1000x128xf32>
    %mul3A_75 = arith.mulf %mul3A_51, %dot_general3A_74 : vector<1000x128xf32>
    %dot_general3A_76 = arith.constant dense<0.000000e+00> : vector<1000x8xf32>
    %dot_general3A_77 = tpu.matmul %mul3A_75, %get3A_4, %dot_general3A_76 {dimension_numbers = #tpu.dot_dimension_numbers<[1], [0], [0], [1], [0, 0, 1, 1], [], []>, transpose_lhs_hint = false} : vector<1000x128xf32>, vector<128x8xf32>, vector<1000x8xf32> -> vector<1000x8xf32>
    %slice3A_78 = vector.extract_strided_slice %get3A_7 {offsets = [2, 0], sizes = [1, 128], strides = [1, 1]} : vector<8x128xf32> to vector<1x128xf32>
    %mul3A_79 = vector.broadcast %slice3A_78 : vector<1x128xf32> to vector<1000x128xf32>
    %mul3A_80 = arith.mulf %dot_general3A_56, %mul3A_79 : vector<1000x128xf32>
    %get3A_81 = arith.constant 0 : index
    %get3A_82 = arith.constant 0 : index
    %get3A_83 = vector.load %arg10[%get3A_81, %get3A_82] : memref<128x128xf32, #tpu.memory_space<vmem>>, vector<128x128xf32>
    %dot_general3A_84 = arith.constant dense<0.000000e+00> : vector<1000x128xf32>
    %dot_general3A_85 = tpu.matmul %mul3A_80, %get3A_83, %dot_general3A_84 {dimension_numbers = #tpu.dot_dimension_numbers<[1], [0], [0], [1], [0, 0, 1, 1], [], []>, transpose_lhs_hint = false} : vector<1000x128xf32>, vector<128x128xf32>, vector<1000x128xf32> -> vector<1000x128xf32>
    %mul3A_86 = arith.mulf %mul3A_51, %dot_general3A_85 : vector<1000x128xf32>
    %dot_general3A_87 = arith.constant dense<0.000000e+00> : vector<1000x8xf32>
    %dot_general3A_88 = tpu.matmul %mul3A_86, %get3A_4, %dot_general3A_87 {dimension_numbers = #tpu.dot_dimension_numbers<[1], [0], [0], [1], [0, 0, 1, 1], [], []>, transpose_lhs_hint = false} : vector<1000x128xf32>, vector<128x8xf32>, vector<1000x8xf32> -> vector<1000x8xf32>
    %slice3A_89 = vector.extract_strided_slice %get3A_7 {offsets = [3, 0], sizes = [1, 128], strides = [1, 1]} : vector<8x128xf32> to vector<1x128xf32>
    %mul3A_90 = vector.broadcast %slice3A_89 : vector<1x128xf32> to vector<1000x128xf32>
    %mul3A_91 = arith.mulf %dot_general3A_56, %mul3A_90 : vector<1000x128xf32>
    %get3A_92 = arith.constant 0 : index
    %get3A_93 = arith.constant 0 : index
    %get3A_94 = vector.load %arg10[%get3A_92, %get3A_93] : memref<128x128xf32, #tpu.memory_space<vmem>>, vector<128x128xf32>
    %dot_general3A_95 = arith.constant dense<0.000000e+00> : vector<1000x128xf32>
    %dot_general3A_96 = tpu.matmul %mul3A_91, %get3A_94, %dot_general3A_95 {dimension_numbers = #tpu.dot_dimension_numbers<[1], [0], [0], [1], [0, 0, 1, 1], [], []>, transpose_lhs_hint = false} : vector<1000x128xf32>, vector<128x128xf32>, vector<1000x128xf32> -> vector<1000x128xf32>
    %mul3A_97 = arith.mulf %mul3A_51, %dot_general3A_96 : vector<1000x128xf32>
    %dot_general3A_98 = arith.constant dense<0.000000e+00> : vector<1000x8xf32>
    %dot_general3A_99 = tpu.matmul %mul3A_97, %get3A_4, %dot_general3A_98 {dimension_numbers = #tpu.dot_dimension_numbers<[1], [0], [0], [1], [0, 0, 1, 1], [], []>, transpose_lhs_hint = false} : vector<1000x128xf32>, vector<128x8xf32>, vector<1000x8xf32> -> vector<1000x8xf32>
    %slice3A_100 = vector.extract_strided_slice %get3A_7 {offsets = [4, 0], sizes = [1, 128], strides = [1, 1]} : vector<8x128xf32> to vector<1x128xf32>
    %mul3A_101 = vector.broadcast %slice3A_100 : vector<1x128xf32> to vector<1000x128xf32>
    %mul3A_102 = arith.mulf %dot_general3A_56, %mul3A_101 : vector<1000x128xf32>
    %get3A_103 = arith.constant 0 : index
    %get3A_104 = arith.constant 0 : index
    %get3A_105 = vector.load %arg10[%get3A_103, %get3A_104] : memref<128x128xf32, #tpu.memory_space<vmem>>, vector<128x128xf32>
    %dot_general3A_106 = arith.constant dense<0.000000e+00> : vector<1000x128xf32>
    %dot_general3A_107 = tpu.matmul %mul3A_102, %get3A_105, %dot_general3A_106 {dimension_numbers = #tpu.dot_dimension_numbers<[1], [0], [0], [1], [0, 0, 1, 1], [], []>, transpose_lhs_hint = false} : vector<1000x128xf32>, vector<128x128xf32>, vector<1000x128xf32> -> vector<1000x128xf32>
    %mul3A_108 = arith.mulf %mul3A_51, %dot_general3A_107 : vector<1000x128xf32>
    %dot_general3A_109 = arith.constant dense<0.000000e+00> : vector<1000x8xf32>
    %dot_general3A_110 = tpu.matmul %mul3A_108, %get3A_4, %dot_general3A_109 {dimension_numbers = #tpu.dot_dimension_numbers<[1], [0], [0], [1], [0, 0, 1, 1], [], []>, transpose_lhs_hint = false} : vector<1000x128xf32>, vector<128x8xf32>, vector<1000x8xf32> -> vector<1000x8xf32>
    %slice3A_111 = vector.extract_strided_slice %get3A_7 {offsets = [5, 0], sizes = [1, 128], strides = [1, 1]} : vector<8x128xf32> to vector<1x128xf32>
    %mul3A_112 = vector.broadcast %slice3A_111 : vector<1x128xf32> to vector<1000x128xf32>
    %mul3A_113 = arith.mulf %dot_general3A_56, %mul3A_112 : vector<1000x128xf32>
    %get3A_114 = arith.constant 0 : index
    %get3A_115 = arith.constant 0 : index
    %get3A_116 = vector.load %arg10[%get3A_114, %get3A_115] : memref<128x128xf32, #tpu.memory_space<vmem>>, vector<128x128xf32>
    %dot_general3A_117 = arith.constant dense<0.000000e+00> : vector<1000x128xf32>
    %dot_general3A_118 = tpu.matmul %mul3A_113, %get3A_116, %dot_general3A_117 {dimension_numbers = #tpu.dot_dimension_numbers<[1], [0], [0], [1], [0, 0, 1, 1], [], []>, transpose_lhs_hint = false} : vector<1000x128xf32>, vector<128x128xf32>, vector<1000x128xf32> -> vector<1000x128xf32>
    %mul3A_119 = arith.mulf %mul3A_51, %dot_general3A_118 : vector<1000x128xf32>
    %dot_general3A_120 = arith.constant dense<0.000000e+00> : vector<1000x8xf32>
    %dot_general3A_121 = tpu.matmul %mul3A_119, %get3A_4, %dot_general3A_120 {dimension_numbers = #tpu.dot_dimension_numbers<[1], [0], [0], [1], [0, 0, 1, 1], [], []>, transpose_lhs_hint = false} : vector<1000x128xf32>, vector<128x8xf32>, vector<1000x8xf32> -> vector<1000x8xf32>
    %slice3A_122 = vector.extract_strided_slice %get3A_7 {offsets = [6, 0], sizes = [1, 128], strides = [1, 1]} : vector<8x128xf32> to vector<1x128xf32>
    %mul3A_123 = vector.broadcast %slice3A_122 : vector<1x128xf32> to vector<1000x128xf32>
    %mul3A_124 = arith.mulf %dot_general3A_56, %mul3A_123 : vector<1000x128xf32>
    %get3A_125 = arith.constant 0 : index
    %get3A_126 = arith.constant 0 : index
    %get3A_127 = vector.load %arg10[%get3A_125, %get3A_126] : memref<128x128xf32, #tpu.memory_space<vmem>>, vector<128x128xf32>
    %dot_general3A_128 = arith.constant dense<0.000000e+00> : vector<1000x128xf32>
    %dot_general3A_129 = tpu.matmul %mul3A_124, %get3A_127, %dot_general3A_128 {dimension_numbers = #tpu.dot_dimension_numbers<[1], [0], [0], [1], [0, 0, 1, 1], [], []>, transpose_lhs_hint = false} : vector<1000x128xf32>, vector<128x128xf32>, vector<1000x128xf32> -> vector<1000x128xf32>
    %mul3A_130 = arith.mulf %mul3A_51, %dot_general3A_129 : vector<1000x128xf32>
    %dot_general3A_131 = arith.constant dense<0.000000e+00> : vector<1000x8xf32>
    %dot_general3A_132 = tpu.matmul %mul3A_130, %get3A_4, %dot_general3A_131 {dimension_numbers = #tpu.dot_dimension_numbers<[1], [0], [0], [1], [0, 0, 1, 1], [], []>, transpose_lhs_hint = false} : vector<1000x128xf32>, vector<128x8xf32>, vector<1000x8xf32> -> vector<1000x8xf32>
    %slice3A_133 = vector.extract_strided_slice %get3A_7 {offsets = [7, 0], sizes = [1, 128], strides = [1, 1]} : vector<8x128xf32> to vector<1x128xf32>
    %mul3A_134 = vector.broadcast %slice3A_133 : vector<1x128xf32> to vector<1000x128xf32>
    %mul3A_135 = arith.mulf %dot_general3A_56, %mul3A_134 : vector<1000x128xf32>
    %get3A_136 = arith.constant 0 : index
    %get3A_137 = arith.constant 0 : index
    %get3A_138 = vector.load %arg10[%get3A_136, %get3A_137] : memref<128x128xf32, #tpu.memory_space<vmem>>, vector<128x128xf32>
    %dot_general3A_139 = arith.constant dense<0.000000e+00> : vector<1000x128xf32>
    %dot_general3A_140 = tpu.matmul %mul3A_135, %get3A_138, %dot_general3A_139 {dimension_numbers = #tpu.dot_dimension_numbers<[1], [0], [0], [1], [0, 0, 1, 1], [], []>, transpose_lhs_hint = false} : vector<1000x128xf32>, vector<128x128xf32>, vector<1000x128xf32> -> vector<1000x128xf32>
    %mul3A_141 = arith.mulf %mul3A_51, %dot_general3A_140 : vector<1000x128xf32>
    %dot_general3A_142 = arith.constant dense<0.000000e+00> : vector<1000x8xf32>
    %dot_general3A_143 = tpu.matmul %mul3A_141, %get3A_4, %dot_general3A_142 {dimension_numbers = #tpu.dot_dimension_numbers<[1], [0], [0], [1], [0, 0, 1, 1], [], []>, transpose_lhs_hint = false} : vector<1000x128xf32>, vector<128x8xf32>, vector<1000x8xf32> -> vector<1000x8xf32>
    %max3A = arith.maximumf %dot_general3A_66, %dot_general3A_77 : vector<1000x8xf32>
    %max3A_144 = arith.maximumf %max3A, %dot_general3A_88 : vector<1000x8xf32>
    %max3A_145 = arith.maximumf %max3A_144, %dot_general3A_99 : vector<1000x8xf32>
    %max3A_146 = arith.maximumf %max3A_145, %dot_general3A_110 : vector<1000x8xf32>
    %max3A_147 = arith.maximumf %max3A_146, %dot_general3A_121 : vector<1000x8xf32>
    %max3A_148 = arith.maximumf %max3A_147, %dot_general3A_132 : vector<1000x8xf32>
    %max3A_149 = arith.maximumf %max3A_148, %dot_general3A_143 : vector<1000x8xf32>
    %broadcast_in_dim3A = arith.constant 0.000000e+00 : f32
    %broadcast_in_dim3A_150 = vector.broadcast %broadcast_in_dim3A : f32 to vector<1000x8xf32>
    %broadcast_in_dim3A_151 = arith.constant 0.000000e+00 : f32
    %broadcast_in_dim3A_152 = vector.broadcast %broadcast_in_dim3A_151 : f32 to vector<1000x8xf32>
    %iota3A = tpu.iota {dimensions = array<i32: 1>} : vector<1000x8xi32>
    %sub3A_153 = arith.subf %dot_general3A_66, %max3A_149 : vector<1000x8xf32>
    %exp3A = math.exp %sub3A_153 : vector<1000x8xf32>
    %add3A_154 = arith.addf %broadcast_in_dim3A_150, %exp3A : vector<1000x8xf32>
    %eq3A = arith.constant 0 : i32
    %eq3A_155 = vector.broadcast %eq3A : i32 to vector<1000x8xi32>
    %eq3A_156 = arith.cmpi eq, %iota3A, %eq3A_155 : vector<1000x8xi32>
    %convert_element_type3A = arith.extui %eq3A_156 : vector<1000x8xi1> to vector<1000x8xi32>
    %convert_element_type3A_157 = arith.sitofp %convert_element_type3A : vector<1000x8xi32> to vector<1000x8xf32>
    %mul3A_158 = arith.mulf %exp3A, %convert_element_type3A_157 : vector<1000x8xf32>
    %add3A_159 = arith.addf %broadcast_in_dim3A_152, %mul3A_158 : vector<1000x8xf32>
    %sub3A_160 = arith.subf %dot_general3A_77, %max3A_149 : vector<1000x8xf32>
    %exp3A_161 = math.exp %sub3A_160 : vector<1000x8xf32>
    %add3A_162 = arith.addf %add3A_154, %exp3A_161 : vector<1000x8xf32>
    %eq3A_163 = arith.constant 1 : i32
    %eq3A_164 = vector.broadcast %eq3A_163 : i32 to vector<1000x8xi32>
    %eq3A_165 = arith.cmpi eq, %iota3A, %eq3A_164 : vector<1000x8xi32>
    %convert_element_type3A_166 = arith.extui %eq3A_165 : vector<1000x8xi1> to vector<1000x8xi32>
    %convert_element_type3A_167 = arith.sitofp %convert_element_type3A_166 : vector<1000x8xi32> to vector<1000x8xf32>
    %mul3A_168 = arith.mulf %exp3A_161, %convert_element_type3A_167 : vector<1000x8xf32>
    %add3A_169 = arith.addf %add3A_159, %mul3A_168 : vector<1000x8xf32>
    %sub3A_170 = arith.subf %dot_general3A_88, %max3A_149 : vector<1000x8xf32>
    %exp3A_171 = math.exp %sub3A_170 : vector<1000x8xf32>
    %add3A_172 = arith.addf %add3A_162, %exp3A_171 : vector<1000x8xf32>
    %eq3A_173 = arith.constant 2 : i32
    %eq3A_174 = vector.broadcast %eq3A_173 : i32 to vector<1000x8xi32>
    %eq3A_175 = arith.cmpi eq, %iota3A, %eq3A_174 : vector<1000x8xi32>
    %convert_element_type3A_176 = arith.extui %eq3A_175 : vector<1000x8xi1> to vector<1000x8xi32>
    %convert_element_type3A_177 = arith.sitofp %convert_element_type3A_176 : vector<1000x8xi32> to vector<1000x8xf32>
    %mul3A_178 = arith.mulf %exp3A_171, %convert_element_type3A_177 : vector<1000x8xf32>
    %add3A_179 = arith.addf %add3A_169, %mul3A_178 : vector<1000x8xf32>
    %sub3A_180 = arith.subf %dot_general3A_99, %max3A_149 : vector<1000x8xf32>
    %exp3A_181 = math.exp %sub3A_180 : vector<1000x8xf32>
    %add3A_182 = arith.addf %add3A_172, %exp3A_181 : vector<1000x8xf32>
    %eq3A_183 = arith.constant 3 : i32
    %eq3A_184 = vector.broadcast %eq3A_183 : i32 to vector<1000x8xi32>
    %eq3A_185 = arith.cmpi eq, %iota3A, %eq3A_184 : vector<1000x8xi32>
    %convert_element_type3A_186 = arith.extui %eq3A_185 : vector<1000x8xi1> to vector<1000x8xi32>
    %convert_element_type3A_187 = arith.sitofp %convert_element_type3A_186 : vector<1000x8xi32> to vector<1000x8xf32>
    %mul3A_188 = arith.mulf %exp3A_181, %convert_element_type3A_187 : vector<1000x8xf32>
    %add3A_189 = arith.addf %add3A_179, %mul3A_188 : vector<1000x8xf32>
    %sub3A_190 = arith.subf %dot_general3A_110, %max3A_149 : vector<1000x8xf32>
    %exp3A_191 = math.exp %sub3A_190 : vector<1000x8xf32>
    %add3A_192 = arith.addf %add3A_182, %exp3A_191 : vector<1000x8xf32>
    %eq3A_193 = arith.constant 4 : i32
    %eq3A_194 = vector.broadcast %eq3A_193 : i32 to vector<1000x8xi32>
    %eq3A_195 = arith.cmpi eq, %iota3A, %eq3A_194 : vector<1000x8xi32>
    %convert_element_type3A_196 = arith.extui %eq3A_195 : vector<1000x8xi1> to vector<1000x8xi32>
    %convert_element_type3A_197 = arith.sitofp %convert_element_type3A_196 : vector<1000x8xi32> to vector<1000x8xf32>
    %mul3A_198 = arith.mulf %exp3A_191, %convert_element_type3A_197 : vector<1000x8xf32>
    %add3A_199 = arith.addf %add3A_189, %mul3A_198 : vector<1000x8xf32>
    %sub3A_200 = arith.subf %dot_general3A_121, %max3A_149 : vector<1000x8xf32>
    %exp3A_201 = math.exp %sub3A_200 : vector<1000x8xf32>
    %add3A_202 = arith.addf %add3A_192, %exp3A_201 : vector<1000x8xf32>
    %eq3A_203 = arith.constant 5 : i32
    %eq3A_204 = vector.broadcast %eq3A_203 : i32 to vector<1000x8xi32>
    %eq3A_205 = arith.cmpi eq, %iota3A, %eq3A_204 : vector<1000x8xi32>
    %convert_element_type3A_206 = arith.extui %eq3A_205 : vector<1000x8xi1> to vector<1000x8xi32>
    %convert_element_type3A_207 = arith.sitofp %convert_element_type3A_206 : vector<1000x8xi32> to vector<1000x8xf32>
    %mul3A_208 = arith.mulf %exp3A_201, %convert_element_type3A_207 : vector<1000x8xf32>
    %add3A_209 = arith.addf %add3A_199, %mul3A_208 : vector<1000x8xf32>
    %sub3A_210 = arith.subf %dot_general3A_132, %max3A_149 : vector<1000x8xf32>
    %exp3A_211 = math.exp %sub3A_210 : vector<1000x8xf32>
    %add3A_212 = arith.addf %add3A_202, %exp3A_211 : vector<1000x8xf32>
    %eq3A_213 = arith.constant 6 : i32
    %eq3A_214 = vector.broadcast %eq3A_213 : i32 to vector<1000x8xi32>
    %eq3A_215 = arith.cmpi eq, %iota3A, %eq3A_214 : vector<1000x8xi32>
    %convert_element_type3A_216 = arith.extui %eq3A_215 : vector<1000x8xi1> to vector<1000x8xi32>
    %convert_element_type3A_217 = arith.sitofp %convert_element_type3A_216 : vector<1000x8xi32> to vector<1000x8xf32>
    %mul3A_218 = arith.mulf %exp3A_211, %convert_element_type3A_217 : vector<1000x8xf32>
    %add3A_219 = arith.addf %add3A_209, %mul3A_218 : vector<1000x8xf32>
    %sub3A_220 = arith.subf %dot_general3A_143, %max3A_149 : vector<1000x8xf32>
    %exp3A_221 = math.exp %sub3A_220 : vector<1000x8xf32>
    %add3A_222 = arith.addf %add3A_212, %exp3A_221 : vector<1000x8xf32>
    %eq3A_223 = arith.constant 7 : i32
    %eq3A_224 = vector.broadcast %eq3A_223 : i32 to vector<1000x8xi32>
    %eq3A_225 = arith.cmpi eq, %iota3A, %eq3A_224 : vector<1000x8xi32>
    %convert_element_type3A_226 = arith.extui %eq3A_225 : vector<1000x8xi1> to vector<1000x8xi32>
    %convert_element_type3A_227 = arith.sitofp %convert_element_type3A_226 : vector<1000x8xi32> to vector<1000x8xf32>
    %mul3A_228 = arith.mulf %exp3A_221, %convert_element_type3A_227 : vector<1000x8xf32>
    %add3A_229 = arith.addf %add3A_219, %mul3A_228 : vector<1000x8xf32>
    %div3A = arith.divf %add3A_229, %add3A_222 : vector<1000x8xf32>
    %sub3A_230 = arith.constant 1.000000e+00 : f32
    %sub3A_231 = vector.broadcast %sub3A_230 : f32 to vector<1000x8xf32>
    %sub3A_232 = arith.subf %sub3A_231, %div3A : vector<1000x8xf32>
    %reduce_sum3A = vector.shape_cast %sub3A_232 : vector<1000x8xf32> to vector<1x1000x8xf32>
    %reduce_sum3A_233 = arith.constant dense<0.000000e+00> : vector<1xf32>
    %reduce_sum3A_234 = vector.multi_reduction <add>, %reduce_sum3A, %reduce_sum3A_233 [1, 2] : vector<1x1000x8xf32> to vector<1xf32>
    %reduce_sum3A_235 = vector.shape_cast %reduce_sum3A_234 : vector<1xf32> to vector<1x1x1xf32>
    %reduce_sum3A_236 = vector.extract %reduce_sum3A_235[0, 0, 0] : f32 from vector<1x1x1xf32>
    %reshape3A = vector.broadcast %reduce_sum3A_236 : f32 to vector<1x1xf32>
    %eq3A_237 = arith.constant 0 : i32
    %eq3A_238 = arith.cmpi eq, %arg0, %eq3A_237 : i32
    %convert_element_type3A_239 = arith.extui %eq3A_238 : i1 to i32
    %cond3A = arith.constant 0 : i32
    %cond3A_240 = arith.cmpi ne, %convert_element_type3A_239, %cond3A : i32
    scf.if %cond3A_240 {
      %broadcast_in_dim3A_265 = arith.constant 0.000000e+00 : f32
      %broadcast_in_dim3A_266 = vector.broadcast %broadcast_in_dim3A_265 : f32 to vector<1x1xf32>
      %swap3A_267 = arith.constant 0 : index
      %swap3A_268 = arith.constant 0 : index
      %swap3A_269 = vector.load %arg12[%swap3A_267, %swap3A_268] : memref<1x1xf32, #tpu.memory_space<vmem>>, vector<1x1xf32>
      tpu.vector_store %arg12[%swap3A_267, %swap3A_268], %broadcast_in_dim3A_266 {strides = array<i32>} : memref<1x1xf32, #tpu.memory_space<vmem>>, vector<1x1xf32>,
    } else {
    }
    %get3A_241 = arith.constant 0 : index
    %get3A_242 = arith.constant 0 : index
    %get3A_243 = vector.load %arg12[%get3A_241, %get3A_242] : memref<1x1xf32, #tpu.memory_space<vmem>>, vector<1x1xf32>
    %add3A_244 = arith.addf %get3A_243, %reshape3A : vector<1x1xf32>
    %swap3A = arith.constant 0 : index
    %swap3A_245 = arith.constant 0 : index
    %swap3A_246 = vector.load %arg12[%swap3A, %swap3A_245] : memref<1x1xf32, #tpu.memory_space<vmem>>, vector<1x1xf32>
    tpu.vector_store %arg12[%swap3A, %swap3A_245], %add3A_244 {strides = array<i32>} : memref<1x1xf32, #tpu.memory_space<vmem>>, vector<1x1xf32>,
    %max3A_247 = arith.constant 0.000000e+00 : f32
    %max3A_248 = vector.broadcast %max3A_247 : f32 to vector<1000x128xf32>
    %max3A_249 = arith.maximumf %add3A_15, %max3A_248 : vector<1000x128xf32>
    %mul3A_250 = arith.mulf %max3A_249, %max3A_249 : vector<1000x128xf32>
    %dot_general3A_251 = arith.constant dense<0.000000e+00> : vector<1000x8xf32>
    %dot_general3A_252 = tpu.matmul %mul3A_250, %get3A_4, %dot_general3A_251 {dimension_numbers = #tpu.dot_dimension_numbers<[1], [0], [0], [1], [0, 0, 1, 1], [], []>, precision = #tpu.contract_precision<fp32>, transpose_lhs_hint = false} : vector<1000x128xf32>, vector<128x8xf32>, vector<1000x8xf32> -> vector<1000x8xf32>
    %sqrt3A = math.sqrt %dot_general3A_252 : vector<1000x8xf32>
    %max3A_253 = arith.constant 9.99999996E-13 : f32
    %max3A_254 = vector.broadcast %max3A_253 : f32 to vector<1000x8xf32>
    %max3A_255 = arith.maximumf %sqrt3A, %max3A_254 : vector<1000x8xf32>
    %div3A_256 = arith.constant 1.000000e+00 : f32
    %div3A_257 = vector.broadcast %div3A_256 : f32 to vector<1000x8xf32>
    %div3A_258 = arith.divf %div3A_257, %max3A_255 : vector<1000x8xf32>
    %dot_general3A_259 = arith.constant dense<0.000000e+00> : vector<1000x128xf32>
    %dot_general3A_260 = tpu.matmul %div3A_258, %get3A_7, %dot_general3A_259 {dimension_numbers = #tpu.dot_dimension_numbers<[1], [0], [0], [1], [0, 0, 1, 1], [], []>, precision = #tpu.contract_precision<fp32>, transpose_lhs_hint = false} : vector<1000x8xf32>, vector<8x128xf32>, vector<1000x128xf32> -> vector<1000x128xf32>
    %mul3A_261 = arith.mulf %max3A_249, %dot_general3A_260 : vector<1000x128xf32>
    %swap3A_262 = arith.constant 0 : index
    %swap3A_263 = arith.constant 0 : index
    %swap3A_264 = vector.load %arg11[%swap3A_262, %swap3A_263] : memref<1000x128xf32, #tpu.memory_space<vmem>>, vector<1000x128xf32>
    tpu.vector_store %arg11[%swap3A_262, %swap3A_263], %mul3A_261 {strides = array<i32>} : memref<1000x128xf32, #tpu.memory_space<vmem>>, vector<1000x128xf32>,
    return
  }
  func.func @transform_0(%arg0: i32) -> (i32, i32) {
    %c0_i32 = arith.constant 0 : i32
    %c0_i32_0 = arith.constant 0 : i32
    return %arg0, %c0_i32 : i32, i32
  }
  func.func @transform_1(%arg0: i32) -> (i32, i32) {
    %c0_i32 = arith.constant 0 : i32
    %c0_i32_0 = arith.constant 0 : i32
    %c0_i32_1 = arith.constant 0 : i32
    return %c0_i32, %c0_i32_0 : i32, i32
  }
  func.func @transform_2(%arg0: i32) -> (i32, i32) {
    %c0_i32 = arith.constant 0 : i32
    %c0_i32_0 = arith.constant 0 : i32
    %c0_i32_1 = arith.constant 0 : i32
    return %c0_i32, %c0_i32_0 : i32, i32
  }
  func.func @transform_3(%arg0: i32) -> (i32, i32) {
    %c0_i32 = arith.constant 0 : i32
    %c0_i32_0 = arith.constant 0 : i32
    %c0_i32_1 = arith.constant 0 : i32
    return %c0_i32, %c0_i32_0 : i32, i32
  }
  func.func @transform_4(%arg0: i32) -> (i32, i32) {
    %c0_i32 = arith.constant 0 : i32
    %c0_i32_0 = arith.constant 0 : i32
    %c0_i32_1 = arith.constant 0 : i32
    return %c0_i32, %c0_i32_0 : i32, i32
  }
  func.func @transform_5(%arg0: i32) -> (i32, i32) {
    %c0_i32 = arith.constant 0 : i32
    %c0_i32_0 = arith.constant 0 : i32
    %c0_i32_1 = arith.constant 0 : i32
    return %c0_i32, %c0_i32_0 : i32, i32
  }
  func.func @transform_6(%arg0: i32) -> (i32, i32) {
    %c0_i32 = arith.constant 0 : i32
    %c0_i32_0 = arith.constant 0 : i32
    %c0_i32_1 = arith.constant 0 : i32
    return %c0_i32, %c0_i32_0 : i32, i32
  }
  func.func @transform_7(%arg0: i32) -> (i32, i32) {
    %c0_i32 = arith.constant 0 : i32
    %c0_i32_0 = arith.constant 0 : i32
    %c0_i32_1 = arith.constant 0 : i32
    return %c0_i32, %c0_i32_0 : i32, i32
  }
  func.func @transform_8(%arg0: i32) -> (i32, i32) {
    %c0_i32 = arith.constant 0 : i32
    %c0_i32_0 = arith.constant 0 : i32
    %c0_i32_1 = arith.constant 0 : i32
    return %c0_i32, %c0_i32_0 : i32, i32
  }
  func.func @transform_9(%arg0: i32) -> (i32, i32) {
    %c0_i32 = arith.constant 0 : i32
    %c0_i32_0 = arith.constant 0 : i32
    %c0_i32_1 = arith.constant 0 : i32
    return %c0_i32, %c0_i32_0 : i32, i32
  }
  func.func @transform_10(%arg0: i32) -> (i32, i32) {
    %c0_i32 = arith.constant 0 : i32
    %c0_i32_0 = arith.constant 0 : i32
    return %arg0, %c0_i32 : i32, i32
  }
  func.func @transform_11(%arg0: i32) -> (i32, i32) {
    %c0_i32 = arith.constant 0 : i32
    %c0_i32_0 = arith.constant 0 : i32
    %c0_i32_1 = arith.constant 0 : i32
    return %c0_i32, %c0_i32_0 : i32, i32
  }
}

module attributes {stable_mosaic.version = 14 : i64} {
  func.func @_routing_body(%arg0: i32, %arg1: memref<32x512x128xf32, #tpu.memory_space<vmem>>, %arg2: memref<512x128xf32, #tpu.memory_space<vmem>>, %arg3: memref<128x8xf32, #tpu.memory_space<vmem>>, %arg4: memref<8x128xf32, #tpu.memory_space<vmem>>, %arg5: memref<128x128xf32, #tpu.memory_space<vmem>>, %arg6: memref<512x128xf32, #tpu.memory_space<vmem>>) attributes {dimension_semantics = [#tpu.dimension_semantics<arbitrary>], iteration_bounds = array<i64: 20>, scalar_prefetch = 0 : i64, scratch_operands = 0 : i64, tpu.core_type = #tpu.core_type<tc>, window_params = [{transform_indices = @transform_0, window_bounds = array<i64: 32, 512, 128>}, {transform_indices = @transform_1, window_bounds = array<i64: 512, 128>}, {pipeline_mode = #tpu.pipeline_mode<synchronous>, transform_indices = @transform_2, window_bounds = array<i64: 128, 8>}, {pipeline_mode = #tpu.pipeline_mode<synchronous>, transform_indices = @transform_3, window_bounds = array<i64: 8, 128>}, {pipeline_mode = #tpu.pipeline_mode<synchronous>, transform_indices = @transform_4, window_bounds = array<i64: 128, 128>}, {transform_indices = @transform_5, window_bounds = array<i64: 512, 128>}]} {
    %get3A = arith.constant 0 : index
    %get3A_0 = arith.constant 0 : index
    %get3A_1 = vector.load %arg2[%get3A, %get3A_0] : memref<512x128xf32, #tpu.memory_space<vmem>>, vector<512x128xf32>
    %get3A_2 = arith.constant 0 : index
    %get3A_3 = arith.constant 0 : index
    %get3A_4 = vector.load %arg3[%get3A_2, %get3A_3] : memref<128x8xf32, #tpu.memory_space<vmem>>, vector<128x8xf32>
    %get3A_5 = arith.constant 0 : index
    %get3A_6 = arith.constant 0 : index
    %get3A_7 = vector.load %arg4[%get3A_5, %get3A_6] : memref<8x128xf32, #tpu.memory_space<vmem>>, vector<8x128xf32>
    %broadcast_in_dim3A = arith.constant 0.000000e+00 : f32
    %broadcast_in_dim3A_8 = vector.broadcast %broadcast_in_dim3A : f32 to vector<512x128xf32>
    %scan3A = arith.constant 0 : i32
    %scan3A_9 = arith.constant 4 : i32
    %scan3A_10 = arith.addi %scan3A, %scan3A_9 : i32
    %scan3A_11 = arith.constant 1 : i32
    %scan3A_12 = scf.for %scan3A_57 = %scan3A to %scan3A_10 step %scan3A_11 iter_args(%scan3A_58 = %broadcast_in_dim3A_8) -> (vector<512x128xf32>)  : i32 {
      %mul3A_59 = arith.constant 8 : i32
      %mul3A_60 = arith.muli %scan3A_57, %mul3A_59 : i32
      %get3A_61 = arith.index_cast %mul3A_60 : i32 to index
      %get3A_62 = arith.constant 0 : index
      %get3A_63 = arith.constant 0 : index
      %get3A_64 = vector.load %arg1[%get3A_61, %get3A_62, %get3A_63] : memref<32x512x128xf32, #tpu.memory_space<vmem>>, vector<8x512x128xf32>
      %reduce_sum3A = arith.constant dense<0.000000e+00> : vector<512x128xf32>
      %reduce_sum3A_65 = vector.multi_reduction <add>, %get3A_64, %reduce_sum3A [0] : vector<8x512x128xf32> to vector<512x128xf32>
      %add3A_66 = arith.addf %scan3A_58, %reduce_sum3A_65 : vector<512x128xf32>
      scf.yield %add3A_66 : vector<512x128xf32>
    }
    %scan3A_13 = arith.constant 4 : i32
    %mul3A = arith.constant 1.250000e-01 : f32
    %mul3A_14 = vector.broadcast %mul3A : f32 to vector<512x128xf32>
    %mul3A_15 = arith.mulf %scan3A_12, %mul3A_14 : vector<512x128xf32>
    %add3A = arith.addf %mul3A_15, %get3A_1 : vector<512x128xf32>
    %mul3A_16 = arith.mulf %add3A, %add3A : vector<512x128xf32>
    %dot_general3A = arith.constant dense<0.000000e+00> : vector<512x8xf32>
    %dot_general3A_17 = tpu.matmul %mul3A_16, %get3A_4, %dot_general3A {dimension_numbers = #tpu.dot_dimension_numbers<[1], [0], [0], [1], [0, 0, 1, 1], [], []>, precision = #tpu.contract_precision<fp32>, transpose_lhs_hint = false} : vector<512x128xf32>, vector<128x8xf32>, vector<512x8xf32> -> vector<512x8xf32>
    %sqrt3A = math.sqrt %dot_general3A_17 : vector<512x8xf32>
    %max3A = arith.constant 9.99999996E-13 : f32
    %max3A_18 = vector.broadcast %max3A : f32 to vector<512x8xf32>
    %max3A_19 = arith.maximumf %sqrt3A, %max3A_18 : vector<512x8xf32>
    %div3A = arith.constant 1.000000e+00 : f32
    %div3A_20 = vector.broadcast %div3A : f32 to vector<512x8xf32>
    %div3A_21 = arith.divf %div3A_20, %max3A_19 : vector<512x8xf32>
    %dot_general3A_22 = arith.constant dense<0.000000e+00> : vector<512x128xf32>
    %dot_general3A_23 = tpu.matmul %div3A_21, %get3A_7, %dot_general3A_22 {dimension_numbers = #tpu.dot_dimension_numbers<[1], [0], [0], [1], [0, 0, 1, 1], [], []>, precision = #tpu.contract_precision<fp32>, transpose_lhs_hint = false} : vector<512x8xf32>, vector<8x128xf32>, vector<512x128xf32> -> vector<512x128xf32>
    %mul3A_24 = arith.mulf %add3A, %dot_general3A_23 : vector<512x128xf32>
    %scan3A_25 = arith.constant 0 : i32
    %scan3A_26 = arith.constant 4 : i32
    %scan3A_27 = arith.addi %scan3A_25, %scan3A_26 : i32
    %scan3A_28 = arith.constant 1 : i32
    %scan3A_29 = scf.for %scan3A_57 = %scan3A_25 to %scan3A_27 step %scan3A_28 iter_args(%scan3A_58 = %mul3A_24) -> (vector<512x128xf32>)  : i32 {
      %broadcast_in_dim3A_59 = arith.constant 0.000000e+00 : f32
      %broadcast_in_dim3A_60 = vector.broadcast %broadcast_in_dim3A_59 : f32 to vector<512x128xf32>
      %scan3A_61 = arith.constant 0 : i32
      %scan3A_62 = arith.constant 4 : i32
      %scan3A_63 = arith.addi %scan3A_61, %scan3A_62 : i32
      %scan3A_64 = arith.constant 1 : i32
      %scan3A_65 = scf.for %scan3A_81 = %scan3A_61 to %scan3A_63 step %scan3A_64 iter_args(%scan3A_82 = %broadcast_in_dim3A_60) -> (vector<512x128xf32>)  : i32 {
        %mul3A_83 = arith.constant 8 : i32
        %mul3A_84 = arith.muli %scan3A_81, %mul3A_83 : i32
        %get3A_85 = arith.index_cast %mul3A_84 : i32 to index
        %get3A_86 = arith.constant 0 : index
        %get3A_87 = arith.constant 0 : index
        %get3A_88 = vector.load %arg1[%get3A_85, %get3A_86, %get3A_87] : memref<32x512x128xf32, #tpu.memory_space<vmem>>, vector<8x512x128xf32>
        %broadcast_in_dim3A_89 = vector.shape_cast %scan3A_58 : vector<512x128xf32> to vector<1x512x128xf32>
        %mul3A_90 = vector.broadcast %broadcast_in_dim3A_89 : vector<1x512x128xf32> to vector<8x512x128xf32>
        %mul3A_91 = arith.mulf %get3A_88, %mul3A_90 : vector<8x512x128xf32>
        %reshape3A = vector.shape_cast %mul3A_91 : vector<8x512x128xf32> to vector<4096x128xf32>
        %dot_general3A_92 = arith.constant dense<0.000000e+00> : vector<4096x8xf32>
        %dot_general3A_93 = tpu.matmul %reshape3A, %get3A_4, %dot_general3A_92 {dimension_numbers = #tpu.dot_dimension_numbers<[1], [0], [0], [1], [0, 0, 1, 1], [], []>, precision = #tpu.contract_precision<fp32>, transpose_lhs_hint = false} : vector<4096x128xf32>, vector<128x8xf32>, vector<4096x8xf32> -> vector<4096x8xf32>
        %reduce_max3A = arith.constant dense<0xFF800000> : vector<4096xf32>
        %reduce_max3A_94 = vector.multi_reduction <maximumf>, %dot_general3A_93, %reduce_max3A [1] : vector<4096x8xf32> to vector<4096xf32>
        %broadcast_in_dim3A_95 = vector.shape_cast %reduce_max3A_94 : vector<4096xf32> to vector<4096x1xf32>
        %sub3A = vector.broadcast %broadcast_in_dim3A_95 : vector<4096x1xf32> to vector<4096x8xf32>
        %sub3A_96 = arith.subf %dot_general3A_93, %sub3A : vector<4096x8xf32>
        %exp3A = math.exp %sub3A_96 : vector<4096x8xf32>
        %reduce_sum3A = arith.constant dense<0.000000e+00> : vector<4096xf32>
        %reduce_sum3A_97 = vector.multi_reduction <add>, %exp3A, %reduce_sum3A [1] : vector<4096x8xf32> to vector<4096xf32>
        %broadcast_in_dim3A_98 = vector.shape_cast %reduce_sum3A_97 : vector<4096xf32> to vector<4096x1xf32>
        %div3A_99 = vector.broadcast %broadcast_in_dim3A_98 : vector<4096x1xf32> to vector<4096x8xf32>
        %div3A_100 = arith.divf %exp3A, %div3A_99 : vector<4096x8xf32>
        %dot_general3A_101 = arith.constant dense<0.000000e+00> : vector<4096x128xf32>
        %dot_general3A_102 = tpu.matmul %div3A_100, %get3A_7, %dot_general3A_101 {dimension_numbers = #tpu.dot_dimension_numbers<[1], [0], [0], [1], [0, 0, 1, 1], [], []>, precision = #tpu.contract_precision<fp32>, transpose_lhs_hint = false} : vector<4096x8xf32>, vector<8x128xf32>, vector<4096x128xf32> -> vector<4096x128xf32>
        %reshape3A_103 = vector.shape_cast %dot_general3A_102 : vector<4096x128xf32> to vector<8x512x128xf32>
        %mul3A_104 = arith.mulf %get3A_88, %reshape3A_103 : vector<8x512x128xf32>
        %reduce_sum3A_105 = arith.constant dense<0.000000e+00> : vector<512x128xf32>
        %reduce_sum3A_106 = vector.multi_reduction <add>, %mul3A_104, %reduce_sum3A_105 [0] : vector<8x512x128xf32> to vector<512x128xf32>
        %add3A_107 = arith.addf %scan3A_82, %reduce_sum3A_106 : vector<512x128xf32>
        scf.yield %add3A_107 : vector<512x128xf32>
      }
      %scan3A_66 = arith.constant 4 : i32
      %add3A_67 = arith.addf %scan3A_65, %get3A_1 : vector<512x128xf32>
      %mul3A_68 = arith.mulf %add3A_67, %add3A_67 : vector<512x128xf32>
      %dot_general3A_69 = arith.constant dense<0.000000e+00> : vector<512x8xf32>
      %dot_general3A_70 = tpu.matmul %mul3A_68, %get3A_4, %dot_general3A_69 {dimension_numbers = #tpu.dot_dimension_numbers<[1], [0], [0], [1], [0, 0, 1, 1], [], []>, precision = #tpu.contract_precision<fp32>, transpose_lhs_hint = false} : vector<512x128xf32>, vector<128x8xf32>, vector<512x8xf32> -> vector<512x8xf32>
      %sqrt3A_71 = math.sqrt %dot_general3A_70 : vector<512x8xf32>
      %max3A_72 = arith.constant 9.99999996E-13 : f32
      %max3A_73 = vector.broadcast %max3A_72 : f32 to vector<512x8xf32>
      %max3A_74 = arith.maximumf %sqrt3A_71, %max3A_73 : vector<512x8xf32>
      %div3A_75 = arith.constant 1.000000e+00 : f32
      %div3A_76 = vector.broadcast %div3A_75 : f32 to vector<512x8xf32>
      %div3A_77 = arith.divf %div3A_76, %max3A_74 : vector<512x8xf32>
      %dot_general3A_78 = arith.constant dense<0.000000e+00> : vector<512x128xf32>
      %dot_general3A_79 = tpu.matmul %div3A_77, %get3A_7, %dot_general3A_78 {dimension_numbers = #tpu.dot_dimension_numbers<[1], [0], [0], [1], [0, 0, 1, 1], [], []>, precision = #tpu.contract_precision<fp32>, transpose_lhs_hint = false} : vector<512x8xf32>, vector<8x128xf32>, vector<512x128xf32> -> vector<512x128xf32>
      %mul3A_80 = arith.mulf %add3A_67, %dot_general3A_79 : vector<512x128xf32>
      scf.yield %mul3A_80 : vector<512x128xf32>
    }
    %broadcast_in_dim3A_30 = arith.constant 0.000000e+00 : f32
    %broadcast_in_dim3A_31 = vector.broadcast %broadcast_in_dim3A_30 : f32 to vector<512x128xf32>
    %scan3A_32 = arith.constant 0 : i32
    %scan3A_33 = arith.constant 4 : i32
    %scan3A_34 = arith.addi %scan3A_32, %scan3A_33 : i32
    %scan3A_35 = arith.constant 1 : i32
    %scan3A_36 = scf.for %scan3A_57 = %scan3A_32 to %scan3A_34 step %scan3A_35 iter_args(%scan3A_58 = %broadcast_in_dim3A_31) -> (vector<512x128xf32>)  : i32 {
      %mul3A_59 = arith.constant 8 : i32
      %mul3A_60 = arith.muli %scan3A_57, %mul3A_59 : i32
      %get3A_61 = arith.index_cast %mul3A_60 : i32 to index
      %get3A_62 = arith.constant 0 : index
      %get3A_63 = arith.constant 0 : index
      %get3A_64 = vector.load %arg1[%get3A_61, %get3A_62, %get3A_63] : memref<32x512x128xf32, #tpu.memory_space<vmem>>, vector<8x512x128xf32>
      %broadcast_in_dim3A_65 = vector.shape_cast %scan3A_29 : vector<512x128xf32> to vector<1x512x128xf32>
      %mul3A_66 = vector.broadcast %broadcast_in_dim3A_65 : vector<1x512x128xf32> to vector<8x512x128xf32>
      %mul3A_67 = arith.mulf %get3A_64, %mul3A_66 : vector<8x512x128xf32>
      %reshape3A = vector.shape_cast %mul3A_67 : vector<8x512x128xf32> to vector<4096x128xf32>
      %dot_general3A_68 = arith.constant dense<0.000000e+00> : vector<4096x8xf32>
      %dot_general3A_69 = tpu.matmul %reshape3A, %get3A_4, %dot_general3A_68 {dimension_numbers = #tpu.dot_dimension_numbers<[1], [0], [0], [1], [0, 0, 1, 1], [], []>, precision = #tpu.contract_precision<fp32>, transpose_lhs_hint = false} : vector<4096x128xf32>, vector<128x8xf32>, vector<4096x8xf32> -> vector<4096x8xf32>
      %reduce_max3A = arith.constant dense<0xFF800000> : vector<4096xf32>
      %reduce_max3A_70 = vector.multi_reduction <maximumf>, %dot_general3A_69, %reduce_max3A [1] : vector<4096x8xf32> to vector<4096xf32>
      %broadcast_in_dim3A_71 = vector.shape_cast %reduce_max3A_70 : vector<4096xf32> to vector<4096x1xf32>
      %sub3A = vector.broadcast %broadcast_in_dim3A_71 : vector<4096x1xf32> to vector<4096x8xf32>
      %sub3A_72 = arith.subf %dot_general3A_69, %sub3A : vector<4096x8xf32>
      %exp3A = math.exp %sub3A_72 : vector<4096x8xf32>
      %reduce_sum3A = arith.constant dense<0.000000e+00> : vector<4096xf32>
      %reduce_sum3A_73 = vector.multi_reduction <add>, %exp3A, %reduce_sum3A [1] : vector<4096x8xf32> to vector<4096xf32>
      %broadcast_in_dim3A_74 = vector.shape_cast %reduce_sum3A_73 : vector<4096xf32> to vector<4096x1xf32>
      %div3A_75 = vector.broadcast %broadcast_in_dim3A_74 : vector<4096x1xf32> to vector<4096x8xf32>
      %div3A_76 = arith.divf %exp3A, %div3A_75 : vector<4096x8xf32>
      %dot_general3A_77 = arith.constant dense<0.000000e+00> : vector<4096x128xf32>
      %dot_general3A_78 = tpu.matmul %div3A_76, %get3A_7, %dot_general3A_77 {dimension_numbers = #tpu.dot_dimension_numbers<[1], [0], [0], [1], [0, 0, 1, 1], [], []>, precision = #tpu.contract_precision<fp32>, transpose_lhs_hint = false} : vector<4096x8xf32>, vector<8x128xf32>, vector<4096x128xf32> -> vector<4096x128xf32>
      %reshape3A_79 = vector.shape_cast %dot_general3A_78 : vector<4096x128xf32> to vector<8x512x128xf32>
      %mul3A_80 = arith.mulf %get3A_64, %reshape3A_79 : vector<8x512x128xf32>
      %reduce_sum3A_81 = arith.constant dense<0.000000e+00> : vector<512x128xf32>
      %reduce_sum3A_82 = vector.multi_reduction <add>, %mul3A_80, %reduce_sum3A_81 [0] : vector<8x512x128xf32> to vector<512x128xf32>
      %add3A_83 = arith.addf %scan3A_58, %reduce_sum3A_82 : vector<512x128xf32>
      scf.yield %add3A_83 : vector<512x128xf32>
    }
    %scan3A_37 = arith.constant 4 : i32
    %add3A_38 = arith.addf %scan3A_36, %get3A_1 : vector<512x128xf32>
    %max3A_39 = arith.constant 0.000000e+00 : f32
    %max3A_40 = vector.broadcast %max3A_39 : f32 to vector<512x128xf32>
    %max3A_41 = arith.maximumf %add3A_38, %max3A_40 : vector<512x128xf32>
    %mul3A_42 = arith.mulf %max3A_41, %max3A_41 : vector<512x128xf32>
    %dot_general3A_43 = arith.constant dense<0.000000e+00> : vector<512x8xf32>
    %dot_general3A_44 = tpu.matmul %mul3A_42, %get3A_4, %dot_general3A_43 {dimension_numbers = #tpu.dot_dimension_numbers<[1], [0], [0], [1], [0, 0, 1, 1], [], []>, precision = #tpu.contract_precision<fp32>, transpose_lhs_hint = false} : vector<512x128xf32>, vector<128x8xf32>, vector<512x8xf32> -> vector<512x8xf32>
    %sqrt3A_45 = math.sqrt %dot_general3A_44 : vector<512x8xf32>
    %max3A_46 = arith.constant 9.99999996E-13 : f32
    %max3A_47 = vector.broadcast %max3A_46 : f32 to vector<512x8xf32>
    %max3A_48 = arith.maximumf %sqrt3A_45, %max3A_47 : vector<512x8xf32>
    %div3A_49 = arith.constant 1.000000e+00 : f32
    %div3A_50 = vector.broadcast %div3A_49 : f32 to vector<512x8xf32>
    %div3A_51 = arith.divf %div3A_50, %max3A_48 : vector<512x8xf32>
    %dot_general3A_52 = arith.constant dense<0.000000e+00> : vector<512x128xf32>
    %dot_general3A_53 = tpu.matmul %div3A_51, %get3A_7, %dot_general3A_52 {dimension_numbers = #tpu.dot_dimension_numbers<[1], [0], [0], [1], [0, 0, 1, 1], [], []>, precision = #tpu.contract_precision<fp32>, transpose_lhs_hint = false} : vector<512x8xf32>, vector<8x128xf32>, vector<512x128xf32> -> vector<512x128xf32>
    %mul3A_54 = arith.mulf %max3A_41, %dot_general3A_53 : vector<512x128xf32>
    %swap3A = arith.constant 0 : index
    %swap3A_55 = arith.constant 0 : index
    %swap3A_56 = vector.load %arg6[%swap3A, %swap3A_55] : memref<512x128xf32, #tpu.memory_space<vmem>>, vector<512x128xf32>
    tpu.vector_store %arg6[%swap3A, %swap3A_55], %mul3A_54 {strides = array<i32>} : memref<512x128xf32, #tpu.memory_space<vmem>>, vector<512x128xf32>,
    return
  }
  func.func @transform_0(%arg0: i32) -> (i32, i32, i32) {
    %c0_i32 = arith.constant 0 : i32
    %c0_i32_0 = arith.constant 0 : i32
    %c0_i32_1 = arith.constant 0 : i32
    return %c0_i32, %arg0, %c0_i32_0 : i32, i32, i32
  }
  func.func @transform_1(%arg0: i32) -> (i32, i32) {
    %c0_i32 = arith.constant 0 : i32
    %c0_i32_0 = arith.constant 0 : i32
    return %arg0, %c0_i32 : i32, i32
  }
  func.func @transform_2(%arg0: i32) -> (i32, i32) {
    %c0_i32 = arith.constant 0 : i32
    %c0_i32_0 = arith.constant 0 : i32
    %c0_i32_1 = arith.constant 0 : i32
    return %c0_i32, %c0_i32_0 : i32, i32
  }
  func.func @transform_3(%arg0: i32) -> (i32, i32) {
    %c0_i32 = arith.constant 0 : i32
    %c0_i32_0 = arith.constant 0 : i32
    %c0_i32_1 = arith.constant 0 : i32
    return %c0_i32, %c0_i32_0 : i32, i32
  }
  func.func @transform_4(%arg0: i32) -> (i32, i32) {
    %c0_i32 = arith.constant 0 : i32
    %c0_i32_0 = arith.constant 0 : i32
    %c0_i32_1 = arith.constant 0 : i32
    return %c0_i32, %c0_i32_0 : i32, i32
  }
  func.func @transform_5(%arg0: i32) -> (i32, i32) {
    %c0_i32 = arith.constant 0 : i32
    %c0_i32_0 = arith.constant 0 : i32
    return %arg0, %c0_i32 : i32, i32
  }
}

module attributes {stable_mosaic.version = 14 : i64} {
  func.func @_routing_body(%arg0: i32, %arg1: memref<32x512x128xf32, #tpu.memory_space<vmem>>, %arg2: memref<512x128xf32, #tpu.memory_space<vmem>>, %arg3: memref<128x8xf32, #tpu.memory_space<vmem>>, %arg4: memref<8x128xf32, #tpu.memory_space<vmem>>, %arg5: memref<128x128xf32, #tpu.memory_space<vmem>>, %arg6: memref<512x128xf32, #tpu.memory_space<vmem>>, %arg7: memref<512x5x8xf32, #tpu.memory_space<vmem>>, %arg8: memref<512x128xf32, #tpu.memory_space<vmem>>) attributes {dimension_semantics = [#tpu.dimension_semantics<arbitrary>], iteration_bounds = array<i64: 20>, scalar_prefetch = 0 : i64, scratch_operands = 0 : i64, tpu.core_type = #tpu.core_type<tc>, window_params = [{transform_indices = @transform_0, window_bounds = array<i64: 32, 512, 128>}, {transform_indices = @transform_1, window_bounds = array<i64: 512, 128>}, {pipeline_mode = #tpu.pipeline_mode<synchronous>, transform_indices = @transform_2, window_bounds = array<i64: 128, 8>}, {pipeline_mode = #tpu.pipeline_mode<synchronous>, transform_indices = @transform_3, window_bounds = array<i64: 8, 128>}, {pipeline_mode = #tpu.pipeline_mode<synchronous>, transform_indices = @transform_4, window_bounds = array<i64: 128, 128>}, {transform_indices = @transform_5, window_bounds = array<i64: 512, 128>}, {transform_indices = @transform_6, window_bounds = array<i64: 512, 5, 8>}, {transform_indices = @transform_7, window_bounds = array<i64: 512, 128>}]} {
    %get3A = arith.constant 0 : index
    %get3A_0 = arith.constant 0 : index
    %get3A_1 = vector.load %arg2[%get3A, %get3A_0] : memref<512x128xf32, #tpu.memory_space<vmem>>, vector<512x128xf32>
    %get3A_2 = arith.constant 0 : index
    %get3A_3 = arith.constant 0 : index
    %get3A_4 = vector.load %arg3[%get3A_2, %get3A_3] : memref<128x8xf32, #tpu.memory_space<vmem>>, vector<128x8xf32>
    %get3A_5 = arith.constant 0 : index
    %get3A_6 = arith.constant 0 : index
    %get3A_7 = vector.load %arg4[%get3A_5, %get3A_6] : memref<8x128xf32, #tpu.memory_space<vmem>>, vector<8x128xf32>
    %broadcast_in_dim3A = arith.constant 0.000000e+00 : f32
    %broadcast_in_dim3A_8 = vector.broadcast %broadcast_in_dim3A : f32 to vector<512x128xf32>
    %scan3A = arith.constant 0 : i32
    %scan3A_9 = arith.constant 4 : i32
    %scan3A_10 = arith.addi %scan3A, %scan3A_9 : i32
    %scan3A_11 = arith.constant 1 : i32
    %scan3A_12 = scf.for %scan3A_210 = %scan3A to %scan3A_10 step %scan3A_11 iter_args(%scan3A_211 = %broadcast_in_dim3A_8) -> (vector<512x128xf32>)  : i32 {
      %mul3A_212 = arith.constant 8 : i32
      %mul3A_213 = arith.muli %scan3A_210, %mul3A_212 : i32
      %get3A_214 = arith.index_cast %mul3A_213 : i32 to index
      %get3A_215 = arith.constant 0 : index
      %get3A_216 = arith.constant 0 : index
      %get3A_217 = vector.load %arg1[%get3A_214, %get3A_215, %get3A_216] : memref<32x512x128xf32, #tpu.memory_space<vmem>>, vector<8x512x128xf32>
      %reduce_sum3A = arith.constant dense<0.000000e+00> : vector<512x128xf32>
      %reduce_sum3A_218 = vector.multi_reduction <add>, %get3A_217, %reduce_sum3A [0] : vector<8x512x128xf32> to vector<512x128xf32>
      %add3A_219 = arith.addf %scan3A_211, %reduce_sum3A_218 : vector<512x128xf32>
      scf.yield %add3A_219 : vector<512x128xf32>
    }
    %scan3A_13 = arith.constant 4 : i32
    %mul3A = arith.constant 1.250000e-01 : f32
    %mul3A_14 = vector.broadcast %mul3A : f32 to vector<512x128xf32>
    %mul3A_15 = arith.mulf %scan3A_12, %mul3A_14 : vector<512x128xf32>
    %add3A = arith.addf %mul3A_15, %get3A_1 : vector<512x128xf32>
    %mul3A_16 = arith.mulf %add3A, %add3A : vector<512x128xf32>
    %dot_general3A = arith.constant dense<0.000000e+00> : vector<512x8xf32>
    %dot_general3A_17 = tpu.matmul %mul3A_16, %get3A_4, %dot_general3A {dimension_numbers = #tpu.dot_dimension_numbers<[1], [0], [0], [1], [0, 0, 1, 1], [], []>, precision = #tpu.contract_precision<fp32>, transpose_lhs_hint = false} : vector<512x128xf32>, vector<128x8xf32>, vector<512x8xf32> -> vector<512x8xf32>
    %sqrt3A = math.sqrt %dot_general3A_17 : vector<512x8xf32>
    %max3A = arith.constant 9.99999996E-13 : f32
    %max3A_18 = vector.broadcast %max3A : f32 to vector<512x8xf32>
    %max3A_19 = arith.maximumf %sqrt3A, %max3A_18 : vector<512x8xf32>
    %div3A = arith.constant 1.000000e+00 : f32
    %div3A_20 = vector.broadcast %div3A : f32 to vector<512x8xf32>
    %div3A_21 = arith.divf %div3A_20, %max3A_19 : vector<512x8xf32>
    %dot_general3A_22 = arith.constant dense<0.000000e+00> : vector<512x128xf32>
    %dot_general3A_23 = tpu.matmul %div3A_21, %get3A_7, %dot_general3A_22 {dimension_numbers = #tpu.dot_dimension_numbers<[1], [0], [0], [1], [0, 0, 1, 1], [], []>, precision = #tpu.contract_precision<fp32>, transpose_lhs_hint = false} : vector<512x8xf32>, vector<8x128xf32>, vector<512x128xf32> -> vector<512x128xf32>
    %mul3A_24 = arith.mulf %add3A, %dot_general3A_23 : vector<512x128xf32>
    %scan3A_25 = arith.constant 0 : i32
    %scan3A_26 = arith.constant 4 : i32
    %scan3A_27 = arith.addi %scan3A_25, %scan3A_26 : i32
    %scan3A_28 = arith.constant 1 : i32
    %scan3A_29 = scf.for %scan3A_210 = %scan3A_25 to %scan3A_27 step %scan3A_28 iter_args(%scan3A_211 = %mul3A_24) -> (vector<512x128xf32>)  : i32 {
      %broadcast_in_dim3A_212 = arith.constant 0.000000e+00 : f32
      %broadcast_in_dim3A_213 = vector.broadcast %broadcast_in_dim3A_212 : f32 to vector<512x128xf32>
      %scan3A_214 = arith.constant 0 : i32
      %scan3A_215 = arith.constant 4 : i32
      %scan3A_216 = arith.addi %scan3A_214, %scan3A_215 : i32
      %scan3A_217 = arith.constant 1 : i32
      %scan3A_218 = scf.for %scan3A_234 = %scan3A_214 to %scan3A_216 step %scan3A_217 iter_args(%scan3A_235 = %broadcast_in_dim3A_213) -> (vector<512x128xf32>)  : i32 {
        %mul3A_236 = arith.constant 8 : i32
        %mul3A_237 = arith.muli %scan3A_234, %mul3A_236 : i32
        %get3A_238 = arith.index_cast %mul3A_237 : i32 to index
        %get3A_239 = arith.constant 0 : index
        %get3A_240 = arith.constant 0 : index
        %get3A_241 = vector.load %arg1[%get3A_238, %get3A_239, %get3A_240] : memref<32x512x128xf32, #tpu.memory_space<vmem>>, vector<8x512x128xf32>
        %broadcast_in_dim3A_242 = vector.shape_cast %scan3A_211 : vector<512x128xf32> to vector<1x512x128xf32>
        %mul3A_243 = vector.broadcast %broadcast_in_dim3A_242 : vector<1x512x128xf32> to vector<8x512x128xf32>
        %mul3A_244 = arith.mulf %get3A_241, %mul3A_243 : vector<8x512x128xf32>
        %reshape3A = vector.shape_cast %mul3A_244 : vector<8x512x128xf32> to vector<4096x128xf32>
        %dot_general3A_245 = arith.constant dense<0.000000e+00> : vector<4096x8xf32>
        %dot_general3A_246 = tpu.matmul %reshape3A, %get3A_4, %dot_general3A_245 {dimension_numbers = #tpu.dot_dimension_numbers<[1], [0], [0], [1], [0, 0, 1, 1], [], []>, precision = #tpu.contract_precision<fp32>, transpose_lhs_hint = false} : vector<4096x128xf32>, vector<128x8xf32>, vector<4096x8xf32> -> vector<4096x8xf32>
        %reduce_max3A_247 = arith.constant dense<0xFF800000> : vector<4096xf32>
        %reduce_max3A_248 = vector.multi_reduction <maximumf>, %dot_general3A_246, %reduce_max3A_247 [1] : vector<4096x8xf32> to vector<4096xf32>
        %broadcast_in_dim3A_249 = vector.shape_cast %reduce_max3A_248 : vector<4096xf32> to vector<4096x1xf32>
        %sub3A = vector.broadcast %broadcast_in_dim3A_249 : vector<4096x1xf32> to vector<4096x8xf32>
        %sub3A_250 = arith.subf %dot_general3A_246, %sub3A : vector<4096x8xf32>
        %exp3A = math.exp %sub3A_250 : vector<4096x8xf32>
        %reduce_sum3A = arith.constant dense<0.000000e+00> : vector<4096xf32>
        %reduce_sum3A_251 = vector.multi_reduction <add>, %exp3A, %reduce_sum3A [1] : vector<4096x8xf32> to vector<4096xf32>
        %broadcast_in_dim3A_252 = vector.shape_cast %reduce_sum3A_251 : vector<4096xf32> to vector<4096x1xf32>
        %div3A_253 = vector.broadcast %broadcast_in_dim3A_252 : vector<4096x1xf32> to vector<4096x8xf32>
        %div3A_254 = arith.divf %exp3A, %div3A_253 : vector<4096x8xf32>
        %dot_general3A_255 = arith.constant dense<0.000000e+00> : vector<4096x128xf32>
        %dot_general3A_256 = tpu.matmul %div3A_254, %get3A_7, %dot_general3A_255 {dimension_numbers = #tpu.dot_dimension_numbers<[1], [0], [0], [1], [0, 0, 1, 1], [], []>, precision = #tpu.contract_precision<fp32>, transpose_lhs_hint = false} : vector<4096x8xf32>, vector<8x128xf32>, vector<4096x128xf32> -> vector<4096x128xf32>
        %reshape3A_257 = vector.shape_cast %dot_general3A_256 : vector<4096x128xf32> to vector<8x512x128xf32>
        %mul3A_258 = arith.mulf %get3A_241, %reshape3A_257 : vector<8x512x128xf32>
        %reduce_sum3A_259 = arith.constant dense<0.000000e+00> : vector<512x128xf32>
        %reduce_sum3A_260 = vector.multi_reduction <add>, %mul3A_258, %reduce_sum3A_259 [0] : vector<8x512x128xf32> to vector<512x128xf32>
        %add3A_261 = arith.addf %scan3A_235, %reduce_sum3A_260 : vector<512x128xf32>
        scf.yield %add3A_261 : vector<512x128xf32>
      }
      %scan3A_219 = arith.constant 4 : i32
      %add3A_220 = arith.addf %scan3A_218, %get3A_1 : vector<512x128xf32>
      %mul3A_221 = arith.mulf %add3A_220, %add3A_220 : vector<512x128xf32>
      %dot_general3A_222 = arith.constant dense<0.000000e+00> : vector<512x8xf32>
      %dot_general3A_223 = tpu.matmul %mul3A_221, %get3A_4, %dot_general3A_222 {dimension_numbers = #tpu.dot_dimension_numbers<[1], [0], [0], [1], [0, 0, 1, 1], [], []>, precision = #tpu.contract_precision<fp32>, transpose_lhs_hint = false} : vector<512x128xf32>, vector<128x8xf32>, vector<512x8xf32> -> vector<512x8xf32>
      %sqrt3A_224 = math.sqrt %dot_general3A_223 : vector<512x8xf32>
      %max3A_225 = arith.constant 9.99999996E-13 : f32
      %max3A_226 = vector.broadcast %max3A_225 : f32 to vector<512x8xf32>
      %max3A_227 = arith.maximumf %sqrt3A_224, %max3A_226 : vector<512x8xf32>
      %div3A_228 = arith.constant 1.000000e+00 : f32
      %div3A_229 = vector.broadcast %div3A_228 : f32 to vector<512x8xf32>
      %div3A_230 = arith.divf %div3A_229, %max3A_227 : vector<512x8xf32>
      %dot_general3A_231 = arith.constant dense<0.000000e+00> : vector<512x128xf32>
      %dot_general3A_232 = tpu.matmul %div3A_230, %get3A_7, %dot_general3A_231 {dimension_numbers = #tpu.dot_dimension_numbers<[1], [0], [0], [1], [0, 0, 1, 1], [], []>, precision = #tpu.contract_precision<fp32>, transpose_lhs_hint = false} : vector<512x8xf32>, vector<8x128xf32>, vector<512x128xf32> -> vector<512x128xf32>
      %mul3A_233 = arith.mulf %add3A_220, %dot_general3A_232 : vector<512x128xf32>
      scf.yield %mul3A_233 : vector<512x128xf32>
    }
    %broadcast_in_dim3A_30 = arith.constant 0.000000e+00 : f32
    %broadcast_in_dim3A_31 = vector.broadcast %broadcast_in_dim3A_30 : f32 to vector<512x128xf32>
    %scan3A_32 = arith.constant 0 : i32
    %scan3A_33 = arith.constant 4 : i32
    %scan3A_34 = arith.addi %scan3A_32, %scan3A_33 : i32
    %scan3A_35 = arith.constant 1 : i32
    %scan3A_36 = scf.for %scan3A_210 = %scan3A_32 to %scan3A_34 step %scan3A_35 iter_args(%scan3A_211 = %broadcast_in_dim3A_31) -> (vector<512x128xf32>)  : i32 {
      %mul3A_212 = arith.constant 8 : i32
      %mul3A_213 = arith.muli %scan3A_210, %mul3A_212 : i32
      %get3A_214 = arith.index_cast %mul3A_213 : i32 to index
      %get3A_215 = arith.constant 0 : index
      %get3A_216 = arith.constant 0 : index
      %get3A_217 = vector.load %arg1[%get3A_214, %get3A_215, %get3A_216] : memref<32x512x128xf32, #tpu.memory_space<vmem>>, vector<8x512x128xf32>
      %broadcast_in_dim3A_218 = vector.shape_cast %scan3A_29 : vector<512x128xf32> to vector<1x512x128xf32>
      %mul3A_219 = vector.broadcast %broadcast_in_dim3A_218 : vector<1x512x128xf32> to vector<8x512x128xf32>
      %mul3A_220 = arith.mulf %get3A_217, %mul3A_219 : vector<8x512x128xf32>
      %reshape3A = vector.shape_cast %mul3A_220 : vector<8x512x128xf32> to vector<4096x128xf32>
      %dot_general3A_221 = arith.constant dense<0.000000e+00> : vector<4096x8xf32>
      %dot_general3A_222 = tpu.matmul %reshape3A, %get3A_4, %dot_general3A_221 {dimension_numbers = #tpu.dot_dimension_numbers<[1], [0], [0], [1], [0, 0, 1, 1], [], []>, precision = #tpu.contract_precision<fp32>, transpose_lhs_hint = false} : vector<4096x128xf32>, vector<128x8xf32>, vector<4096x8xf32> -> vector<4096x8xf32>
      %reduce_max3A_223 = arith.constant dense<0xFF800000> : vector<4096xf32>
      %reduce_max3A_224 = vector.multi_reduction <maximumf>, %dot_general3A_222, %reduce_max3A_223 [1] : vector<4096x8xf32> to vector<4096xf32>
      %broadcast_in_dim3A_225 = vector.shape_cast %reduce_max3A_224 : vector<4096xf32> to vector<4096x1xf32>
      %sub3A = vector.broadcast %broadcast_in_dim3A_225 : vector<4096x1xf32> to vector<4096x8xf32>
      %sub3A_226 = arith.subf %dot_general3A_222, %sub3A : vector<4096x8xf32>
      %exp3A = math.exp %sub3A_226 : vector<4096x8xf32>
      %reduce_sum3A = arith.constant dense<0.000000e+00> : vector<4096xf32>
      %reduce_sum3A_227 = vector.multi_reduction <add>, %exp3A, %reduce_sum3A [1] : vector<4096x8xf32> to vector<4096xf32>
      %broadcast_in_dim3A_228 = vector.shape_cast %reduce_sum3A_227 : vector<4096xf32> to vector<4096x1xf32>
      %div3A_229 = vector.broadcast %broadcast_in_dim3A_228 : vector<4096x1xf32> to vector<4096x8xf32>
      %div3A_230 = arith.divf %exp3A, %div3A_229 : vector<4096x8xf32>
      %dot_general3A_231 = arith.constant dense<0.000000e+00> : vector<4096x128xf32>
      %dot_general3A_232 = tpu.matmul %div3A_230, %get3A_7, %dot_general3A_231 {dimension_numbers = #tpu.dot_dimension_numbers<[1], [0], [0], [1], [0, 0, 1, 1], [], []>, precision = #tpu.contract_precision<fp32>, transpose_lhs_hint = false} : vector<4096x8xf32>, vector<8x128xf32>, vector<4096x128xf32> -> vector<4096x128xf32>
      %reshape3A_233 = vector.shape_cast %dot_general3A_232 : vector<4096x128xf32> to vector<8x512x128xf32>
      %mul3A_234 = arith.mulf %get3A_217, %reshape3A_233 : vector<8x512x128xf32>
      %reduce_sum3A_235 = arith.constant dense<0.000000e+00> : vector<512x128xf32>
      %reduce_sum3A_236 = vector.multi_reduction <add>, %mul3A_234, %reduce_sum3A_235 [0] : vector<8x512x128xf32> to vector<512x128xf32>
      %add3A_237 = arith.addf %scan3A_211, %reduce_sum3A_236 : vector<512x128xf32>
      scf.yield %add3A_237 : vector<512x128xf32>
    }
    %scan3A_37 = arith.constant 4 : i32
    %add3A_38 = arith.addf %scan3A_36, %get3A_1 : vector<512x128xf32>
    %swap3A = arith.constant 0 : index
    %swap3A_39 = arith.constant 0 : index
    %swap3A_40 = vector.load %arg6[%swap3A, %swap3A_39] : memref<512x128xf32, #tpu.memory_space<vmem>>, vector<512x128xf32>
    tpu.vector_store %arg6[%swap3A, %swap3A_39], %add3A_38 {strides = array<i32>} : memref<512x128xf32, #tpu.memory_space<vmem>>, vector<512x128xf32>,
    %iota3A = tpu.iota {dimensions = array<i32: 1>} : vector<512x8xi32>
    %broadcast_in_dim3A_41 = arith.constant 0.000000e+00 : f32
    %broadcast_in_dim3A_42 = vector.broadcast %broadcast_in_dim3A_41 : f32 to vector<512x128xf32>
    %get3A_43 = arith.constant 0 : index
    %get3A_44 = arith.constant 0 : index
    %get3A_45 = arith.constant 0 : index
    %get3A_46 = vector.load %arg1[%get3A_43, %get3A_44, %get3A_45] : memref<32x512x128xf32, #tpu.memory_space<vmem>>, vector<1x512x128xf32>
    %get3A_47 = vector.shape_cast %get3A_46 : vector<1x512x128xf32> to vector<512x128xf32>
    %mul3A_48 = arith.mulf %get3A_47, %scan3A_29 : vector<512x128xf32>
    %dot_general3A_49 = arith.constant dense<0.000000e+00> : vector<512x8xf32>
    %dot_general3A_50 = tpu.matmul %mul3A_48, %get3A_4, %dot_general3A_49 {dimension_numbers = #tpu.dot_dimension_numbers<[1], [0], [0], [1], [0, 0, 1, 1], [], []>, precision = #tpu.contract_precision<fp32>, transpose_lhs_hint = false} : vector<512x128xf32>, vector<128x8xf32>, vector<512x8xf32> -> vector<512x8xf32>
    %reduce_max3A = arith.constant dense<0xFF800000> : vector<512xf32>
    %reduce_max3A_51 = vector.multi_reduction <maximumf>, %dot_general3A_50, %reduce_max3A [1] : vector<512x8xf32> to vector<512xf32>
    %broadcast_in_dim3A_52 = vector.shape_cast %reduce_max3A_51 : vector<512xf32> to vector<512x1xf32>
    %eq3A = vector.broadcast %broadcast_in_dim3A_52 : vector<512x1xf32> to vector<512x8xf32>
    %eq3A_53 = arith.cmpf oeq, %dot_general3A_50, %eq3A : vector<512x8xf32>
    %jit3A = arith.constant 8 : i32
    %broadcast_in_dim3A_54 = vector.broadcast %jit3A : i32 to vector<512x8xi32>
    %select_n3A = arith.select %eq3A_53, %iota3A, %broadcast_in_dim3A_54 : vector<512x8xi1>, vector<512x8xi32>
    %reduce_min3A = arith.constant dense<2147483647> : vector<512xi32>
    %reduce_min3A_55 = vector.multi_reduction <minsi>, %select_n3A, %reduce_min3A [1] : vector<512x8xi32> to vector<512xi32>
    %broadcast_in_dim3A_56 = vector.shape_cast %reduce_min3A_55 : vector<512xi32> to vector<512x1xi32>
    %eq3A_57 = vector.broadcast %broadcast_in_dim3A_56 : vector<512x1xi32> to vector<512x8xi32>
    %eq3A_58 = arith.cmpi eq, %iota3A, %eq3A_57 : vector<512x8xi32>
    %convert_element_type3A = arith.extui %eq3A_58 : vector<512x8xi1> to vector<512x8xi32>
    %convert_element_type3A_59 = arith.sitofp %convert_element_type3A : vector<512x8xi32> to vector<512x8xf32>
    %swap3A_60 = arith.constant 0 : index
    %swap3A_61 = arith.constant 0 : index
    %swap3A_62 = arith.constant 0 : index
    %swap3A_63 = vector.load %arg7[%swap3A_60, %swap3A_61, %swap3A_62] : memref<512x5x8xf32, #tpu.memory_space<vmem>>, vector<512x1x8xf32>
    %swap3A_64 = vector.shape_cast %swap3A_63 : vector<512x1x8xf32> to vector<512x8xf32>
    %swap3A_65 = vector.shape_cast %convert_element_type3A_59 : vector<512x8xf32> to vector<512x1x8xf32>
    tpu.vector_store %arg7[%swap3A_60, %swap3A_61, %swap3A_62], %swap3A_65 {strides = array<i32>} : memref<512x5x8xf32, #tpu.memory_space<vmem>>, vector<512x1x8xf32>,
    %dot_general3A_66 = arith.constant dense<0.000000e+00> : vector<512x128xf32>
    %dot_general3A_67 = tpu.matmul %convert_element_type3A_59, %get3A_7, %dot_general3A_66 {dimension_numbers = #tpu.dot_dimension_numbers<[1], [0], [0], [1], [0, 0, 1, 1], [], []>, precision = #tpu.contract_precision<fp32>, transpose_lhs_hint = false} : vector<512x8xf32>, vector<8x128xf32>, vector<512x128xf32> -> vector<512x128xf32>
    %mul3A_68 = arith.mulf %get3A_47, %dot_general3A_67 : vector<512x128xf32>
    %add3A_69 = arith.addf %broadcast_in_dim3A_42, %mul3A_68 : vector<512x128xf32>
    %get3A_70 = arith.constant 1 : index
    %get3A_71 = arith.constant 0 : index
    %get3A_72 = arith.constant 0 : index
    %get3A_73 = vector.load %arg1[%get3A_70, %get3A_71, %get3A_72] : memref<32x512x128xf32, #tpu.memory_space<vmem>>, vector<1x512x128xf32>
    %get3A_74 = vector.shape_cast %get3A_73 : vector<1x512x128xf32> to vector<512x128xf32>
    %mul3A_75 = arith.mulf %get3A_74, %scan3A_29 : vector<512x128xf32>
    %dot_general3A_76 = arith.constant dense<0.000000e+00> : vector<512x8xf32>
    %dot_general3A_77 = tpu.matmul %mul3A_75, %get3A_4, %dot_general3A_76 {dimension_numbers = #tpu.dot_dimension_numbers<[1], [0], [0], [1], [0, 0, 1, 1], [], []>, precision = #tpu.contract_precision<fp32>, transpose_lhs_hint = false} : vector<512x128xf32>, vector<128x8xf32>, vector<512x8xf32> -> vector<512x8xf32>
    %reduce_max3A_78 = arith.constant dense<0xFF800000> : vector<512xf32>
    %reduce_max3A_79 = vector.multi_reduction <maximumf>, %dot_general3A_77, %reduce_max3A_78 [1] : vector<512x8xf32> to vector<512xf32>
    %broadcast_in_dim3A_80 = vector.shape_cast %reduce_max3A_79 : vector<512xf32> to vector<512x1xf32>
    %eq3A_81 = vector.broadcast %broadcast_in_dim3A_80 : vector<512x1xf32> to vector<512x8xf32>
    %eq3A_82 = arith.cmpf oeq, %dot_general3A_77, %eq3A_81 : vector<512x8xf32>
    %jit3A_83 = arith.constant 8 : i32
    %broadcast_in_dim3A_84 = vector.broadcast %jit3A_83 : i32 to vector<512x8xi32>
    %select_n3A_85 = arith.select %eq3A_82, %iota3A, %broadcast_in_dim3A_84 : vector<512x8xi1>, vector<512x8xi32>
    %reduce_min3A_86 = arith.constant dense<2147483647> : vector<512xi32>
    %reduce_min3A_87 = vector.multi_reduction <minsi>, %select_n3A_85, %reduce_min3A_86 [1] : vector<512x8xi32> to vector<512xi32>
    %broadcast_in_dim3A_88 = vector.shape_cast %reduce_min3A_87 : vector<512xi32> to vector<512x1xi32>
    %eq3A_89 = vector.broadcast %broadcast_in_dim3A_88 : vector<512x1xi32> to vector<512x8xi32>
    %eq3A_90 = arith.cmpi eq, %iota3A, %eq3A_89 : vector<512x8xi32>
    %convert_element_type3A_91 = arith.extui %eq3A_90 : vector<512x8xi1> to vector<512x8xi32>
    %convert_element_type3A_92 = arith.sitofp %convert_element_type3A_91 : vector<512x8xi32> to vector<512x8xf32>
    %swap3A_93 = arith.constant 0 : index
    %swap3A_94 = arith.constant 1 : index
    %swap3A_95 = arith.constant 0 : index
    %swap3A_96 = vector.load %arg7[%swap3A_93, %swap3A_94, %swap3A_95] : memref<512x5x8xf32, #tpu.memory_space<vmem>>, vector<512x1x8xf32>
    %swap3A_97 = vector.shape_cast %swap3A_96 : vector<512x1x8xf32> to vector<512x8xf32>
    %swap3A_98 = vector.shape_cast %convert_element_type3A_92 : vector<512x8xf32> to vector<512x1x8xf32>
    tpu.vector_store %arg7[%swap3A_93, %swap3A_94, %swap3A_95], %swap3A_98 {strides = array<i32>} : memref<512x5x8xf32, #tpu.memory_space<vmem>>, vector<512x1x8xf32>,
    %dot_general3A_99 = arith.constant dense<0.000000e+00> : vector<512x128xf32>
    %dot_general3A_100 = tpu.matmul %convert_element_type3A_92, %get3A_7, %dot_general3A_99 {dimension_numbers = #tpu.dot_dimension_numbers<[1], [0], [0], [1], [0, 0, 1, 1], [], []>, precision = #tpu.contract_precision<fp32>, transpose_lhs_hint = false} : vector<512x8xf32>, vector<8x128xf32>, vector<512x128xf32> -> vector<512x128xf32>
    %mul3A_101 = arith.mulf %get3A_74, %dot_general3A_100 : vector<512x128xf32>
    %add3A_102 = arith.addf %add3A_69, %mul3A_101 : vector<512x128xf32>
    %get3A_103 = arith.constant 2 : index
    %get3A_104 = arith.constant 0 : index
    %get3A_105 = arith.constant 0 : index
    %get3A_106 = vector.load %arg1[%get3A_103, %get3A_104, %get3A_105] : memref<32x512x128xf32, #tpu.memory_space<vmem>>, vector<1x512x128xf32>
    %get3A_107 = vector.shape_cast %get3A_106 : vector<1x512x128xf32> to vector<512x128xf32>
    %mul3A_108 = arith.mulf %get3A_107, %scan3A_29 : vector<512x128xf32>
    %dot_general3A_109 = arith.constant dense<0.000000e+00> : vector<512x8xf32>
    %dot_general3A_110 = tpu.matmul %mul3A_108, %get3A_4, %dot_general3A_109 {dimension_numbers = #tpu.dot_dimension_numbers<[1], [0], [0], [1], [0, 0, 1, 1], [], []>, precision = #tpu.contract_precision<fp32>, transpose_lhs_hint = false} : vector<512x128xf32>, vector<128x8xf32>, vector<512x8xf32> -> vector<512x8xf32>
    %reduce_max3A_111 = arith.constant dense<0xFF800000> : vector<512xf32>
    %reduce_max3A_112 = vector.multi_reduction <maximumf>, %dot_general3A_110, %reduce_max3A_111 [1] : vector<512x8xf32> to vector<512xf32>
    %broadcast_in_dim3A_113 = vector.shape_cast %reduce_max3A_112 : vector<512xf32> to vector<512x1xf32>
    %eq3A_114 = vector.broadcast %broadcast_in_dim3A_113 : vector<512x1xf32> to vector<512x8xf32>
    %eq3A_115 = arith.cmpf oeq, %dot_general3A_110, %eq3A_114 : vector<512x8xf32>
    %jit3A_116 = arith.constant 8 : i32
    %broadcast_in_dim3A_117 = vector.broadcast %jit3A_116 : i32 to vector<512x8xi32>
    %select_n3A_118 = arith.select %eq3A_115, %iota3A, %broadcast_in_dim3A_117 : vector<512x8xi1>, vector<512x8xi32>
    %reduce_min3A_119 = arith.constant dense<2147483647> : vector<512xi32>
    %reduce_min3A_120 = vector.multi_reduction <minsi>, %select_n3A_118, %reduce_min3A_119 [1] : vector<512x8xi32> to vector<512xi32>
    %broadcast_in_dim3A_121 = vector.shape_cast %reduce_min3A_120 : vector<512xi32> to vector<512x1xi32>
    %eq3A_122 = vector.broadcast %broadcast_in_dim3A_121 : vector<512x1xi32> to vector<512x8xi32>
    %eq3A_123 = arith.cmpi eq, %iota3A, %eq3A_122 : vector<512x8xi32>
    %convert_element_type3A_124 = arith.extui %eq3A_123 : vector<512x8xi1> to vector<512x8xi32>
    %convert_element_type3A_125 = arith.sitofp %convert_element_type3A_124 : vector<512x8xi32> to vector<512x8xf32>
    %swap3A_126 = arith.constant 0 : index
    %swap3A_127 = arith.constant 2 : index
    %swap3A_128 = arith.constant 0 : index
    %swap3A_129 = vector.load %arg7[%swap3A_126, %swap3A_127, %swap3A_128] : memref<512x5x8xf32, #tpu.memory_space<vmem>>, vector<512x1x8xf32>
    %swap3A_130 = vector.shape_cast %swap3A_129 : vector<512x1x8xf32> to vector<512x8xf32>
    %swap3A_131 = vector.shape_cast %convert_element_type3A_125 : vector<512x8xf32> to vector<512x1x8xf32>
    tpu.vector_store %arg7[%swap3A_126, %swap3A_127, %swap3A_128], %swap3A_131 {strides = array<i32>} : memref<512x5x8xf32, #tpu.memory_space<vmem>>, vector<512x1x8xf32>,
    %dot_general3A_132 = arith.constant dense<0.000000e+00> : vector<512x128xf32>
    %dot_general3A_133 = tpu.matmul %convert_element_type3A_125, %get3A_7, %dot_general3A_132 {dimension_numbers = #tpu.dot_dimension_numbers<[1], [0], [0], [1], [0, 0, 1, 1], [], []>, precision = #tpu.contract_precision<fp32>, transpose_lhs_hint = false} : vector<512x8xf32>, vector<8x128xf32>, vector<512x128xf32> -> vector<512x128xf32>
    %mul3A_134 = arith.mulf %get3A_107, %dot_general3A_133 : vector<512x128xf32>
    %add3A_135 = arith.addf %add3A_102, %mul3A_134 : vector<512x128xf32>
    %get3A_136 = arith.constant 3 : index
    %get3A_137 = arith.constant 0 : index
    %get3A_138 = arith.constant 0 : index
    %get3A_139 = vector.load %arg1[%get3A_136, %get3A_137, %get3A_138] : memref<32x512x128xf32, #tpu.memory_space<vmem>>, vector<1x512x128xf32>
    %get3A_140 = vector.shape_cast %get3A_139 : vector<1x512x128xf32> to vector<512x128xf32>
    %mul3A_141 = arith.mulf %get3A_140, %scan3A_29 : vector<512x128xf32>
    %dot_general3A_142 = arith.constant dense<0.000000e+00> : vector<512x8xf32>
    %dot_general3A_143 = tpu.matmul %mul3A_141, %get3A_4, %dot_general3A_142 {dimension_numbers = #tpu.dot_dimension_numbers<[1], [0], [0], [1], [0, 0, 1, 1], [], []>, precision = #tpu.contract_precision<fp32>, transpose_lhs_hint = false} : vector<512x128xf32>, vector<128x8xf32>, vector<512x8xf32> -> vector<512x8xf32>
    %reduce_max3A_144 = arith.constant dense<0xFF800000> : vector<512xf32>
    %reduce_max3A_145 = vector.multi_reduction <maximumf>, %dot_general3A_143, %reduce_max3A_144 [1] : vector<512x8xf32> to vector<512xf32>
    %broadcast_in_dim3A_146 = vector.shape_cast %reduce_max3A_145 : vector<512xf32> to vector<512x1xf32>
    %eq3A_147 = vector.broadcast %broadcast_in_dim3A_146 : vector<512x1xf32> to vector<512x8xf32>
    %eq3A_148 = arith.cmpf oeq, %dot_general3A_143, %eq3A_147 : vector<512x8xf32>
    %jit3A_149 = arith.constant 8 : i32
    %broadcast_in_dim3A_150 = vector.broadcast %jit3A_149 : i32 to vector<512x8xi32>
    %select_n3A_151 = arith.select %eq3A_148, %iota3A, %broadcast_in_dim3A_150 : vector<512x8xi1>, vector<512x8xi32>
    %reduce_min3A_152 = arith.constant dense<2147483647> : vector<512xi32>
    %reduce_min3A_153 = vector.multi_reduction <minsi>, %select_n3A_151, %reduce_min3A_152 [1] : vector<512x8xi32> to vector<512xi32>
    %broadcast_in_dim3A_154 = vector.shape_cast %reduce_min3A_153 : vector<512xi32> to vector<512x1xi32>
    %eq3A_155 = vector.broadcast %broadcast_in_dim3A_154 : vector<512x1xi32> to vector<512x8xi32>
    %eq3A_156 = arith.cmpi eq, %iota3A, %eq3A_155 : vector<512x8xi32>
    %convert_element_type3A_157 = arith.extui %eq3A_156 : vector<512x8xi1> to vector<512x8xi32>
    %convert_element_type3A_158 = arith.sitofp %convert_element_type3A_157 : vector<512x8xi32> to vector<512x8xf32>
    %swap3A_159 = arith.constant 0 : index
    %swap3A_160 = arith.constant 3 : index
    %swap3A_161 = arith.constant 0 : index
    %swap3A_162 = vector.load %arg7[%swap3A_159, %swap3A_160, %swap3A_161] : memref<512x5x8xf32, #tpu.memory_space<vmem>>, vector<512x1x8xf32>
    %swap3A_163 = vector.shape_cast %swap3A_162 : vector<512x1x8xf32> to vector<512x8xf32>
    %swap3A_164 = vector.shape_cast %convert_element_type3A_158 : vector<512x8xf32> to vector<512x1x8xf32>
    tpu.vector_store %arg7[%swap3A_159, %swap3A_160, %swap3A_161], %swap3A_164 {strides = array<i32>} : memref<512x5x8xf32, #tpu.memory_space<vmem>>, vector<512x1x8xf32>,
    %dot_general3A_165 = arith.constant dense<0.000000e+00> : vector<512x128xf32>
    %dot_general3A_166 = tpu.matmul %convert_element_type3A_158, %get3A_7, %dot_general3A_165 {dimension_numbers = #tpu.dot_dimension_numbers<[1], [0], [0], [1], [0, 0, 1, 1], [], []>, precision = #tpu.contract_precision<fp32>, transpose_lhs_hint = false} : vector<512x8xf32>, vector<8x128xf32>, vector<512x128xf32> -> vector<512x128xf32>
    %mul3A_167 = arith.mulf %get3A_140, %dot_general3A_166 : vector<512x128xf32>
    %add3A_168 = arith.addf %add3A_135, %mul3A_167 : vector<512x128xf32>
    %get3A_169 = arith.constant 4 : index
    %get3A_170 = arith.constant 0 : index
    %get3A_171 = arith.constant 0 : index
    %get3A_172 = vector.load %arg1[%get3A_169, %get3A_170, %get3A_171] : memref<32x512x128xf32, #tpu.memory_space<vmem>>, vector<1x512x128xf32>
    %get3A_173 = vector.shape_cast %get3A_172 : vector<1x512x128xf32> to vector<512x128xf32>
    %mul3A_174 = arith.mulf %get3A_173, %scan3A_29 : vector<512x128xf32>
    %dot_general3A_175 = arith.constant dense<0.000000e+00> : vector<512x8xf32>
    %dot_general3A_176 = tpu.matmul %mul3A_174, %get3A_4, %dot_general3A_175 {dimension_numbers = #tpu.dot_dimension_numbers<[1], [0], [0], [1], [0, 0, 1, 1], [], []>, precision = #tpu.contract_precision<fp32>, transpose_lhs_hint = false} : vector<512x128xf32>, vector<128x8xf32>, vector<512x8xf32> -> vector<512x8xf32>
    %reduce_max3A_177 = arith.constant dense<0xFF800000> : vector<512xf32>
    %reduce_max3A_178 = vector.multi_reduction <maximumf>, %dot_general3A_176, %reduce_max3A_177 [1] : vector<512x8xf32> to vector<512xf32>
    %broadcast_in_dim3A_179 = vector.shape_cast %reduce_max3A_178 : vector<512xf32> to vector<512x1xf32>
    %eq3A_180 = vector.broadcast %broadcast_in_dim3A_179 : vector<512x1xf32> to vector<512x8xf32>
    %eq3A_181 = arith.cmpf oeq, %dot_general3A_176, %eq3A_180 : vector<512x8xf32>
    %jit3A_182 = arith.constant 8 : i32
    %broadcast_in_dim3A_183 = vector.broadcast %jit3A_182 : i32 to vector<512x8xi32>
    %select_n3A_184 = arith.select %eq3A_181, %iota3A, %broadcast_in_dim3A_183 : vector<512x8xi1>, vector<512x8xi32>
    %reduce_min3A_185 = arith.constant dense<2147483647> : vector<512xi32>
    %reduce_min3A_186 = vector.multi_reduction <minsi>, %select_n3A_184, %reduce_min3A_185 [1] : vector<512x8xi32> to vector<512xi32>
    %broadcast_in_dim3A_187 = vector.shape_cast %reduce_min3A_186 : vector<512xi32> to vector<512x1xi32>
    %eq3A_188 = vector.broadcast %broadcast_in_dim3A_187 : vector<512x1xi32> to vector<512x8xi32>
    %eq3A_189 = arith.cmpi eq, %iota3A, %eq3A_188 : vector<512x8xi32>
    %convert_element_type3A_190 = arith.extui %eq3A_189 : vector<512x8xi1> to vector<512x8xi32>
    %convert_element_type3A_191 = arith.sitofp %convert_element_type3A_190 : vector<512x8xi32> to vector<512x8xf32>
    %swap3A_192 = arith.constant 0 : index
    %swap3A_193 = arith.constant 4 : index
    %swap3A_194 = arith.constant 0 : index
    %swap3A_195 = vector.load %arg7[%swap3A_192, %swap3A_193, %swap3A_194] : memref<512x5x8xf32, #tpu.memory_space<vmem>>, vector<512x1x8xf32>
    %swap3A_196 = vector.shape_cast %swap3A_195 : vector<512x1x8xf32> to vector<512x8xf32>
    %swap3A_197 = vector.shape_cast %convert_element_type3A_191 : vector<512x8xf32> to vector<512x1x8xf32>
    tpu.vector_store %arg7[%swap3A_192, %swap3A_193, %swap3A_194], %swap3A_197 {strides = array<i32>} : memref<512x5x8xf32, #tpu.memory_space<vmem>>, vector<512x1x8xf32>,
    %dot_general3A_198 = arith.constant dense<0.000000e+00> : vector<512x128xf32>
    %dot_general3A_199 = tpu.matmul %convert_element_type3A_191, %get3A_7, %dot_general3A_198 {dimension_numbers = #tpu.dot_dimension_numbers<[1], [0], [0], [1], [0, 0, 1, 1], [], []>, precision = #tpu.contract_precision<fp32>, transpose_lhs_hint = false} : vector<512x8xf32>, vector<8x128xf32>, vector<512x128xf32> -> vector<512x128xf32>
    %mul3A_200 = arith.mulf %get3A_173, %dot_general3A_199 : vector<512x128xf32>
    %add3A_201 = arith.addf %add3A_168, %mul3A_200 : vector<512x128xf32>
    %get3A_202 = arith.constant 0 : index
    %get3A_203 = arith.constant 0 : index
    %get3A_204 = vector.load %arg5[%get3A_202, %get3A_203] : memref<128x128xf32, #tpu.memory_space<vmem>>, vector<128x128xf32>
    %dot_general3A_205 = arith.constant dense<0.000000e+00> : vector<512x128xf32>
    %dot_general3A_206 = tpu.matmul %add3A_201, %get3A_204, %dot_general3A_205 {dimension_numbers = #tpu.dot_dimension_numbers<[1], [0], [0], [1], [0, 0, 1, 1], [], []>, precision = #tpu.contract_precision<fp32>, transpose_lhs_hint = false} : vector<512x128xf32>, vector<128x128xf32>, vector<512x128xf32> -> vector<512x128xf32>
    %swap3A_207 = arith.constant 0 : index
    %swap3A_208 = arith.constant 0 : index
    %swap3A_209 = vector.load %arg8[%swap3A_207, %swap3A_208] : memref<512x128xf32, #tpu.memory_space<vmem>>, vector<512x128xf32>
    tpu.vector_store %arg8[%swap3A_207, %swap3A_208], %dot_general3A_206 {strides = array<i32>} : memref<512x128xf32, #tpu.memory_space<vmem>>, vector<512x128xf32>,
    return
  }
  func.func @transform_0(%arg0: i32) -> (i32, i32, i32) {
    %c0_i32 = arith.constant 0 : i32
    %c0_i32_0 = arith.constant 0 : i32
    %c0_i32_1 = arith.constant 0 : i32
    return %c0_i32, %arg0, %c0_i32_0 : i32, i32, i32
  }
  func.func @transform_1(%arg0: i32) -> (i32, i32) {
    %c0_i32 = arith.constant 0 : i32
    %c0_i32_0 = arith.constant 0 : i32
    return %arg0, %c0_i32 : i32, i32
  }
  func.func @transform_2(%arg0: i32) -> (i32, i32) {
    %c0_i32 = arith.constant 0 : i32
    %c0_i32_0 = arith.constant 0 : i32
    %c0_i32_1 = arith.constant 0 : i32
    return %c0_i32, %c0_i32_0 : i32, i32
  }
  func.func @transform_3(%arg0: i32) -> (i32, i32) {
    %c0_i32 = arith.constant 0 : i32
    %c0_i32_0 = arith.constant 0 : i32
    %c0_i32_1 = arith.constant 0 : i32
    return %c0_i32, %c0_i32_0 : i32, i32
  }
  func.func @transform_4(%arg0: i32) -> (i32, i32) {
    %c0_i32 = arith.constant 0 : i32
    %c0_i32_0 = arith.constant 0 : i32
    %c0_i32_1 = arith.constant 0 : i32
    return %c0_i32, %c0_i32_0 : i32, i32
  }
  func.func @transform_5(%arg0: i32) -> (i32, i32) {
    %c0_i32 = arith.constant 0 : i32
    %c0_i32_0 = arith.constant 0 : i32
    return %arg0, %c0_i32 : i32, i32
  }
  func.func @transform_6(%arg0: i32) -> (i32, i32, i32) {
    %c0_i32 = arith.constant 0 : i32
    %c0_i32_0 = arith.constant 0 : i32
    %c0_i32_1 = arith.constant 0 : i32
    return %arg0, %c0_i32, %c0_i32_0 : i32, i32, i32
  }
  func.func @transform_7(%arg0: i32) -> (i32, i32) {
    %c0_i32 = arith.constant 0 : i32
    %c0_i32_0 = arith.constant 0 : i32
    return %arg0, %c0_i32 : i32, i32
  }
}

module attributes {stable_mosaic.version = 14 : i64} {
  func.func @_final_body(%arg0: i32, %arg1: memref<1000x128xf32, #tpu.memory_space<vmem>>, %arg2: memref<1000x5x8xf32, #tpu.memory_space<vmem>>, %arg3: memref<1000x5x128xf32, #tpu.memory_space<vmem>>, %arg4: memref<8x128xf32, #tpu.memory_space<vmem>>, %arg5: memref<128x128xf32, #tpu.memory_space<vmem>>, %arg6: memref<128x16xf32, #tpu.memory_space<vmem>>, %arg7: memref<1x16xf32, #tpu.memory_space<vmem>>, %arg8: memref<1000x16xf32, #tpu.memory_space<vmem>>, %arg9: memref<1000x16xf32, #tpu.memory_space<vmem>>) attributes {dimension_semantics = [#tpu.dimension_semantics<arbitrary>], iteration_bounds = array<i64: 10>, scalar_prefetch = 0 : i64, scratch_operands = 0 : i64, tpu.core_type = #tpu.core_type<tc>, window_params = [{transform_indices = @transform_0, window_bounds = array<i64: 1000, 128>}, {transform_indices = @transform_1, window_bounds = array<i64: 1000, 5, 8>}, {transform_indices = @transform_2, window_bounds = array<i64: 1000, 5, 128>}, {pipeline_mode = #tpu.pipeline_mode<synchronous>, transform_indices = @transform_3, window_bounds = array<i64: 8, 128>}, {pipeline_mode = #tpu.pipeline_mode<synchronous>, transform_indices = @transform_4, window_bounds = array<i64: 128, 128>}, {pipeline_mode = #tpu.pipeline_mode<synchronous>, transform_indices = @transform_5, window_bounds = array<i64: 128, 16>}, {pipeline_mode = #tpu.pipeline_mode<synchronous>, transform_indices = @transform_6, window_bounds = array<i64: 1, 16>}, {transform_indices = @transform_7, window_bounds = array<i64: 1000, 16>}, {transform_indices = @transform_8, window_bounds = array<i64: 1000, 16>}]} {
    %broadcast_in_dim3A = arith.constant 0.000000e+00 : f32
    %broadcast_in_dim3A_0 = vector.broadcast %broadcast_in_dim3A : f32 to vector<1000x128xf32>
    %get3A = arith.constant 0 : index
    %get3A_1 = arith.constant 0 : index
    %get3A_2 = arith.constant 0 : index
    %get3A_3 = vector.load %arg2[%get3A, %get3A_1, %get3A_2] : memref<1000x5x8xf32, #tpu.memory_space<vmem>>, vector<1000x1x8xf32>
    %get3A_4 = vector.shape_cast %get3A_3 : vector<1000x1x8xf32> to vector<1000x8xf32>
    %get3A_5 = arith.constant 0 : index
    %get3A_6 = arith.constant 0 : index
    %get3A_7 = vector.load %arg4[%get3A_5, %get3A_6] : memref<8x128xf32, #tpu.memory_space<vmem>>, vector<8x128xf32>
    %dot_general3A = arith.constant dense<0.000000e+00> : vector<1000x128xf32>
    %dot_general3A_8 = tpu.matmul %get3A_4, %get3A_7, %dot_general3A {dimension_numbers = #tpu.dot_dimension_numbers<[1], [0], [0], [1], [0, 0, 1, 1], [], []>, precision = #tpu.contract_precision<fp32>, transpose_lhs_hint = false} : vector<1000x8xf32>, vector<8x128xf32>, vector<1000x128xf32> -> vector<1000x128xf32>
    %get3A_9 = arith.constant 0 : index
    %get3A_10 = arith.constant 0 : index
    %get3A_11 = arith.constant 0 : index
    %get3A_12 = vector.load %arg3[%get3A_9, %get3A_10, %get3A_11] : memref<1000x5x128xf32, #tpu.memory_space<vmem>>, vector<1000x1x128xf32>
    %get3A_13 = vector.shape_cast %get3A_12 : vector<1000x1x128xf32> to vector<1000x128xf32>
    %get3A_14 = arith.constant 0 : index
    %get3A_15 = arith.constant 0 : index
    %get3A_16 = vector.load %arg5[%get3A_14, %get3A_15] : memref<128x128xf32, #tpu.memory_space<vmem>>, vector<128x128xf32>
    %dot_general3A_17 = arith.constant dense<0.000000e+00> : vector<1000x128xf32>
    %dot_general3A_18 = tpu.matmul %get3A_13, %get3A_16, %dot_general3A_17 {dimension_numbers = #tpu.dot_dimension_numbers<[1], [0], [0], [1], [0, 0, 1, 1], [], []>, precision = #tpu.contract_precision<fp32>, transpose_lhs_hint = false} : vector<1000x128xf32>, vector<128x128xf32>, vector<1000x128xf32> -> vector<1000x128xf32>
    %mul3A = arith.mulf %dot_general3A_8, %dot_general3A_18 : vector<1000x128xf32>
    %add3A = arith.addf %broadcast_in_dim3A_0, %mul3A : vector<1000x128xf32>
    %get3A_19 = arith.constant 0 : index
    %get3A_20 = arith.constant 1 : index
    %get3A_21 = arith.constant 0 : index
    %get3A_22 = vector.load %arg2[%get3A_19, %get3A_20, %get3A_21] : memref<1000x5x8xf32, #tpu.memory_space<vmem>>, vector<1000x1x8xf32>
    %get3A_23 = vector.shape_cast %get3A_22 : vector<1000x1x8xf32> to vector<1000x8xf32>
    %get3A_24 = arith.constant 0 : index
    %get3A_25 = arith.constant 0 : index
    %get3A_26 = vector.load %arg4[%get3A_24, %get3A_25] : memref<8x128xf32, #tpu.memory_space<vmem>>, vector<8x128xf32>
    %dot_general3A_27 = arith.constant dense<0.000000e+00> : vector<1000x128xf32>
    %dot_general3A_28 = tpu.matmul %get3A_23, %get3A_26, %dot_general3A_27 {dimension_numbers = #tpu.dot_dimension_numbers<[1], [0], [0], [1], [0, 0, 1, 1], [], []>, precision = #tpu.contract_precision<fp32>, transpose_lhs_hint = false} : vector<1000x8xf32>, vector<8x128xf32>, vector<1000x128xf32> -> vector<1000x128xf32>
    %get3A_29 = arith.constant 0 : index
    %get3A_30 = arith.constant 1 : index
    %get3A_31 = arith.constant 0 : index
    %get3A_32 = vector.load %arg3[%get3A_29, %get3A_30, %get3A_31] : memref<1000x5x128xf32, #tpu.memory_space<vmem>>, vector<1000x1x128xf32>
    %get3A_33 = vector.shape_cast %get3A_32 : vector<1000x1x128xf32> to vector<1000x128xf32>
    %get3A_34 = arith.constant 0 : index
    %get3A_35 = arith.constant 0 : index
    %get3A_36 = vector.load %arg5[%get3A_34, %get3A_35] : memref<128x128xf32, #tpu.memory_space<vmem>>, vector<128x128xf32>
    %dot_general3A_37 = arith.constant dense<0.000000e+00> : vector<1000x128xf32>
    %dot_general3A_38 = tpu.matmul %get3A_33, %get3A_36, %dot_general3A_37 {dimension_numbers = #tpu.dot_dimension_numbers<[1], [0], [0], [1], [0, 0, 1, 1], [], []>, precision = #tpu.contract_precision<fp32>, transpose_lhs_hint = false} : vector<1000x128xf32>, vector<128x128xf32>, vector<1000x128xf32> -> vector<1000x128xf32>
    %mul3A_39 = arith.mulf %dot_general3A_28, %dot_general3A_38 : vector<1000x128xf32>
    %add3A_40 = arith.addf %add3A, %mul3A_39 : vector<1000x128xf32>
    %get3A_41 = arith.constant 0 : index
    %get3A_42 = arith.constant 2 : index
    %get3A_43 = arith.constant 0 : index
    %get3A_44 = vector.load %arg2[%get3A_41, %get3A_42, %get3A_43] : memref<1000x5x8xf32, #tpu.memory_space<vmem>>, vector<1000x1x8xf32>
    %get3A_45 = vector.shape_cast %get3A_44 : vector<1000x1x8xf32> to vector<1000x8xf32>
    %get3A_46 = arith.constant 0 : index
    %get3A_47 = arith.constant 0 : index
    %get3A_48 = vector.load %arg4[%get3A_46, %get3A_47] : memref<8x128xf32, #tpu.memory_space<vmem>>, vector<8x128xf32>
    %dot_general3A_49 = arith.constant dense<0.000000e+00> : vector<1000x128xf32>
    %dot_general3A_50 = tpu.matmul %get3A_45, %get3A_48, %dot_general3A_49 {dimension_numbers = #tpu.dot_dimension_numbers<[1], [0], [0], [1], [0, 0, 1, 1], [], []>, precision = #tpu.contract_precision<fp32>, transpose_lhs_hint = false} : vector<1000x8xf32>, vector<8x128xf32>, vector<1000x128xf32> -> vector<1000x128xf32>
    %get3A_51 = arith.constant 0 : index
    %get3A_52 = arith.constant 2 : index
    %get3A_53 = arith.constant 0 : index
    %get3A_54 = vector.load %arg3[%get3A_51, %get3A_52, %get3A_53] : memref<1000x5x128xf32, #tpu.memory_space<vmem>>, vector<1000x1x128xf32>
    %get3A_55 = vector.shape_cast %get3A_54 : vector<1000x1x128xf32> to vector<1000x128xf32>
    %get3A_56 = arith.constant 0 : index
    %get3A_57 = arith.constant 0 : index
    %get3A_58 = vector.load %arg5[%get3A_56, %get3A_57] : memref<128x128xf32, #tpu.memory_space<vmem>>, vector<128x128xf32>
    %dot_general3A_59 = arith.constant dense<0.000000e+00> : vector<1000x128xf32>
    %dot_general3A_60 = tpu.matmul %get3A_55, %get3A_58, %dot_general3A_59 {dimension_numbers = #tpu.dot_dimension_numbers<[1], [0], [0], [1], [0, 0, 1, 1], [], []>, precision = #tpu.contract_precision<fp32>, transpose_lhs_hint = false} : vector<1000x128xf32>, vector<128x128xf32>, vector<1000x128xf32> -> vector<1000x128xf32>
    %mul3A_61 = arith.mulf %dot_general3A_50, %dot_general3A_60 : vector<1000x128xf32>
    %add3A_62 = arith.addf %add3A_40, %mul3A_61 : vector<1000x128xf32>
    %get3A_63 = arith.constant 0 : index
    %get3A_64 = arith.constant 3 : index
    %get3A_65 = arith.constant 0 : index
    %get3A_66 = vector.load %arg2[%get3A_63, %get3A_64, %get3A_65] : memref<1000x5x8xf32, #tpu.memory_space<vmem>>, vector<1000x1x8xf32>
    %get3A_67 = vector.shape_cast %get3A_66 : vector<1000x1x8xf32> to vector<1000x8xf32>
    %get3A_68 = arith.constant 0 : index
    %get3A_69 = arith.constant 0 : index
    %get3A_70 = vector.load %arg4[%get3A_68, %get3A_69] : memref<8x128xf32, #tpu.memory_space<vmem>>, vector<8x128xf32>
    %dot_general3A_71 = arith.constant dense<0.000000e+00> : vector<1000x128xf32>
    %dot_general3A_72 = tpu.matmul %get3A_67, %get3A_70, %dot_general3A_71 {dimension_numbers = #tpu.dot_dimension_numbers<[1], [0], [0], [1], [0, 0, 1, 1], [], []>, precision = #tpu.contract_precision<fp32>, transpose_lhs_hint = false} : vector<1000x8xf32>, vector<8x128xf32>, vector<1000x128xf32> -> vector<1000x128xf32>
    %get3A_73 = arith.constant 0 : index
    %get3A_74 = arith.constant 3 : index
    %get3A_75 = arith.constant 0 : index
    %get3A_76 = vector.load %arg3[%get3A_73, %get3A_74, %get3A_75] : memref<1000x5x128xf32, #tpu.memory_space<vmem>>, vector<1000x1x128xf32>
    %get3A_77 = vector.shape_cast %get3A_76 : vector<1000x1x128xf32> to vector<1000x128xf32>
    %get3A_78 = arith.constant 0 : index
    %get3A_79 = arith.constant 0 : index
    %get3A_80 = vector.load %arg5[%get3A_78, %get3A_79] : memref<128x128xf32, #tpu.memory_space<vmem>>, vector<128x128xf32>
    %dot_general3A_81 = arith.constant dense<0.000000e+00> : vector<1000x128xf32>
    %dot_general3A_82 = tpu.matmul %get3A_77, %get3A_80, %dot_general3A_81 {dimension_numbers = #tpu.dot_dimension_numbers<[1], [0], [0], [1], [0, 0, 1, 1], [], []>, precision = #tpu.contract_precision<fp32>, transpose_lhs_hint = false} : vector<1000x128xf32>, vector<128x128xf32>, vector<1000x128xf32> -> vector<1000x128xf32>
    %mul3A_83 = arith.mulf %dot_general3A_72, %dot_general3A_82 : vector<1000x128xf32>
    %add3A_84 = arith.addf %add3A_62, %mul3A_83 : vector<1000x128xf32>
    %get3A_85 = arith.constant 0 : index
    %get3A_86 = arith.constant 4 : index
    %get3A_87 = arith.constant 0 : index
    %get3A_88 = vector.load %arg2[%get3A_85, %get3A_86, %get3A_87] : memref<1000x5x8xf32, #tpu.memory_space<vmem>>, vector<1000x1x8xf32>
    %get3A_89 = vector.shape_cast %get3A_88 : vector<1000x1x8xf32> to vector<1000x8xf32>
    %get3A_90 = arith.constant 0 : index
    %get3A_91 = arith.constant 0 : index
    %get3A_92 = vector.load %arg4[%get3A_90, %get3A_91] : memref<8x128xf32, #tpu.memory_space<vmem>>, vector<8x128xf32>
    %dot_general3A_93 = arith.constant dense<0.000000e+00> : vector<1000x128xf32>
    %dot_general3A_94 = tpu.matmul %get3A_89, %get3A_92, %dot_general3A_93 {dimension_numbers = #tpu.dot_dimension_numbers<[1], [0], [0], [1], [0, 0, 1, 1], [], []>, precision = #tpu.contract_precision<fp32>, transpose_lhs_hint = false} : vector<1000x8xf32>, vector<8x128xf32>, vector<1000x128xf32> -> vector<1000x128xf32>
    %get3A_95 = arith.constant 0 : index
    %get3A_96 = arith.constant 4 : index
    %get3A_97 = arith.constant 0 : index
    %get3A_98 = vector.load %arg3[%get3A_95, %get3A_96, %get3A_97] : memref<1000x5x128xf32, #tpu.memory_space<vmem>>, vector<1000x1x128xf32>
    %get3A_99 = vector.shape_cast %get3A_98 : vector<1000x1x128xf32> to vector<1000x128xf32>
    %get3A_100 = arith.constant 0 : index
    %get3A_101 = arith.constant 0 : index
    %get3A_102 = vector.load %arg5[%get3A_100, %get3A_101] : memref<128x128xf32, #tpu.memory_space<vmem>>, vector<128x128xf32>
    %dot_general3A_103 = arith.constant dense<0.000000e+00> : vector<1000x128xf32>
    %dot_general3A_104 = tpu.matmul %get3A_99, %get3A_102, %dot_general3A_103 {dimension_numbers = #tpu.dot_dimension_numbers<[1], [0], [0], [1], [0, 0, 1, 1], [], []>, precision = #tpu.contract_precision<fp32>, transpose_lhs_hint = false} : vector<1000x128xf32>, vector<128x128xf32>, vector<1000x128xf32> -> vector<1000x128xf32>
    %mul3A_105 = arith.mulf %dot_general3A_94, %dot_general3A_104 : vector<1000x128xf32>
    %add3A_106 = arith.addf %add3A_84, %mul3A_105 : vector<1000x128xf32>
    %get3A_107 = arith.constant 0 : index
    %get3A_108 = arith.constant 0 : index
    %get3A_109 = vector.load %arg1[%get3A_107, %get3A_108] : memref<1000x128xf32, #tpu.memory_space<vmem>>, vector<1000x128xf32>
    %mul3A_110 = arith.constant 4.000000e-02 : f32
    %mul3A_111 = vector.broadcast %mul3A_110 : f32 to vector<1000x128xf32>
    %mul3A_112 = arith.mulf %add3A_106, %mul3A_111 : vector<1000x128xf32>
    %add3A_113 = arith.addf %get3A_109, %mul3A_112 : vector<1000x128xf32>
    %max3A = arith.constant 0.000000e+00 : f32
    %max3A_114 = vector.broadcast %max3A : f32 to vector<1000x128xf32>
    %max3A_115 = arith.maximumf %add3A_113, %max3A_114 : vector<1000x128xf32>
    %get3A_116 = arith.constant 0 : index
    %get3A_117 = arith.constant 0 : index
    %get3A_118 = vector.load %arg6[%get3A_116, %get3A_117] : memref<128x16xf32, #tpu.memory_space<vmem>>, vector<128x16xf32>
    %dot_general3A_119 = arith.constant dense<0.000000e+00> : vector<1000x16xf32>
    %dot_general3A_120 = tpu.matmul %max3A_115, %get3A_118, %dot_general3A_119 {dimension_numbers = #tpu.dot_dimension_numbers<[1], [0], [0], [1], [0, 0, 1, 1], [], []>, precision = #tpu.contract_precision<fp32>, transpose_lhs_hint = false} : vector<1000x128xf32>, vector<128x16xf32>, vector<1000x16xf32> -> vector<1000x16xf32>
    %get3A_121 = arith.constant 0 : index
    %get3A_122 = arith.constant 0 : index
    %get3A_123 = vector.load %arg7[%get3A_121, %get3A_122] : memref<1x16xf32, #tpu.memory_space<vmem>>, vector<1x16xf32>
    %add3A_124 = vector.broadcast %get3A_123 : vector<1x16xf32> to vector<1000x16xf32>
    %add3A_125 = arith.addf %dot_general3A_120, %add3A_124 : vector<1000x16xf32>
    %reduce_max3A = arith.constant dense<0xFF800000> : vector<1000xf32>
    %reduce_max3A_126 = vector.multi_reduction <maximumf>, %add3A_125, %reduce_max3A [1] : vector<1000x16xf32> to vector<1000xf32>
    %broadcast_in_dim3A_127 = vector.shape_cast %reduce_max3A_126 : vector<1000xf32> to vector<1000x1xf32>
    %sub3A = vector.broadcast %broadcast_in_dim3A_127 : vector<1000x1xf32> to vector<1000x16xf32>
    %sub3A_128 = arith.subf %add3A_125, %sub3A : vector<1000x16xf32>
    %exp3A = math.exp %sub3A_128 : vector<1000x16xf32>
    %reduce_sum3A = arith.constant dense<0.000000e+00> : vector<1000xf32>
    %reduce_sum3A_129 = vector.multi_reduction <add>, %exp3A, %reduce_sum3A [1] : vector<1000x16xf32> to vector<1000xf32>
    %broadcast_in_dim3A_130 = vector.shape_cast %reduce_sum3A_129 : vector<1000xf32> to vector<1000x1xf32>
    %log3A = math.log %broadcast_in_dim3A_130 : vector<1000x1xf32>
    %add3A_131 = arith.addf %log3A, %broadcast_in_dim3A_127 : vector<1000x1xf32>
    %sub3A_132 = vector.broadcast %add3A_131 : vector<1000x1xf32> to vector<1000x16xf32>
    %sub3A_133 = arith.subf %add3A_125, %sub3A_132 : vector<1000x16xf32>
    %swap3A = arith.constant 0 : index
    %swap3A_134 = arith.constant 0 : index
    %swap3A_135 = vector.load %arg8[%swap3A, %swap3A_134] : memref<1000x16xf32, #tpu.memory_space<vmem>>, vector<1000x16xf32>
    tpu.vector_store %arg8[%swap3A, %swap3A_134], %sub3A_133 {strides = array<i32>} : memref<1000x16xf32, #tpu.memory_space<vmem>>, vector<1000x16xf32>,
    %swap3A_136 = arith.constant 0 : index
    %swap3A_137 = arith.constant 0 : index
    %swap3A_138 = vector.load %arg9[%swap3A_136, %swap3A_137] : memref<1000x16xf32, #tpu.memory_space<vmem>>, vector<1000x16xf32>
    tpu.vector_store %arg9[%swap3A_136, %swap3A_137], %add3A_125 {strides = array<i32>} : memref<1000x16xf32, #tpu.memory_space<vmem>>, vector<1000x16xf32>,
    return
  }
  func.func @transform_0(%arg0: i32) -> (i32, i32) {
    %c0_i32 = arith.constant 0 : i32
    %c0_i32_0 = arith.constant 0 : i32
    return %arg0, %c0_i32 : i32, i32
  }
  func.func @transform_1(%arg0: i32) -> (i32, i32, i32) {
    %c0_i32 = arith.constant 0 : i32
    %c0_i32_0 = arith.constant 0 : i32
    %c0_i32_1 = arith.constant 0 : i32
    return %arg0, %c0_i32, %c0_i32_0 : i32, i32, i32
  }
  func.func @transform_2(%arg0: i32) -> (i32, i32, i32) {
    %c0_i32 = arith.constant 0 : i32
    %c0_i32_0 = arith.constant 0 : i32
    %c0_i32_1 = arith.constant 0 : i32
    return %arg0, %c0_i32, %c0_i32_0 : i32, i32, i32
  }
  func.func @transform_3(%arg0: i32) -> (i32, i32) {
    %c0_i32 = arith.constant 0 : i32
    %c0_i32_0 = arith.constant 0 : i32
    %c0_i32_1 = arith.constant 0 : i32
    return %c0_i32, %c0_i32_0 : i32, i32
  }
  func.func @transform_4(%arg0: i32) -> (i32, i32) {
    %c0_i32 = arith.constant 0 : i32
    %c0_i32_0 = arith.constant 0 : i32
    %c0_i32_1 = arith.constant 0 : i32
    return %c0_i32, %c0_i32_0 : i32, i32
  }
  func.func @transform_5(%arg0: i32) -> (i32, i32) {
    %c0_i32 = arith.constant 0 : i32
    %c0_i32_0 = arith.constant 0 : i32
    %c0_i32_1 = arith.constant 0 : i32
    return %c0_i32, %c0_i32_0 : i32, i32
  }
  func.func @transform_6(%arg0: i32) -> (i32, i32) {
    %c0_i32 = arith.constant 0 : i32
    %c0_i32_0 = arith.constant 0 : i32
    %c0_i32_1 = arith.constant 0 : i32
    return %c0_i32, %c0_i32_0 : i32, i32
  }
  func.func @transform_7(%arg0: i32) -> (i32, i32) {
    %c0_i32 = arith.constant 0 : i32
    %c0_i32_0 = arith.constant 0 : i32
    return %arg0, %c0_i32 : i32, i32
  }
  func.func @transform_8(%arg0: i32) -> (i32, i32) {
    %c0_i32 = arith.constant 0 : i32
    %c0_i32_0 = arith.constant 0 : i32
    return %arg0, %c0_i32 : i32, i32
  }
}

</mosaic_0001>

<sc_bundles>
// kernel: kernel.12.cloned.1.call-start
scs
__scs_entry_jumppad:
0x0: {  	(pc) =	sbr.rel $0x88, $3  }
0x1: {  	(tag) =	ssettag $0x0;
	lr =	simm.s32 $0x1  }
0x2: {  	[smem:$0x3F97] =	sst lr;
	_ =	strace $0xD0000000  }
0x3: {  	_ = 	snop  }
0x4: {  	_ = 	snop  }
0x5: {  	_ = 	snop  }
0x6: {  	_ = 	snop  }
0x7: {  	_ = 	snop  }
__scs_overlays_trampoline_lowered:
0x8: {  	[smem:$0x3FA6] =	sst s0  }
0x9: {  	[smem:$0x3FA7] =	sst s1  }
0xa: {  	[smem:$0x3FA8] =	sst s2  }
0xb: {  	[smem:$0x3FA9] =	sst s3  }
0xc: {  	[smem:$0x3FAA] =	sst s4  }
0xd: {  	[smem:$0x3FAB] =	sst s5  }
0xe: {  	[smem:$0x3FAC] =	sst s6  }
0xf: {  	[smem:$0x3FAD] =	sst s7  }
0x10: {  	[smem:$0x3FAE] =	sst s8  }
0x11: {  	[smem:$0x3FAF] =	sst s9;
	s0 =	simm.s32 @!p0 $0x0  }
0x12: {  	s1 =	sld [smem:$0x3F95];
	s0 =	simm.s32 @p0 $0x1  }
0x13: {  	[smem:$0x3FB0] =	sst s0;
	s0 =	simm.s32 @!p1 $0x0  }
0x14: {  	s2 =	sld [smem:$0x3F94];
	s0 =	simm.s32 @p1 $0x1  }
0x15: {  	[smem:$0x3FB1] =	sst s0;
	s0 =	simm.s32 @!p2 $0x0  }
0x16: {  	s3 =	sld [smem:$0x3FDB];
	s0 =	simm.s32 @p2 $0x1  }
0x17: {  	s4 =	simm.s32 $0x1BF5;
	[smem:$0x3FB3] =	sst s0  }
0x18: {  	s0 =	sld [smem:$0x3F96];
	_ =	swait.ge [sflag:s4], $0x0  }
0x19: {  	s7 =	sld [smem:$0x3F97]  }
0x1a: {  	s8 =	sadd.s32 $0xFFFFE003, lr  }
0x1b: {  	s9 =	sadd.s32 $0xFFFFFEF7, lr;
	s5 =	simm.s32 $0xFFFFFFFF;
	p2 =	slt.u32 s8, $0xFFFFF086  }
0x1c: {  	p1 =	slt.u32 s9, $0xF7A;
	s5 =	simm.s32 @!p2 $0x0  }
0x1d: {  	s5 =	simm.s32 @p1 $0x1;
	p0 =	seq.s32 s7, s2  }
0x1e: {  	s7 =	smul.u32 @!p0 $0xF7A, s2;
	p2 =	seq.s32 @!p0 s5, $0x0  }
0x1f: {  	s9 =	smul.u32 $0xF7A, s1;
	s8 =	simm.s32 @!p0 $0x1BF5;
	p2 =	por !p2, p0  }
0x20: {  	[sflag:s8] =	ssyncset.s32 @!p0 $0xFFFFF086;
	s6 =	sadd.s32 @!p0 s3, s7;
	s7 =	simm.s32 @!p0 $0x108  }
0x21: {  	s3 =	sadd.s32 s3, s9;
	s6 =	sadd.s32 @!p0 $0x88, s6;
	s7 =	simm.s32 @p2 $0x1082  }
0x22: {  	[simem:s7], [sflag:s8] =	dma.local @!p0 [hbm:s6], $0xF7A  }
0x23: {  	s9 =	sor.u32 $0xD0000000, s2;
	s6 =	simm.s32 $0x108;
	_ =	swait.ge @!p0 [sflag:s8], $0x0  }
0x24: {  	s3 =	sadd.s32 $0x88, s3;
	s6 =	simm.s32 @!p1 $0x1082;
	[sflag:s4] =	ssyncset.s32 $0xFFFFF086  }
0x25: {  	[simem:s6], [sflag:s4] =	dma.local [hbm:s3], $0xF7A  }
0x26: {  	[smem:$0x3F97] =	sst s1;
	(tag) =	ssettag s2;
	_ =	strace s9  }
0x27: {  	s1 =	sld [smem:$0x3FA7]  }
0x28: {  	s2 =	sld [smem:$0x3FA8]  }
0x29: {  	s4 =	sld [smem:$0x3FAA]  }
0x2a: {  	p0 =	seq.s32 s5, $0x0;
	s5 =	sld [smem:$0x3FAB]  }
0x2b: {  	s6 =	sld [smem:$0x3FAC]  }
0x2c: {  	s7 =	sld [smem:$0x3FAD]  }
0x2d: {  	s3 =	simm.s32 $0x108;
	s8 =	sld [smem:$0x3FAE]  }
0x2e: {  	s3 =	simm.s32 @!p0 $0x1082;
	s9 =	sld [smem:$0x3FAF]  }
0x2f: {  	lr =	sadd.s32 s0, s3;
	s0 =	sld [smem:$0x3FA6]  }
0x30: {  	s3 =	sld [smem:$0x3FA9]  }
0x31: {  	[smem:$0x3FB2] =	sst s10  }
0x32: {  	s10 =	sld [smem:$0x3FB0];
	_ =	sdelay $0x3  }
0x33: {  	p0 =	seq.s32 s10, $0x1;
	s10 =	sld [smem:$0x3FB2];
	_ =	sdelay $0x3  }
0x34: {  	[smem:$0x3FB2] =	sst s10  }
0x35: {  	s10 =	sld [smem:$0x3FB1];
	_ =	sdelay $0x3  }
0x36: {  	p1 =	seq.s32 s10, $0x1;
	s10 =	sld [smem:$0x3FB2];
	_ =	sdelay $0x3  }
0x37: {  	[smem:$0x3FB2] =	sst s10  }
0x38: {  	s10 =	sld [smem:$0x3FB3]  }
0x39: {  	_ = 	snop;
	(pc) =	sbr.ind lr, $3  }
0x3a: {  	_ = 	snop  }
0x3b: {  	_ = 	snop  }
0x3c: {  	p2 =	seq.s32 s10, $0x1;
	s10 =	sld [smem:$0x3FB2]  }
0x3d: {  	_ =	shalt  }
0x3e: {  	_ =	shalt  }
0x3f: {  	_ =	shalt  }
0x40: {  	_ =	shalt  }
0x41: {  	_ =	shalt  }
0x42: {  	_ =	shalt  }
0x43: {  	_ =	shalt  }
0x44: {  	_ =	shalt  }
0x45: {  	_ =	shalt  }
0x46: {  	_ =	shalt  }
0x47: {  	_ =	shalt  }
0x48: {  	_ =	shalt  }
0x49: {  	_ =	shalt  }
0x4a: {  	_ =	shalt  }
0x4b: {  	_ =	shalt  }
0x4c: {  	_ =	shalt  }
0x4d: {  	_ =	shalt  }
0x4e: {  	_ =	shalt  }
0x4f: {  	_ =	shalt  }
0x50: {  	_ =	shalt  }
0x51: {  	_ =	shalt  }
0x52: {  	_ =	shalt  }
0x53: {  	_ =	shalt  }
0x54: {  	_ =	shalt  }
0x55: {  	_ =	shalt  }
0x56: {  	_ =	shalt  }
0x57: {  	_ =	shalt  }
0x58: {  	_ =	shalt  }
0x59: {  	_ =	shalt  }
0x5a: {  	_ =	shalt  }
0x5b: {  	_ =	shalt  }
0x5c: {  	_ =	shalt  }
0x5d: {  	_ =	shalt  }
0x5e: {  	_ =	shalt  }
0x5f: {  	_ =	shalt  }
0x60: {  	_ =	shalt  }
0x61: {  	_ =	shalt  }
0x62: {  	_ =	shalt  }
0x63: {  	_ =	shalt  }
0x64: {  	_ =	shalt  }
0x65: {  	_ =	shalt  }
0x66: {  	_ =	shalt  }
0x67: {  	_ =	shalt  }
0x68: {  	_ =	shalt  }
0x69: {  	_ =	shalt  }
0x6a: {  	_ =	shalt  }
0x6b: {  	_ =	shalt  }
0x6c: {  	_ =	shalt  }
0x6d: {  	_ =	shalt  }
0x6e: {  	_ =	shalt  }
0x6f: {  	_ =	shalt  }
0x70: {  	_ =	shalt  }
0x71: {  	_ =	shalt  }
0x72: {  	_ =	shalt  }
0x73: {  	_ =	shalt  }
0x74: {  	_ =	shalt  }
0x75: {  	_ =	shalt  }
0x76: {  	_ =	shalt  }
0x77: {  	_ =	shalt  }
0x78: {  	_ =	shalt  }
0x79: {  	_ =	shalt  }
0x7a: {  	_ =	shalt  }
0x7b: {  	_ =	shalt  }
0x7c: {  	_ =	shalt  }
0x7d: {  	_ =	shalt  }
0x7e: {  	_ =	shalt  }
0x7f: {  	_ =	shalt  }
0x80: {  	_ =	shalt  }
0x81: {  	_ =	shalt  }
0x82: {  	_ =	shalt  }
0x83: {  	_ =	shalt  }
0x84: {  	_ =	shalt  }
0x85: {  	_ =	shalt  }
0x86: {  	_ =	shalt  }
0x87: {  	_ =	shalt  }
.Lfunc_end0:
.L_simem_size_0:
called_computation.1_lowered:
.L_overlay_start_0:
0x88: {  	s2 =	sld [smem:$0x3FD9]  }
0x89: {  	s3 =	sld [smem:$0x3FFE];
	_ =	sdelay $0x1  }
0x8a: {  	s1 =	srdreg.scid  }
0x8b: {  	s0 =	sand.u32 $0x1, s1  }
0x8c: {  	s16 =	sshll.u32 s0, $0xA;
	s2 =	sadd.s32 s3, s2  }
0x8d: {  	s2 =	sadd.s32 s2, s16  }
0x8e: {  	[smem:$0x3FBE] =	sst s2  }
0x8f: {  	_ = 	snop  }
0x90: {  	(tm) =	ssettm $0x1  }
0x91: {  	s17 =	sld [smem:$0x3FFB];
	_ =	sdelay $0x3  }
0x92: {  	_ =	strace s17  }
0x93: {  	s2 =	sld [smem:$0x3FFC];
	_ =	sdelay $0x3  }
0x94: {  	_ =	strace s2  }
0x95: {  	s2 =	sld [smem:$0x3FFD];
	_ =	sdelay $0x3  }
0x96: {  	_ =	strace s2  }
0x97: {  	_ =	strace $0x8FFFFFFF  }
0x98: {  	s18 =	sld [smem:$0x3FDB];
	_ =	sdelay $0x1  }
0x99: {  	s19 =	simm.s32 $_scs_section_size  }
0x9a: {  	s4 =	simm.s32 $_size__tile_overlayer_lowered;
	s5 =	simm.s32 $_tile_overlayer_lowered  }
0x9b: {  	s22 =	simm.s32 $0x1BFF;
	s21 =	sshll.u32 s5, $0x1;
	s2 =	sadd.s32 s19, s18  }
0x9c: {  	s6 =	simm.s32 $0x0;
	s20 =	sshll.u32 s4, $0x1;
	s4 =	sadd.s32 s21, s2  }
0x9d: {  	[timem:s6], [sflag:s22] =	dma.local [hbm:s4], s20  }
0x9e: {  	_ =	swait.ge [sflag:s22], s20  }
0x9f: {  	s3 =	ssub.s32 $0x0, s20;
	[sflag:s22] =	ssyncset.done $0x0  }
0xa0: {  	[sflag:s22] =	ssyncadd.s32 s3;
	_ =	sdelay $0x1  }
0xa1: {  	s23 =	simm.s32 $0x1B8B  }
0xa2: {  	_ =	swait.ge [sflag:s23], $0x1  }
0xa3: {  	[sflag:s23] =	ssyncset.done $0x0  }
0xa4: {  	s25 =	simm.s32 $0x1B8E;
	s24 =	sld [smem:$0x3FFE];
	[sflag:s23] =	ssyncadd.s32 $0xFFFFFFFF  }
0xa5: {  	s26 =	simm.s32 $execute0_lowered;
	[smem:$0x3FD2] =	sst s25  }
0xa6: {  	s4 =	sshll.u32 s26, $0x1;
	_ =	strace $0x80000049;
	[dreg:$0x1] =	wrdreg $0xFFFFFFFF  }
0xa7: {  	s28 =	simm.s32 $_size_execute0_lowered;
	s2 =	sadd.s32 s2, s4;
	[dreg:$0x0] =	wrdreg $0x0  }
0xa8: {  	s4 =	sshll.u32 s28, $0x1;
	[dreg:$0x2] =	wrdreg s2  }
0xa9: {  	[dreg:$0x3] =	wrdreg s4  }
0xaa: {  	[dreg:$0x4] =	wrdreg $0xC0  }
0xab: {  	_ =	task [dreg:s6], $0x5FFFF  }
0xac: {  	[dreg:$0x1] =	wrdreg $0xFFFFFFFF  }
0xad: {  	[dreg:$0x0] =	wrdreg $0x60  }
0xae: {  	[dreg:$0x2] =	wrdreg s24  }
0xaf: {  	[dreg:$0x3] =	wrdreg $0x9  }
0xb0: {  	_ =	task.clear_ibuf [dreg:s6], $0x4FFFF;
	_ =	strace $0x90000049  }
0xb1: {  	s29 =	simm.s32 $0x9;
	_ =	strace $0x8000004B  }
0xb2: {  	_ =	swait.ge [sflag:s29], $0x1  }
0xb3: {  	[sflag:s29] =	ssyncadd.s32 $0xFFFFFFFF  }
0xb4: {  	_ =	strace $0x9000004B  }
0xb5: {  	_ =	sfence  }
0xb6: {  	s30 =	sld [smem:$0x0];
	_ =	sdelay $0x2  }
0xb7: {  	s31 =	sshll.u32 s1, $0xD;
	s1 =	sshrl.u32 s1, $0x2  }
0xb8: {  	s3 =	sand.u32 $0x4000, s31;
	s1 =	sadd.s32 s1, s30  }
0xb9: {  	s0 =	sor.u32 s3, s0;
	s1 =	sshll.u32 s1, $0x11  }
0xba: {  	s0 =	sor.u32 s1, s0  }
0xbb: {  	s0 =	sadd.s32 $0x8F2B, s0  }
0xbc: {  	[sflag:s0] =	ssyncadd.remote.s32 $0x1  }
0xbd: {  	_ =	sfence.sel $0xFFFF  }
0xbe: {  	[dreg:$0x0] =	wrdreg $0xFFFFFFFF;
	(pc) =	sbr.abs _section_cstart, $3  }
0xbf: {  	[dreg:$0x1] =	wrdreg $0xFFFFFFFF  }
0xc0: {  	_ =	task.clear_ibuf [dreg:s6], $0x2FFFF;
	_ =	strace $0x9FFFFFFF  }
0xc1: {  	(tm) =	ssettm $0x7FFFFFFF  }
tec
execute0_lowered:
.L_overlay_start_1:
0x0: {  	(tag) =	ssettag $0x1  }
0x1: {  	s1 =	srdreg.scid  }
0x2: {  	s0 =	stileid.u32;
	s4 =	rddreg [dreg:$0x0]  }
0x3: {  	s2 =	simm.s32 $0x0;
	s13 =	simm.s32 $0x6800;
	s14 =	simm.s32 $0x1  }
0x4: {  	s15 =	simm.s32 $0x2;
	s16 =	simm.s32 $0x2780;
	s25 =	smul.u32 $0x280000, s0  }
0x5: {  	s17 =	simm.s32 $0x0;
	s7 =	sand.u32 $0x1, s1;
	s29 =	smul.u32 $0x50000, s0  }
0x6: {  	s3 =	sshll.u32 s0, $0x1;
	s1 =	rddreg [dreg:$0x1];
	s28 =	smul.u32 $0x140000, s7  }
0x7: {  	[smem:$0x7FF] =	sst s2;
	s5 =	sor.u32 s7, s3;
	s30 =	smul.u32 $0x28000, s7  }
0x8: {  	s12 =	sadd.s32 $0x5D200, s4;
	s8 =	ssub.s32 $0x2, s7;
	s6 =	smul.u32 $0x2800, s5  }
0x9: {  	_ =	strace $0x8000004A;
	s9 =	smul.u32 $0x140000, s5;
	s10 =	sshrl.u32 s8, $0x1  }
0xa: {  	s3 =	sadd.s32 $0x35200, s4;
	s11 =	smul.u32 $0x28000, s5;
	s24 =	ssub.s32 s8, s10  }
0xb: {  	s8 =	sadd.s32 s28, s25;
	s10 =	sadd.s32 s29, s12;
	s6 =	sshrl.u32 s6, $0x3  }
0xc: {  	s26 =	sshrl.u32 s9, $0x3;
	s5 =	smax.u32 s24, $0x1;
	s31 =	sadd.s32 s12, s11  }
0xd: {  	s8 =	sshrl.u32 s8, $0x3;
	s9 =	sadd.s32 s30, s10;
	s10 =	simm.s32 $0x3  }
0xe: {  	s11 =	simm.s32 $0x2800;
	s6 =	sadd.s32 s6, s4;
	s7 =	sadd.s32 $0x27800, s31  }
0xf: {  	s8 =	sadd.s32 s8, s12;
	s4 =	sadd.s32 $0x2B200, s6;
	s6 =	sadd.s32 s12, s26  }
0x10: {  	s9 =	sadd.s32 $0x800, s9;
	s12 =	simm.s32 $0x80;
	s6 =	sadd.s32 $0x27000, s6  }
.LBB2_1:
0x11: {  	[tilespmem:s2], [sflag:$0x3] =	stream.linear.gather [hbm4b:s4+s2], $0x2800, $0x38;
	[tilespmem:$0xA800] =	vst v63  }
0x12: {  	_ =	swait.ge [sflag:s10], $0x2800  }
0x13: {  	[sflag:s10] =	ssyncset.done $0x0  }
0x14: {  	[sflag:s10] =	ssyncadd.s32 $0xFFFFD800  }
0x15: {  	[tilespmem:s11], [sflag:$0x1] =	stream.indirect.gather [hbm4b:s3+s12], $0x80, s2, s12, $0xb8;
	[tilespmem:$0xA800] =	vst v63  }
0x16: {  	_ = 	snop  }
0x17: {  	[tilespmem:s13], [sflag:$0x2] =	stream.indirect.gather [hbm4b:s3+s12], $0x80, s12, s12, $0xb8;
	[tilespmem:$0xA800] =	vst v63  }
0x18: {  	_ =	swait.ge [sflag:s14], $0x4000  }
0x19: {  	[sflag:s14] =	ssyncset.done $0x0  }
0x1a: {  	s18 =	sadd.s32 $0x0, s8;
	[sflag:s14] =	ssyncadd.s32 $0xFFFFC000  }
0x1b: {  	[hbm4b:s18+s2] =	stream.linear.scatter [tilespmem:s11], [sflag:$0x3], $0x4000, $0x38;
	[tilespmem:$0xA800] =	vst v63  }
0x1c: {  	_ =	swait.ge [sflag:s10], $0x4000  }
0x1d: {  	[sflag:s10] =	ssyncset.done $0x0  }
0x1e: {  	s30 =	simm.s32 $0x100;
	[sflag:s10] =	ssyncadd.s32 $0xFFFFC000  }
0x1f: {  	[tilespmem:s11], [sflag:$0x1] =	stream.indirect.gather [hbm4b:s3+s12], $0x80, s30, s12, $0xb8;
	[tilespmem:$0xA800] =	vst v63  }
0x20: {  	_ =	swait.ge [sflag:s15], $0x4000  }
0x21: {  	[sflag:s15] =	ssyncset.done $0x0  }
0x22: {  	s31 =	sadd.s32 $0x0, s9;
	[sflag:s15] =	ssyncadd.s32 $0xFFFFC000  }
0x23: {  	[hbm4b:s31+s2] =	stream.linear.scatter [tilespmem:s13], [sflag:$0x3], $0x4000, $0x38;
	[tilespmem:$0xA800] =	vst v63  }
0x24: {  	_ =	swait.ge [sflag:s10], $0x4000  }
0x25: {  	s19 =	simm.s32 $0x80;
	s18 =	simm.s32 $0x1000;
	[sflag:s10] =	ssyncset.done $0x0  }
.LBB2_2:
0x26: {  	p0 =	sne.s32 s18, $0x26000;
	[sflag:s10] =	ssyncadd.s32 $0xFFFFC000;
	s19 =	sadd.s32 $0x100, s19  }
0x27: {  	[tilespmem:s13], [sflag:$0x2] =	stream.indirect.gather [hbm4b:s3+s12], $0x80, s19, s12, $0xb8;
	[tilespmem:$0xA800] =	vst v63  }
0x28: {  	s20 =	smov.u32 s18;
	s18 =	sadd.s32 $0x1000, s18;
	_ =	swait.ge [sflag:s14], $0x4000  }
0x29: {  	[sflag:s14] =	ssyncset.done $0x0  }
0x2a: {  	s21 =	sadd.s32 s20, s8;
	[sflag:s14] =	ssyncadd.s32 $0xFFFFC000  }
0x2b: {  	[hbm4b:s21+s2] =	stream.linear.scatter [tilespmem:s11], [sflag:$0x3], $0x4000, $0x38;
	[tilespmem:$0xA800] =	vst v63  }
0x2c: {  	_ =	swait.ge [sflag:s10], $0x4000  }
0x2d: {  	[sflag:s10] =	ssyncset.done $0x0  }
0x2e: {  	s21 =	sadd.s32 $0x80, s19;
	[sflag:s10] =	ssyncadd.s32 $0xFFFFC000  }
0x2f: {  	[tilespmem:s11], [sflag:$0x1] =	stream.indirect.gather [hbm4b:s3+s12], $0x80, s21, s12, $0xb8;
	[tilespmem:$0xA800] =	vst v63  }
0x30: {  	_ =	swait.ge [sflag:s15], $0x4000  }
.Ltmp0:
0x31: {  	[sflag:s15] =	ssyncset.done $0x0;
	(pc) =	sbr.rel @p0 .LBB2_2-.Ltmp0, $4  }
0x32: {  	s20 =	sadd.s32 s20, s9;
	[sflag:s15] =	ssyncadd.s32 $0xFFFFC000  }
0x33: {  	[hbm4b:s20+s2] =	stream.linear.scatter [tilespmem:s13], [sflag:$0x3], $0x4000, $0x38;
	[tilespmem:$0xA800] =	vst v63  }
0x34: {  	_ =	swait.ge [sflag:s10], $0x4000  }
0x35: {  	[sflag:s10] =	ssyncset.done $0x0  }
0x36: {  	[sflag:s10] =	ssyncadd.s32 $0xFFFFC000  }
0x37: {  	[tilespmem:s13], [sflag:$0x2] =	stream.indirect.gather [hbm4b:s3+s12], $0x80, s16, s12, $0xb8;
	[tilespmem:$0xA800] =	vst v63  }
0x38: {  	_ =	swait.ge [sflag:s14], $0x4000  }
0x39: {  	[sflag:s14] =	ssyncset.done $0x0  }
0x3a: {  	[sflag:s14] =	ssyncadd.s32 $0xFFFFC000  }
0x3b: {  	[hbm4b:s6+s2] =	stream.linear.scatter [tilespmem:s11], [sflag:$0x3], $0x4000, $0x38;
	[tilespmem:$0xA800] =	vst v63  }
0x3c: {  	_ =	swait.ge [sflag:s10], $0x4000  }
0x3d: {  	[sflag:s10] =	ssyncset.done $0x0  }
0x3e: {  	[sflag:s10] =	ssyncadd.s32 $0xFFFFC000  }
0x3f: {  	s17 =	sadd.s32 $0x1, s17;
	_ =	swait.ge [sflag:s15], $0x4000  }
0x40: {  	p0 =	sne.s32 s17, s5;
	[sflag:s15] =	ssyncset.done $0x0  }
.Ltmp1:
0x41: {  	[sflag:s15] =	ssyncadd.s32 $0xFFFFC000;
	(pc) =	sbr.rel @p0 .LBB2_1-.Ltmp1, $4  }
0x42: {  	[hbm4b:s7+s2] =	stream.linear.scatter [tilespmem:s13], [sflag:$0x3], $0x4000, $0x38;
	[tilespmem:$0xA800] =	vst v63  }
0x43: {  	_ =	swait.ge [sflag:s10], $0x4000  }
0x44: {  	[sflag:s10] =	ssyncset.done $0x0  }
0x45: {  	[sflag:s10] =	ssyncadd.s32 $0xFFFFC000  }
0x46: {  	_ =	sfence.sel $0x180000  }
0x47: {  	[bflag:$0x0] =	sbarrier.arrive $0xFFFF  }
0x48: {  	p0 =	sne.s32 s0, $0x0;
	_ =	strace $0x9000004A  }
0x49: {  	s0 =	sadd.s32 @!p0 $0x100000, s1;
	[bflag:$0x2] =	sbarrier.arrive $0xFFFF  }
0x4a: {  	[sflag:s0] =	ssyncadd.tile.s32 @!p0 $0x1;
	_ =	shalt  }
.Lfunc_end2:
_tile_overlayer_lowered:
.L_overlay_start_2:
0x4b: {  	(tag) =	ssettag $0x2  }
0x4c: {  	s0 =	rddreg [dreg:$0x0];
	s2 =	stileid.u32  }
0x4d: {  	s1 =	rddreg [dreg:$0x1];
	p0 =	sne.s32 s2, $0x0  }
0x4e: {  	s3 =	rddreg [dreg:$0x2];
	[bflag:$0x3] =	sbarrier.arrive $0xFFFF;
	s2 =	simm.s32 @!p0 $0x1C03  }
0x4f: {  	[timem:s3], [sflag:s2] =	dma.local @!p0 [hbm:s0], s1  }
0x50: {  	s0 =	simm.s32 @!p0 $0x3  }
0x51: {  	_ =	swait.ge @!p0 [sflag:s0], s1  }
0x52: {  	s1 =	ssub.s32 @!p0 $0x0, s1;
	[sflag:s0] =	ssyncset.done @!p0 $0x0  }
0x53: {  	[sflag:s0] =	ssyncadd.s32 @!p0 s1  }
0x54: {  	[bflag:$0x3] =	sbarrier.arrive $0xFFFF  }
0x55: {  	_ =	shalt  }

// kernel: kernel.15.cloned.1.call-start
scs
__scs_entry_jumppad:
0x0: {  	(pc) =	sbr.rel $0x88, $3  }
0x1: {  	(tag) =	ssettag $0x0;
	lr =	simm.s32 $0x1  }
0x2: {  	[smem:$0x3F97] =	sst lr;
	_ =	strace $0xD0000000  }
0x3: {  	_ = 	snop  }
0x4: {  	_ = 	snop  }
0x5: {  	_ = 	snop  }
0x6: {  	_ = 	snop  }
0x7: {  	_ = 	snop  }
__scs_overlays_trampoline_lowered:
0x8: {  	[smem:$0x3FA6] =	sst s0  }
0x9: {  	[smem:$0x3FA7] =	sst s1  }
0xa: {  	[smem:$0x3FA8] =	sst s2  }
0xb: {  	[smem:$0x3FA9] =	sst s3  }
0xc: {  	[smem:$0x3FAA] =	sst s4  }
0xd: {  	[smem:$0x3FAB] =	sst s5  }
0xe: {  	[smem:$0x3FAC] =	sst s6  }
0xf: {  	[smem:$0x3FAD] =	sst s7  }
0x10: {  	[smem:$0x3FAE] =	sst s8  }
0x11: {  	[smem:$0x3FAF] =	sst s9;
	s0 =	simm.s32 @!p0 $0x0  }
0x12: {  	s1 =	sld [smem:$0x3F95];
	s0 =	simm.s32 @p0 $0x1  }
0x13: {  	[smem:$0x3FB0] =	sst s0;
	s0 =	simm.s32 @!p1 $0x0  }
0x14: {  	s2 =	sld [smem:$0x3F94];
	s0 =	simm.s32 @p1 $0x1  }
0x15: {  	[smem:$0x3FB1] =	sst s0;
	s0 =	simm.s32 @!p2 $0x0  }
0x16: {  	s3 =	sld [smem:$0x3FDB];
	s0 =	simm.s32 @p2 $0x1  }
0x17: {  	s4 =	simm.s32 $0x1BF5;
	[smem:$0x3FB3] =	sst s0  }
0x18: {  	s0 =	sld [smem:$0x3F96];
	_ =	swait.ge [sflag:s4], $0x0  }
0x19: {  	s7 =	sld [smem:$0x3F97]  }
0x1a: {  	s8 =	sadd.s32 $0xFFFFE003, lr  }
0x1b: {  	s9 =	sadd.s32 $0xFFFFFEF7, lr;
	s5 =	simm.s32 $0xFFFFFFFF;
	p2 =	slt.u32 s8, $0xFFFFF086  }
0x1c: {  	p1 =	slt.u32 s9, $0xF7A;
	s5 =	simm.s32 @!p2 $0x0  }
0x1d: {  	s5 =	simm.s32 @p1 $0x1;
	p0 =	seq.s32 s7, s2  }
0x1e: {  	s7 =	smul.u32 @!p0 $0xF7A, s2;
	p2 =	seq.s32 @!p0 s5, $0x0  }
0x1f: {  	s9 =	smul.u32 $0xF7A, s1;
	s8 =	simm.s32 @!p0 $0x1BF5;
	p2 =	por !p2, p0  }
0x20: {  	[sflag:s8] =	ssyncset.s32 @!p0 $0xFFFFF086;
	s6 =	sadd.s32 @!p0 s3, s7;
	s7 =	simm.s32 @!p0 $0x108  }
0x21: {  	s3 =	sadd.s32 s3, s9;
	s6 =	sadd.s32 @!p0 $0x88, s6;
	s7 =	simm.s32 @p2 $0x1082  }
0x22: {  	[simem:s7], [sflag:s8] =	dma.local @!p0 [hbm:s6], $0xF7A  }
0x23: {  	s9 =	sor.u32 $0xD0000000, s2;
	s6 =	simm.s32 $0x108;
	_ =	swait.ge @!p0 [sflag:s8], $0x0  }
0x24: {  	s3 =	sadd.s32 $0x88, s3;
	s6 =	simm.s32 @!p1 $0x1082;
	[sflag:s4] =	ssyncset.s32 $0xFFFFF086  }
0x25: {  	[simem:s6], [sflag:s4] =	dma.local [hbm:s3], $0xF7A  }
0x26: {  	[smem:$0x3F97] =	sst s1;
	(tag) =	ssettag s2;
	_ =	strace s9  }
0x27: {  	s1 =	sld [smem:$0x3FA7]  }
0x28: {  	s2 =	sld [smem:$0x3FA8]  }
0x29: {  	s4 =	sld [smem:$0x3FAA]  }
0x2a: {  	p0 =	seq.s32 s5, $0x0;
	s5 =	sld [smem:$0x3FAB]  }
0x2b: {  	s6 =	sld [smem:$0x3FAC]  }
0x2c: {  	s7 =	sld [smem:$0x3FAD]  }
0x2d: {  	s3 =	simm.s32 $0x108;
	s8 =	sld [smem:$0x3FAE]  }
0x2e: {  	s3 =	simm.s32 @!p0 $0x1082;
	s9 =	sld [smem:$0x3FAF]  }
0x2f: {  	lr =	sadd.s32 s0, s3;
	s0 =	sld [smem:$0x3FA6]  }
0x30: {  	s3 =	sld [smem:$0x3FA9]  }
0x31: {  	[smem:$0x3FB2] =	sst s10  }
0x32: {  	s10 =	sld [smem:$0x3FB0];
	_ =	sdelay $0x3  }
0x33: {  	p0 =	seq.s32 s10, $0x1;
	s10 =	sld [smem:$0x3FB2];
	_ =	sdelay $0x3  }
0x34: {  	[smem:$0x3FB2] =	sst s10  }
0x35: {  	s10 =	sld [smem:$0x3FB1];
	_ =	sdelay $0x3  }
0x36: {  	p1 =	seq.s32 s10, $0x1;
	s10 =	sld [smem:$0x3FB2];
	_ =	sdelay $0x3  }
0x37: {  	[smem:$0x3FB2] =	sst s10  }
0x38: {  	s10 =	sld [smem:$0x3FB3]  }
0x39: {  	_ = 	snop;
	(pc) =	sbr.ind lr, $3  }
0x3a: {  	_ = 	snop  }
0x3b: {  	_ = 	snop  }
0x3c: {  	p2 =	seq.s32 s10, $0x1;
	s10 =	sld [smem:$0x3FB2]  }
0x3d: {  	_ =	shalt  }
0x3e: {  	_ =	shalt  }
0x3f: {  	_ =	shalt  }
0x40: {  	_ =	shalt  }
0x41: {  	_ =	shalt  }
0x42: {  	_ =	shalt  }
0x43: {  	_ =	shalt  }
0x44: {  	_ =	shalt  }
0x45: {  	_ =	shalt  }
0x46: {  	_ =	shalt  }
0x47: {  	_ =	shalt  }
0x48: {  	_ =	shalt  }
0x49: {  	_ =	shalt  }
0x4a: {  	_ =	shalt  }
0x4b: {  	_ =	shalt  }
0x4c: {  	_ =	shalt  }
0x4d: {  	_ =	shalt  }
0x4e: {  	_ =	shalt  }
0x4f: {  	_ =	shalt  }
0x50: {  	_ =	shalt  }
0x51: {  	_ =	shalt  }
0x52: {  	_ =	shalt  }
0x53: {  	_ =	shalt  }
0x54: {  	_ =	shalt  }
0x55: {  	_ =	shalt  }
0x56: {  	_ =	shalt  }
0x57: {  	_ =	shalt  }
0x58: {  	_ =	shalt  }
0x59: {  	_ =	shalt  }
0x5a: {  	_ =	shalt  }
0x5b: {  	_ =	shalt  }
0x5c: {  	_ =	shalt  }
0x5d: {  	_ =	shalt  }
0x5e: {  	_ =	shalt  }
0x5f: {  	_ =	shalt  }
0x60: {  	_ =	shalt  }
0x61: {  	_ =	shalt  }
0x62: {  	_ =	shalt  }
0x63: {  	_ =	shalt  }
0x64: {  	_ =	shalt  }
0x65: {  	_ =	shalt  }
0x66: {  	_ =	shalt  }
0x67: {  	_ =	shalt  }
0x68: {  	_ =	shalt  }
0x69: {  	_ =	shalt  }
0x6a: {  	_ =	shalt  }
0x6b: {  	_ =	shalt  }
0x6c: {  	_ =	shalt  }
0x6d: {  	_ =	shalt  }
0x6e: {  	_ =	shalt  }
0x6f: {  	_ =	shalt  }
0x70: {  	_ =	shalt  }
0x71: {  	_ =	shalt  }
0x72: {  	_ =	shalt  }
0x73: {  	_ =	shalt  }
0x74: {  	_ =	shalt  }
0x75: {  	_ =	shalt  }
0x76: {  	_ =	shalt  }
0x77: {  	_ =	shalt  }
0x78: {  	_ =	shalt  }
0x79: {  	_ =	shalt  }
0x7a: {  	_ =	shalt  }
0x7b: {  	_ =	shalt  }
0x7c: {  	_ =	shalt  }
0x7d: {  	_ =	shalt  }
0x7e: {  	_ =	shalt  }
0x7f: {  	_ =	shalt  }
0x80: {  	_ =	shalt  }
0x81: {  	_ =	shalt  }
0x82: {  	_ =	shalt  }
0x83: {  	_ =	shalt  }
0x84: {  	_ =	shalt  }
0x85: {  	_ =	shalt  }
0x86: {  	_ =	shalt  }
0x87: {  	_ =	shalt  }
.Lfunc_end0:
.L_simem_size_0:
called_computation.2_lowered:
.L_overlay_start_0:
0x88: {  	s2 =	sld [smem:$0x3FD9]  }
0x89: {  	s3 =	sld [smem:$0x3FFE];
	_ =	sdelay $0x1  }
0x8a: {  	s1 =	srdreg.scid  }
0x8b: {  	s0 =	sand.u32 $0x1, s1  }
0x8c: {  	s14 =	sshll.u32 s0, $0xA;
	s2 =	sadd.s32 s3, s2  }
0x8d: {  	s2 =	sadd.s32 s2, s14  }
0x8e: {  	[smem:$0x3FBE] =	sst s2  }
0x8f: {  	_ = 	snop  }
0x90: {  	s2 =	sld [smem:$0x3FD0];
	_ =	sdelay $0x2  }
0x91: {  	s15 =	simm.s32 $0xA;
	s4 =	simm.s32 $0x10  }
0x92: {  	[smem:s4], [sflag:s15] =	dma.local [hbm:s2], $0x1  }
0x93: {  	_ =	swait.eq [sflag:s15], $0x1  }
0x94: {  	[sflag:s15] =	ssyncset.done $0x0  }
0x95: {  	[sflag:s15] =	ssyncadd.s32 $0xFFFFFFFF  }
0x96: {  	s16 =	sld [smem:$0x12];
	(tm) =	ssettm $0x1  }
0x97: {  	s17 =	sld [smem:$0x3FFB];
	_ =	sdelay $0x3  }
0x98: {  	_ =	strace s17  }
0x99: {  	s3 =	sld [smem:$0x3FFC];
	_ =	sdelay $0x3  }
0x9a: {  	_ =	strace s3  }
0x9b: {  	s3 =	sld [smem:$0x3FFD];
	_ =	sdelay $0x3  }
0x9c: {  	_ =	strace s3  }
0x9d: {  	_ =	strace $0x8FFFFFFF  }
0x9e: {  	s18 =	sld [smem:$0x3FDB];
	_ =	sdelay $0x1  }
0x9f: {  	s19 =	simm.s32 $_scs_section_size  }
0xa0: {  	s5 =	simm.s32 $_size__tile_overlayer_lowered;
	s6 =	simm.s32 $_tile_overlayer_lowered  }
0xa1: {  	s22 =	simm.s32 $0x1BFF;
	s21 =	sshll.u32 s6, $0x1;
	s3 =	sadd.s32 s19, s18  }
0xa2: {  	s7 =	simm.s32 $0x0;
	s20 =	sshll.u32 s5, $0x1;
	s5 =	sadd.s32 s21, s3  }
0xa3: {  	[timem:s7], [sflag:s22] =	dma.local [hbm:s5], s20  }
0xa4: {  	_ =	swait.ge [sflag:s22], s20  }
0xa5: {  	s4 =	ssub.s32 $0x0, s20;
	[sflag:s22] =	ssyncset.done $0x0  }
0xa6: {  	[sflag:s22] =	ssyncadd.s32 s4;
	_ =	sdelay $0x1  }
0xa7: {  	s23 =	simm.s32 $0x1B8B  }
0xa8: {  	_ =	swait.ge [sflag:s23], $0x1  }
0xa9: {  	[sflag:s23] =	ssyncset.done $0x0  }
0xaa: {  	s25 =	simm.s32 $0x1B8E;
	s24 =	sld [smem:$0x3FFE];
	[sflag:s23] =	ssyncadd.s32 $0xFFFFFFFF  }
0xab: {  	s26 =	simm.s32 $execute0_lowered;
	[smem:$0x3FD2] =	sst s25  }
0xac: {  	s5 =	sshll.u32 s26, $0x1;
	_ =	strace $0x8000004C;
	[dreg:$0x1] =	wrdreg $0xFFFFFFFF  }
0xad: {  	s28 =	simm.s32 $_size_execute0_lowered;
	s3 =	sadd.s32 s3, s5;
	[dreg:$0x0] =	wrdreg $0x0  }
0xae: {  	s5 =	sshll.u32 s28, $0x1;
	[dreg:$0x2] =	wrdreg s3  }
0xaf: {  	[dreg:$0x3] =	wrdreg s5  }
0xb0: {  	[dreg:$0x4] =	wrdreg $0xC0  }
0xb1: {  	_ =	task [dreg:s7], $0x5FFFF  }
0xb2: {  	[dreg:$0x1] =	wrdreg $0xFFFFFFFF  }
0xb3: {  	[dreg:$0x0] =	wrdreg $0x60  }
0xb4: {  	[dreg:$0x2] =	wrdreg s24  }
0xb5: {  	[dreg:$0x3] =	wrdreg s16  }
0xb6: {  	[dreg:$0x4] =	wrdreg $0x9  }
0xb7: {  	_ =	task.clear_ibuf [dreg:s7], $0x5FFFF;
	_ =	strace $0x9000004C  }
0xb8: {  	s29 =	simm.s32 $0x9;
	_ =	strace $0x8000004E  }
0xb9: {  	_ =	swait.ge [sflag:s29], $0x1  }
0xba: {  	[sflag:s29] =	ssyncadd.s32 $0xFFFFFFFF  }
0xbb: {  	_ =	strace $0x9000004E  }
0xbc: {  	_ =	sfence  }
0xbd: {  	s30 =	sld [smem:$0x0];
	_ =	sdelay $0x2  }
0xbe: {  	s31 =	sshll.u32 s1, $0xD;
	s1 =	sshrl.u32 s1, $0x2  }
0xbf: {  	s3 =	sand.u32 $0x4000, s31;
	s1 =	sadd.s32 s1, s30  }
0xc0: {  	s0 =	sor.u32 s3, s0;
	s1 =	sshll.u32 s1, $0x11  }
0xc1: {  	s0 =	sor.u32 s1, s0  }
0xc2: {  	s0 =	sadd.s32 $0x8F2B, s0  }
0xc3: {  	[sflag:s0] =	ssyncadd.remote.s32 $0x1  }
0xc4: {  	_ =	sfence.sel $0xFFFF  }
0xc5: {  	[dreg:$0x0] =	wrdreg $0xFFFFFFFF;
	(pc) =	sbr.abs _section_cstart, $3  }
0xc6: {  	[dreg:$0x1] =	wrdreg $0xFFFFFFFF  }
0xc7: {  	_ =	task.clear_ibuf [dreg:s7], $0x2FFFF;
	_ =	strace $0x9FFFFFFF  }
0xc8: {  	(tm) =	ssettm $0x7FFFFFFF  }
0xc9: {  	_ =	shalt  }
tec
execute0_lowered:
.L_overlay_start_1:
0x0: {  	(tag) =	ssettag $0x1  }
0x1: {  	s1 =	srdreg.scid;
	s0 =	stileid.u32  }
0x2: {  	s1 =	sand.u32 $0x1, s1;
	s2 =	sshll.u32 s0, $0x1  }
0x3: {  	s5 =	rddreg [dreg:$0x0];
	s4 =	sor.u32 s1, s2  }
0x4: {  	s3 =	rddreg [dreg:$0x1];
	s6 =	smul.u32 $0x38000, s4  }
0x5: {  	s2 =	simm.s32 $0x0;
	s7 =	smul.u32 $0x7000, s4;
	s4 =	sshll.u32 s4, $0x8  }
0x6: {  	s8 =	sadd.s32 $0x2C000, s5;
	[smem:$0x7FF] =	sst s2;
	s3 =	sadd.s32 s3, s4  }
0x7: {  	_ =	strace $0x8000004D;
	s31 =	sadd.s32 s8, s7;
	[dreg:$0x3] =	wrdreg s3  }
0x8: {  	s21 =	sadd.s32 $0x800, s31;
	s25 =	rddreg [dreg:$0x3]  }
0x9: {  	s20 =	sshrl.u32 s6, $0x3;
	s23 =	sadd.s32 $0x1800, s31;
	[dreg:$0x4] =	wrdreg s21  }
0xa: {  	s3 =	sadd.s32 s8, s20;
	s26 =	sadd.s32 $0x2800, s31;
	[dreg:$0x6] =	wrdreg s23  }
0xb: {  	s22 =	sadd.s32 $0x1000, s3;
	[dreg:$0x8] =	wrdreg s26  }
0xc: {  	[tilespmem:s2], [sflag:$0x3] =	stream.linear.gather [hbm4b:s25+s2], $0x700, $0x38;
	[tilespmem:$0x8800] =	vst v63  }
0xd: {  	s24 =	sadd.s32 $0x2000, s3;
	[dreg:$0x5] =	wrdreg s22  }
0xe: {  	s4 =	simm.s32 $0x3;
	[dreg:$0x7] =	wrdreg s24  }
0xf: {  	_ =	swait.ge [sflag:s4], $0x700  }
0x10: {  	s5 =	sadd.s32 $0x4000, s5;
	[sflag:s4] =	ssyncset.done $0x0  }
0x11: {  	s6 =	simm.s32 $0x80;
	s7 =	simm.s32 $0x800;
	[sflag:s4] =	ssyncadd.s32 $0xFFFFF900  }
0x12: {  	[tilespmem:s7], [sflag:$0x1] =	stream.indirect.gather [hbm4b:s5+s6], $0x80, s2, s6, $0xb8;
	[tilespmem:$0x8800] =	vst v63  }
0x13: {  	s9 =	simm.s32 $0x1;
	s8 =	simm.s32 $0x4800  }
0x14: {  	[tilespmem:s8], [sflag:$0x2] =	stream.indirect.gather [hbm4b:s5+s6], $0x80, s6, s6, $0xb8;
	[tilespmem:$0x8800] =	vst v63  }
0x15: {  	_ =	swait.ge [sflag:s9], $0x4000  }
0x16: {  	[sflag:s9] =	ssyncset.done $0x0  }
0x17: {  	[sflag:s9] =	ssyncadd.s32 $0xFFFFC000  }
0x18: {  	[hbm4b:s3+s2] =	stream.linear.scatter [tilespmem:s7], [sflag:$0x3], $0x4000, $0x38;
	[tilespmem:$0x8800] =	vst v63  }
0x19: {  	_ =	swait.ge [sflag:s4], $0x4000  }
0x1a: {  	[sflag:s4] =	ssyncset.done $0x0  }
0x1b: {  	s10 =	simm.s32 $0x100;
	s11 =	simm.s32 $0x2;
	[sflag:s4] =	ssyncadd.s32 $0xFFFFC000  }
0x1c: {  	[tilespmem:s7], [sflag:$0x1] =	stream.indirect.gather [hbm4b:s5+s6], $0x80, s10, s6, $0xb8;
	[tilespmem:$0x8800] =	vst v63  }
0x1d: {  	_ =	swait.ge [sflag:s11], $0x4000  }
0x1e: {  	[sflag:s11] =	ssyncset.done $0x0  }
0x1f: {  	s12 =	rddreg [dreg:$0x4];
	[sflag:s11] =	ssyncadd.s32 $0xFFFFC000  }
0x20: {  	[hbm4b:s12+s2] =	stream.linear.scatter [tilespmem:s8], [sflag:$0x3], $0x4000, $0x38;
	[tilespmem:$0x8800] =	vst v63  }
0x21: {  	_ =	swait.ge [sflag:s4], $0x4000  }
0x22: {  	[sflag:s4] =	ssyncset.done $0x0  }
0x23: {  	s12 =	simm.s32 $0x180;
	[sflag:s4] =	ssyncadd.s32 $0xFFFFC000  }
0x24: {  	[tilespmem:s8], [sflag:$0x2] =	stream.indirect.gather [hbm4b:s5+s6], $0x80, s12, s6, $0xb8;
	[tilespmem:$0x8800] =	vst v63  }
0x25: {  	_ =	swait.ge [sflag:s9], $0x4000  }
0x26: {  	[sflag:s9] =	ssyncset.done $0x0  }
0x27: {  	s13 =	rddreg [dreg:$0x5];
	[sflag:s9] =	ssyncadd.s32 $0xFFFFC000  }
0x28: {  	[hbm4b:s13+s2] =	stream.linear.scatter [tilespmem:s7], [sflag:$0x3], $0x4000, $0x38;
	[tilespmem:$0x8800] =	vst v63  }
0x29: {  	_ =	swait.ge [sflag:s4], $0x4000  }
0x2a: {  	[sflag:s4] =	ssyncset.done $0x0  }
0x2b: {  	s13 =	simm.s32 $0x200;
	[sflag:s4] =	ssyncadd.s32 $0xFFFFC000  }
0x2c: {  	[tilespmem:s7], [sflag:$0x1] =	stream.indirect.gather [hbm4b:s5+s6], $0x80, s13, s6, $0xb8;
	[tilespmem:$0x8800] =	vst v63  }
0x2d: {  	_ =	swait.ge [sflag:s11], $0x4000  }
0x2e: {  	[sflag:s11] =	ssyncset.done $0x0  }
0x2f: {  	s14 =	rddreg [dreg:$0x6];
	[sflag:s11] =	ssyncadd.s32 $0xFFFFC000  }
0x30: {  	[hbm4b:s14+s2] =	stream.linear.scatter [tilespmem:s8], [sflag:$0x3], $0x4000, $0x38;
	[tilespmem:$0x8800] =	vst v63  }
0x31: {  	_ =	swait.ge [sflag:s4], $0x4000  }
0x32: {  	[sflag:s4] =	ssyncset.done $0x0  }
0x33: {  	s14 =	simm.s32 $0x280;
	[sflag:s4] =	ssyncadd.s32 $0xFFFFC000  }
0x34: {  	[tilespmem:s8], [sflag:$0x2] =	stream.indirect.gather [hbm4b:s5+s6], $0x80, s14, s6, $0xb8;
	[tilespmem:$0x8800] =	vst v63  }
0x35: {  	_ =	swait.ge [sflag:s9], $0x4000  }
0x36: {  	[sflag:s9] =	ssyncset.done $0x0  }
0x37: {  	s15 =	rddreg [dreg:$0x7];
	[sflag:s9] =	ssyncadd.s32 $0xFFFFC000  }
0x38: {  	[hbm4b:s15+s2] =	stream.linear.scatter [tilespmem:s7], [sflag:$0x3], $0x4000, $0x38;
	[tilespmem:$0x8800] =	vst v63  }
0x39: {  	_ =	swait.ge [sflag:s4], $0x4000  }
0x3a: {  	[sflag:s4] =	ssyncset.done $0x0  }
0x3b: {  	s15 =	simm.s32 $0x300;
	[sflag:s4] =	ssyncadd.s32 $0xFFFFC000  }
0x3c: {  	[tilespmem:s7], [sflag:$0x1] =	stream.indirect.gather [hbm4b:s5+s6], $0x80, s15, s6, $0xb8;
	[tilespmem:$0x8800] =	vst v63  }
0x3d: {  	_ =	swait.ge [sflag:s11], $0x4000  }
0x3e: {  	[sflag:s11] =	ssyncset.done $0x0  }
0x3f: {  	s16 =	rddreg [dreg:$0x8];
	[sflag:s11] =	ssyncadd.s32 $0xFFFFC000  }
0x40: {  	[hbm4b:s16+s2] =	stream.linear.scatter [tilespmem:s8], [sflag:$0x3], $0x4000, $0x38;
	[tilespmem:$0x8800] =	vst v63  }
0x41: {  	_ =	swait.ge [sflag:s4], $0x4000  }
0x42: {  	[sflag:s4] =	ssyncset.done $0x0  }
0x43: {  	s16 =	simm.s32 $0x380;
	[sflag:s4] =	ssyncadd.s32 $0xFFFFC000  }
0x44: {  	[tilespmem:s8], [sflag:$0x2] =	stream.indirect.gather [hbm4b:s5+s6], $0x80, s16, s6, $0xb8;
	[tilespmem:$0x8800] =	vst v63  }
0x45: {  	_ =	swait.ge [sflag:s9], $0x4000  }
0x46: {  	[sflag:s9] =	ssyncset.done $0x0  }
0x47: {  	s17 =	sadd.s32 $0x3000, s3;
	[sflag:s9] =	ssyncadd.s32 $0xFFFFC000  }
0x48: {  	[hbm4b:s17+s2] =	stream.linear.scatter [tilespmem:s7], [sflag:$0x3], $0x4000, $0x38;
	[tilespmem:$0x8800] =	vst v63  }
0x49: {  	_ =	swait.ge [sflag:s4], $0x4000  }
0x4a: {  	[sflag:s4] =	ssyncset.done $0x0  }
0x4b: {  	s18 =	simm.s32 $0x400;
	[sflag:s4] =	ssyncadd.s32 $0xFFFFC000  }
0x4c: {  	[tilespmem:s7], [sflag:$0x1] =	stream.indirect.gather [hbm4b:s5+s6], $0x80, s18, s6, $0xb8;
	[tilespmem:$0x8800] =	vst v63  }
0x4d: {  	_ =	swait.ge [sflag:s11], $0x4000  }
0x4e: {  	[sflag:s11] =	ssyncset.done $0x0  }
0x4f: {  	s19 =	sadd.s32 $0x3800, s31;
	[sflag:s11] =	ssyncadd.s32 $0xFFFFC000  }
0x50: {  	[hbm4b:s19+s2] =	stream.linear.scatter [tilespmem:s8], [sflag:$0x3], $0x4000, $0x38;
	[tilespmem:$0x8800] =	vst v63  }
0x51: {  	_ =	swait.ge [sflag:s4], $0x4000  }
0x52: {  	[sflag:s4] =	ssyncset.done $0x0  }
0x53: {  	s20 =	simm.s32 $0x480;
	[sflag:s4] =	ssyncadd.s32 $0xFFFFC000  }
0x54: {  	[tilespmem:s8], [sflag:$0x2] =	stream.indirect.gather [hbm4b:s5+s6], $0x80, s20, s6, $0xb8;
	[tilespmem:$0x8800] =	vst v63  }
0x55: {  	_ =	swait.ge [sflag:s9], $0x4000  }
0x56: {  	[sflag:s9] =	ssyncset.done $0x0  }
0x57: {  	s21 =	sadd.s32 $0x4000, s3;
	[sflag:s9] =	ssyncadd.s32 $0xFFFFC000  }
0x58: {  	[hbm4b:s21+s2] =	stream.linear.scatter [tilespmem:s7], [sflag:$0x3], $0x4000, $0x38;
	[tilespmem:$0x8800] =	vst v63  }
0x59: {  	_ =	swait.ge [sflag:s4], $0x4000  }
0x5a: {  	[sflag:s4] =	ssyncset.done $0x0  }
0x5b: {  	s22 =	simm.s32 $0x500;
	[sflag:s4] =	ssyncadd.s32 $0xFFFFC000  }
0x5c: {  	[tilespmem:s7], [sflag:$0x1] =	stream.indirect.gather [hbm4b:s5+s6], $0x80, s22, s6, $0xb8;
	[tilespmem:$0x8800] =	vst v63  }
0x5d: {  	_ =	swait.ge [sflag:s11], $0x4000  }
0x5e: {  	[sflag:s11] =	ssyncset.done $0x0  }
0x5f: {  	s23 =	sadd.s32 $0x4800, s31;
	[sflag:s11] =	ssyncadd.s32 $0xFFFFC000  }
0x60: {  	[hbm4b:s23+s2] =	stream.linear.scatter [tilespmem:s8], [sflag:$0x3], $0x4000, $0x38;
	[tilespmem:$0x8800] =	vst v63  }
0x61: {  	_ =	swait.ge [sflag:s4], $0x4000  }
0x62: {  	[sflag:s4] =	ssyncset.done $0x0  }
0x63: {  	s24 =	simm.s32 $0x580;
	[sflag:s4] =	ssyncadd.s32 $0xFFFFC000  }
0x64: {  	[tilespmem:s8], [sflag:$0x2] =	stream.indirect.gather [hbm4b:s5+s6], $0x80, s24, s6, $0xb8;
	[tilespmem:$0x8800] =	vst v63  }
0x65: {  	_ =	swait.ge [sflag:s9], $0x4000  }
0x66: {  	[sflag:s9] =	ssyncset.done $0x0  }
0x67: {  	s25 =	sadd.s32 $0x5000, s3;
	[sflag:s9] =	ssyncadd.s32 $0xFFFFC000  }
0x68: {  	[hbm4b:s25+s2] =	stream.linear.scatter [tilespmem:s7], [sflag:$0x3], $0x4000, $0x38;
	[tilespmem:$0x8800] =	vst v63  }
0x69: {  	_ =	swait.ge [sflag:s4], $0x4000  }
0x6a: {  	[sflag:s4] =	ssyncset.done $0x0  }
0x6b: {  	s26 =	simm.s32 $0x600;
	[sflag:s4] =	ssyncadd.s32 $0xFFFFC000  }
0x6c: {  	[tilespmem:s7], [sflag:$0x1] =	stream.indirect.gather [hbm4b:s5+s6], $0x80, s26, s6, $0xb8;
	[tilespmem:$0x8800] =	vst v63  }
0x6d: {  	_ =	swait.ge [sflag:s11], $0x4000  }
0x6e: {  	[sflag:s11] =	ssyncset.done $0x0  }
0x6f: {  	s28 =	sadd.s32 $0x5800, s31;
	[sflag:s11] =	ssyncadd.s32 $0xFFFFC000  }
0x70: {  	[hbm4b:s28+s2] =	stream.linear.scatter [tilespmem:s8], [sflag:$0x3], $0x4000, $0x38;
	[tilespmem:$0x8800] =	vst v63  }
0x71: {  	_ =	swait.ge [sflag:s4], $0x4000  }
0x72: {  	[sflag:s4] =	ssyncset.done $0x0  }
0x73: {  	s29 =	simm.s32 $0x680;
	[sflag:s4] =	ssyncadd.s32 $0xFFFFC000  }
0x74: {  	[tilespmem:s8], [sflag:$0x2] =	stream.indirect.gather [hbm4b:s5+s6], $0x80, s29, s6, $0xb8;
	[tilespmem:$0x8800] =	vst v63  }
0x75: {  	_ =	swait.ge [sflag:s9], $0x4000  }
0x76: {  	s1 =	ssub.s32 $0x2, s1;
	[sflag:s9] =	ssyncset.done $0x0  }
0x77: {  	s0 =	sshrl.u32 s1, $0x1;
	s30 =	sadd.s32 $0x6000, s3;
	[sflag:s9] =	ssyncadd.s32 $0xFFFFC000  }
0x78: {  	[hbm4b:s30+s2] =	stream.linear.scatter [tilespmem:s7], [sflag:$0x3], $0x4000, $0x38;
	[tilespmem:$0x8800] =	vst v63  }
0x79: {  	s0 =	ssub.s32 s1, s0;
	_ =	swait.ge [sflag:s4], $0x4000  }
0x7a: {  	s0 =	smax.u32 s0, $0x1;
	[sflag:s4] =	ssyncset.done $0x0  }
0x7b: {  	p0 =	sne.s32 s0, $0x1;
	[sflag:s4] =	ssyncadd.s32 $0xFFFFC000  }
.Ltmp0:
0x7c: {  	_ =	swait.ge [sflag:s11], $0x4000;
	(pc) =	sbr.rel @!p0 .LBB2_2-.Ltmp0, $4  }
0x7d: {  	[sflag:s11] =	ssyncset.done $0x0  }
0x7e: {  	s31 =	sadd.s32 $0x6800, s31;
	[sflag:s11] =	ssyncadd.s32 $0xFFFFC000  }
0x7f: {  	[hbm4b:s31+s2] =	stream.linear.scatter [tilespmem:s8], [sflag:$0x3], $0x4000, $0x38;
	[tilespmem:$0x8800] =	vst v63  }
0x80: {  	s1 =	sadd.s32 $0xFFFFFFFF, s0;
	_ =	swait.ge [sflag:s4], $0x4000  }
.LBB2_1:
0x81: {  	[sflag:s4] =	ssyncset.done $0x0  }
0x82: {  	s0 =	rddreg [dreg:$0x3];
	[sflag:s4] =	ssyncadd.s32 $0xFFFFC000  }
0x83: {  	[tilespmem:s2], [sflag:$0x3] =	stream.linear.gather [hbm4b:s0+s2], $0x700, $0x38;
	[tilespmem:$0x8800] =	vst v63  }
0x84: {  	_ =	swait.ge [sflag:s4], $0x700  }
0x85: {  	[sflag:s4] =	ssyncset.done $0x0  }
0x86: {  	[sflag:s4] =	ssyncadd.s32 $0xFFFFF900  }
0x87: {  	[tilespmem:s7], [sflag:$0x1] =	stream.indirect.gather [hbm4b:s5+s6], $0x80, s2, s6, $0xb8;
	[tilespmem:$0x8800] =	vst v63  }
0x88: {  	_ = 	snop  }
0x89: {  	[tilespmem:s8], [sflag:$0x2] =	stream.indirect.gather [hbm4b:s5+s6], $0x80, s6, s6, $0xb8;
	[tilespmem:$0x8800] =	vst v63  }
0x8a: {  	_ =	swait.ge [sflag:s9], $0x4000  }
0x8b: {  	[sflag:s9] =	ssyncset.done $0x0  }
0x8c: {  	[sflag:s9] =	ssyncadd.s32 $0xFFFFC000  }
0x8d: {  	[hbm4b:s3+s2] =	stream.linear.scatter [tilespmem:s7], [sflag:$0x3], $0x4000, $0x38;
	[tilespmem:$0x8800] =	vst v63  }
0x8e: {  	_ =	swait.ge [sflag:s4], $0x4000  }
0x8f: {  	[sflag:s4] =	ssyncset.done $0x0  }
0x90: {  	[sflag:s4] =	ssyncadd.s32 $0xFFFFC000  }
0x91: {  	[tilespmem:s7], [sflag:$0x1] =	stream.indirect.gather [hbm4b:s5+s6], $0x80, s10, s6, $0xb8;
	[tilespmem:$0x8800] =	vst v63  }
0x92: {  	_ =	swait.ge [sflag:s11], $0x4000  }
0x93: {  	[sflag:s11] =	ssyncset.done $0x0  }
0x94: {  	s0 =	rddreg [dreg:$0x4];
	[sflag:s11] =	ssyncadd.s32 $0xFFFFC000  }
0x95: {  	[hbm4b:s0+s2] =	stream.linear.scatter [tilespmem:s8], [sflag:$0x3], $0x4000, $0x38;
	[tilespmem:$0x8800] =	vst v63  }
0x96: {  	_ =	swait.ge [sflag:s4], $0x4000  }
0x97: {  	[sflag:s4] =	ssyncset.done $0x0  }
0x98: {  	[sflag:s4] =	ssyncadd.s32 $0xFFFFC000  }
0x99: {  	[tilespmem:s8], [sflag:$0x2] =	stream.indirect.gather [hbm4b:s5+s6], $0x80, s12, s6, $0xb8;
	[tilespmem:$0x8800] =	vst v63  }
0x9a: {  	_ =	swait.ge [sflag:s9], $0x4000  }
0x9b: {  	[sflag:s9] =	ssyncset.done $0x0  }
0x9c: {  	s0 =	rddreg [dreg:$0x5];
	[sflag:s9] =	ssyncadd.s32 $0xFFFFC000  }
0x9d: {  	[hbm4b:s0+s2] =	stream.linear.scatter [tilespmem:s7], [sflag:$0x3], $0x4000, $0x38;
	[tilespmem:$0x8800] =	vst v63  }
0x9e: {  	_ =	swait.ge [sflag:s4], $0x4000  }
0x9f: {  	[sflag:s4] =	ssyncset.done $0x0  }
0xa0: {  	[sflag:s4] =	ssyncadd.s32 $0xFFFFC000  }
0xa1: {  	[tilespmem:s7], [sflag:$0x1] =	stream.indirect.gather [hbm4b:s5+s6], $0x80, s13, s6, $0xb8;
	[tilespmem:$0x8800] =	vst v63  }
0xa2: {  	_ =	swait.ge [sflag:s11], $0x4000  }
0xa3: {  	[sflag:s11] =	ssyncset.done $0x0  }
0xa4: {  	s0 =	rddreg [dreg:$0x6];
	[sflag:s11] =	ssyncadd.s32 $0xFFFFC000  }
0xa5: {  	[hbm4b:s0+s2] =	stream.linear.scatter [tilespmem:s8], [sflag:$0x3], $0x4000, $0x38;
	[tilespmem:$0x8800] =	vst v63  }
0xa6: {  	_ =	swait.ge [sflag:s4], $0x4000  }
0xa7: {  	[sflag:s4] =	ssyncset.done $0x0  }
0xa8: {  	[sflag:s4] =	ssyncadd.s32 $0xFFFFC000  }
0xa9: {  	[tilespmem:s8], [sflag:$0x2] =	stream.indirect.gather [hbm4b:s5+s6], $0x80, s14, s6, $0xb8;
	[tilespmem:$0x8800] =	vst v63  }
0xaa: {  	_ =	swait.ge [sflag:s9], $0x4000  }
0xab: {  	[sflag:s9] =	ssyncset.done $0x0  }
0xac: {  	s0 =	rddreg [dreg:$0x7];
	[sflag:s9] =	ssyncadd.s32 $0xFFFFC000  }
0xad: {  	[hbm4b:s0+s2] =	stream.linear.scatter [tilespmem:s7], [sflag:$0x3], $0x4000, $0x38;
	[tilespmem:$0x8800] =	vst v63  }
0xae: {  	_ =	swait.ge [sflag:s4], $0x4000  }
0xaf: {  	[sflag:s4] =	ssyncset.done $0x0  }
0xb0: {  	[sflag:s4] =	ssyncadd.s32 $0xFFFFC000  }
0xb1: {  	[tilespmem:s7], [sflag:$0x1] =	stream.indirect.gather [hbm4b:s5+s6], $0x80, s15, s6, $0xb8;
	[tilespmem:$0x8800] =	vst v63  }
0xb2: {  	_ =	swait.ge [sflag:s11], $0x4000  }
0xb3: {  	[sflag:s11] =	ssyncset.done $0x0  }
0xb4: {  	s0 =	rddreg [dreg:$0x8];
	[sflag:s11] =	ssyncadd.s32 $0xFFFFC000  }
0xb5: {  	[hbm4b:s0+s2] =	stream.linear.scatter [tilespmem:s8], [sflag:$0x3], $0x4000, $0x38;
	[tilespmem:$0x8800] =	vst v63  }
0xb6: {  	_ =	swait.ge [sflag:s4], $0x4000  }
0xb7: {  	[sflag:s4] =	ssyncset.done $0x0  }
0xb8: {  	[sflag:s4] =	ssyncadd.s32 $0xFFFFC000  }
0xb9: {  	[tilespmem:s8], [sflag:$0x2] =	stream.indirect.gather [hbm4b:s5+s6], $0x80, s16, s6, $0xb8;
	[tilespmem:$0x8800] =	vst v63  }
0xba: {  	_ =	swait.ge [sflag:s9], $0x4000  }
0xbb: {  	[sflag:s9] =	ssyncset.done $0x0  }
0xbc: {  	[sflag:s9] =	ssyncadd.s32 $0xFFFFC000  }
0xbd: {  	[hbm4b:s17+s2] =	stream.linear.scatter [tilespmem:s7], [sflag:$0x3], $0x4000, $0x38;
	[tilespmem:$0x8800] =	vst v63  }
0xbe: {  	_ =	swait.ge [sflag:s4], $0x4000  }
0xbf: {  	[sflag:s4] =	ssyncset.done $0x0  }
0xc0: {  	[sflag:s4] =	ssyncadd.s32 $0xFFFFC000  }
0xc1: {  	[tilespmem:s7], [sflag:$0x1] =	stream.indirect.gather [hbm4b:s5+s6], $0x80, s18, s6, $0xb8;
	[tilespmem:$0x8800] =	vst v63  }
0xc2: {  	_ =	swait.ge [sflag:s11], $0x4000  }
0xc3: {  	[sflag:s11] =	ssyncset.done $0x0  }
0xc4: {  	[sflag:s11] =	ssyncadd.s32 $0xFFFFC000  }
0xc5: {  	[hbm4b:s19+s2] =	stream.linear.scatter [tilespmem:s8], [sflag:$0x3], $0x4000, $0x38;
	[tilespmem:$0x8800] =	vst v63  }
0xc6: {  	_ =	swait.ge [sflag:s4], $0x4000  }
0xc7: {  	[sflag:s4] =	ssyncset.done $0x0  }
0xc8: {  	[sflag:s4] =	ssyncadd.s32 $0xFFFFC000  }
0xc9: {  	[tilespmem:s8], [sflag:$0x2] =	stream.indirect.gather [hbm4b:s5+s6], $0x80, s20, s6, $0xb8;
	[tilespmem:$0x8800] =	vst v63  }
0xca: {  	_ =	swait.ge [sflag:s9], $0x4000  }
0xcb: {  	[sflag:s9] =	ssyncset.done $0x0  }
0xcc: {  	[sflag:s9] =	ssyncadd.s32 $0xFFFFC000  }
0xcd: {  	[hbm4b:s21+s2] =	stream.linear.scatter [tilespmem:s7], [sflag:$0x3], $0x4000, $0x38;
	[tilespmem:$0x8800] =	vst v63  }
0xce: {  	_ =	swait.ge [sflag:s4], $0x4000  }
0xcf: {  	[sflag:s4] =	ssyncset.done $0x0  }
0xd0: {  	[sflag:s4] =	ssyncadd.s32 $0xFFFFC000  }
0xd1: {  	[tilespmem:s7], [sflag:$0x1] =	stream.indirect.gather [hbm4b:s5+s6], $0x80, s22, s6, $0xb8;
	[tilespmem:$0x8800] =	vst v63  }
0xd2: {  	_ =	swait.ge [sflag:s11], $0x4000  }
0xd3: {  	[sflag:s11] =	ssyncset.done $0x0  }
0xd4: {  	[sflag:s11] =	ssyncadd.s32 $0xFFFFC000  }
0xd5: {  	[hbm4b:s23+s2] =	stream.linear.scatter [tilespmem:s8], [sflag:$0x3], $0x4000, $0x38;
	[tilespmem:$0x8800] =	vst v63  }
0xd6: {  	_ =	swait.ge [sflag:s4], $0x4000  }
0xd7: {  	[sflag:s4] =	ssyncset.done $0x0  }
0xd8: {  	[sflag:s4] =	ssyncadd.s32 $0xFFFFC000  }
0xd9: {  	[tilespmem:s8], [sflag:$0x2] =	stream.indirect.gather [hbm4b:s5+s6], $0x80, s24, s6, $0xb8;
	[tilespmem:$0x8800] =	vst v63  }
0xda: {  	_ =	swait.ge [sflag:s9], $0x4000  }
0xdb: {  	[sflag:s9] =	ssyncset.done $0x0  }
0xdc: {  	[sflag:s9] =	ssyncadd.s32 $0xFFFFC000  }
0xdd: {  	[hbm4b:s25+s2] =	stream.linear.scatter [tilespmem:s7], [sflag:$0x3], $0x4000, $0x38;
	[tilespmem:$0x8800] =	vst v63  }
0xde: {  	_ =	swait.ge [sflag:s4], $0x4000  }
0xdf: {  	[sflag:s4] =	ssyncset.done $0x0  }
0xe0: {  	[sflag:s4] =	ssyncadd.s32 $0xFFFFC000  }
0xe1: {  	[tilespmem:s7], [sflag:$0x1] =	stream.indirect.gather [hbm4b:s5+s6], $0x80, s26, s6, $0xb8;
	[tilespmem:$0x8800] =	vst v63  }
0xe2: {  	_ =	swait.ge [sflag:s11], $0x4000  }
0xe3: {  	[sflag:s11] =	ssyncset.done $0x0  }
0xe4: {  	[sflag:s11] =	ssyncadd.s32 $0xFFFFC000  }
0xe5: {  	[hbm4b:s28+s2] =	stream.linear.scatter [tilespmem:s8], [sflag:$0x3], $0x4000, $0x38;
	[tilespmem:$0x8800] =	vst v63  }
0xe6: {  	_ =	swait.ge [sflag:s4], $0x4000  }
0xe7: {  	[sflag:s4] =	ssyncset.done $0x0  }
0xe8: {  	[sflag:s4] =	ssyncadd.s32 $0xFFFFC000  }
0xe9: {  	[tilespmem:s8], [sflag:$0x2] =	stream.indirect.gather [hbm4b:s5+s6], $0x80, s29, s6, $0xb8;
	[tilespmem:$0x8800] =	vst v63  }
0xea: {  	_ =	swait.ge [sflag:s9], $0x4000  }
0xeb: {  	[sflag:s9] =	ssyncset.done $0x0  }
0xec: {  	[sflag:s9] =	ssyncadd.s32 $0xFFFFC000  }
0xed: {  	[hbm4b:s30+s2] =	stream.linear.scatter [tilespmem:s7], [sflag:$0x3], $0x4000, $0x38;
	[tilespmem:$0x8800] =	vst v63  }
0xee: {  	_ =	swait.ge [sflag:s4], $0x4000  }
0xef: {  	[sflag:s4] =	ssyncset.done $0x0  }
0xf0: {  	p0 =	sne.s32 s1, $0x1;
	[sflag:s4] =	ssyncadd.s32 $0xFFFFC000  }
.Ltmp1:
0xf1: {  	_ =	swait.ge [sflag:s11], $0x4000;
	(pc) =	sbr.rel @p0 .LBB2_1-.Ltmp1, $4  }
0xf2: {  	[sflag:s11] =	ssyncset.done $0x0  }
0xf3: {  	[sflag:s11] =	ssyncadd.s32 $0xFFFFC000  }
0xf4: {  	[hbm4b:s31+s2] =	stream.linear.scatter [tilespmem:s8], [sflag:$0x3], $0x4000, $0x38;
	[tilespmem:$0x8800] =	vst v63  }
0xf5: {  	s1 =	sadd.s32 $0xFFFFFFFF, s1;
	_ =	swait.ge [sflag:s4], $0x4000  }
.LBB2_2:
0xf6: {  	[sflag:s4] =	ssyncset.done $0x0  }
0xf7: {  	[sflag:s4] =	ssyncadd.s32 $0xFFFFC000  }
0xf8: {  	_ =	sfence.sel $0x180000  }
0xf9: {  	[bflag:$0x0] =	sbarrier.arrive $0xFFFF  }
0xfa: {  	_ =	strace $0x9000004D  }
0xfb: {  	s0 =	stileid.u32;
	[bflag:$0x2] =	sbarrier.arrive $0xFFFF  }
0xfc: {  	p0 =	sne.s32 s0, $0x0;
	s0 =	rddreg [dreg:$0x2]  }
0xfd: {  	s0 =	sadd.s32 @!p0 $0x100000, s0  }
0xfe: {  	[sflag:s0] =	ssyncadd.tile.s32 @!p0 $0x1;
	_ =	shalt  }
.Lfunc_end2:
_tile_overlayer_lowered:
.L_overlay_start_2:
0xff: {  	(tag) =	ssettag $0x2  }
0x100: {  	s0 =	rddreg [dreg:$0x0];
	s2 =	stileid.u32  }
0x101: {  	s1 =	rddreg [dreg:$0x1];
	p0 =	sne.s32 s2, $0x0  }
0x102: {  	s3 =	rddreg [dreg:$0x2];
	[bflag:$0x3] =	sbarrier.arrive $0xFFFF;
	s2 =	simm.s32 @!p0 $0x1C03  }
0x103: {  	[timem:s3], [sflag:s2] =	dma.local @!p0 [hbm:s0], s1  }
0x104: {  	s0 =	simm.s32 @!p0 $0x3  }
0x105: {  	_ =	swait.ge @!p0 [sflag:s0], s1  }
0x106: {  	s1 =	ssub.s32 @!p0 $0x0, s1;
	[sflag:s0] =	ssyncset.done @!p0 $0x0  }
0x107: {  	[sflag:s0] =	ssyncadd.s32 @!p0 s1  }
0x108: {  	[bflag:$0x3] =	sbarrier.arrive $0xFFFF  }
0x109: {  	_ =	shalt  }

// kernel: kernel.9.cloned.1.call-start
scs
__scs_entry_jumppad:
0x0: {  	(pc) =	sbr.rel $0x88, $3  }
0x1: {  	(tag) =	ssettag $0x0;
	lr =	simm.s32 $0x1  }
0x2: {  	[smem:$0x3F97] =	sst lr;
	_ =	strace $0xD0000000  }
0x3: {  	_ = 	snop  }
0x4: {  	_ = 	snop  }
0x5: {  	_ = 	snop  }
0x6: {  	_ = 	snop  }
0x7: {  	_ = 	snop  }
__scs_overlays_trampoline_lowered:
0x8: {  	[smem:$0x3FA6] =	sst s0  }
0x9: {  	[smem:$0x3FA7] =	sst s1  }
0xa: {  	[smem:$0x3FA8] =	sst s2  }
0xb: {  	[smem:$0x3FA9] =	sst s3  }
0xc: {  	[smem:$0x3FAA] =	sst s4  }
0xd: {  	[smem:$0x3FAB] =	sst s5  }
0xe: {  	[smem:$0x3FAC] =	sst s6  }
0xf: {  	[smem:$0x3FAD] =	sst s7  }
0x10: {  	[smem:$0x3FAE] =	sst s8  }
0x11: {  	[smem:$0x3FAF] =	sst s9;
	s0 =	simm.s32 @!p0 $0x0  }
0x12: {  	s1 =	sld [smem:$0x3F95];
	s0 =	simm.s32 @p0 $0x1  }
0x13: {  	[smem:$0x3FB0] =	sst s0;
	s0 =	simm.s32 @!p1 $0x0  }
0x14: {  	s2 =	sld [smem:$0x3F94];
	s0 =	simm.s32 @p1 $0x1  }
0x15: {  	[smem:$0x3FB1] =	sst s0;
	s0 =	simm.s32 @!p2 $0x0  }
0x16: {  	s3 =	sld [smem:$0x3FDB];
	s0 =	simm.s32 @p2 $0x1  }
0x17: {  	s4 =	simm.s32 $0x1BF5;
	[smem:$0x3FB3] =	sst s0  }
0x18: {  	s0 =	sld [smem:$0x3F96];
	_ =	swait.ge [sflag:s4], $0x0  }
0x19: {  	s7 =	sld [smem:$0x3F97]  }
0x1a: {  	s8 =	sadd.s32 $0xFFFFE003, lr  }
0x1b: {  	s9 =	sadd.s32 $0xFFFFFEF7, lr;
	s5 =	simm.s32 $0xFFFFFFFF;
	p2 =	slt.u32 s8, $0xFFFFF086  }
0x1c: {  	p1 =	slt.u32 s9, $0xF7A;
	s5 =	simm.s32 @!p2 $0x0  }
0x1d: {  	s5 =	simm.s32 @p1 $0x1;
	p0 =	seq.s32 s7, s2  }
0x1e: {  	s7 =	smul.u32 @!p0 $0xF7A, s2;
	p2 =	seq.s32 @!p0 s5, $0x0  }
0x1f: {  	s9 =	smul.u32 $0xF7A, s1;
	s8 =	simm.s32 @!p0 $0x1BF5;
	p2 =	por !p2, p0  }
0x20: {  	[sflag:s8] =	ssyncset.s32 @!p0 $0xFFFFF086;
	s6 =	sadd.s32 @!p0 s3, s7;
	s7 =	simm.s32 @!p0 $0x108  }
0x21: {  	s3 =	sadd.s32 s3, s9;
	s6 =	sadd.s32 @!p0 $0x88, s6;
	s7 =	simm.s32 @p2 $0x1082  }
0x22: {  	[simem:s7], [sflag:s8] =	dma.local @!p0 [hbm:s6], $0xF7A  }
0x23: {  	s9 =	sor.u32 $0xD0000000, s2;
	s6 =	simm.s32 $0x108;
	_ =	swait.ge @!p0 [sflag:s8], $0x0  }
0x24: {  	s3 =	sadd.s32 $0x88, s3;
	s6 =	simm.s32 @!p1 $0x1082;
	[sflag:s4] =	ssyncset.s32 $0xFFFFF086  }
0x25: {  	[simem:s6], [sflag:s4] =	dma.local [hbm:s3], $0xF7A  }
0x26: {  	[smem:$0x3F97] =	sst s1;
	(tag) =	ssettag s2;
	_ =	strace s9  }
0x27: {  	s1 =	sld [smem:$0x3FA7]  }
0x28: {  	s2 =	sld [smem:$0x3FA8]  }
0x29: {  	s4 =	sld [smem:$0x3FAA]  }
0x2a: {  	p0 =	seq.s32 s5, $0x0;
	s5 =	sld [smem:$0x3FAB]  }
0x2b: {  	s6 =	sld [smem:$0x3FAC]  }
0x2c: {  	s7 =	sld [smem:$0x3FAD]  }
0x2d: {  	s3 =	simm.s32 $0x108;
	s8 =	sld [smem:$0x3FAE]  }
0x2e: {  	s3 =	simm.s32 @!p0 $0x1082;
	s9 =	sld [smem:$0x3FAF]  }
0x2f: {  	lr =	sadd.s32 s0, s3;
	s0 =	sld [smem:$0x3FA6]  }
0x30: {  	s3 =	sld [smem:$0x3FA9]  }
0x31: {  	[smem:$0x3FB2] =	sst s10  }
0x32: {  	s10 =	sld [smem:$0x3FB0];
	_ =	sdelay $0x3  }
0x33: {  	p0 =	seq.s32 s10, $0x1;
	s10 =	sld [smem:$0x3FB2];
	_ =	sdelay $0x3  }
0x34: {  	[smem:$0x3FB2] =	sst s10  }
0x35: {  	s10 =	sld [smem:$0x3FB1];
	_ =	sdelay $0x3  }
0x36: {  	p1 =	seq.s32 s10, $0x1;
	s10 =	sld [smem:$0x3FB2];
	_ =	sdelay $0x3  }
0x37: {  	[smem:$0x3FB2] =	sst s10  }
0x38: {  	s10 =	sld [smem:$0x3FB3]  }
0x39: {  	_ = 	snop;
	(pc) =	sbr.ind lr, $3  }
0x3a: {  	_ = 	snop  }
0x3b: {  	_ = 	snop  }
0x3c: {  	p2 =	seq.s32 s10, $0x1;
	s10 =	sld [smem:$0x3FB2]  }
0x3d: {  	_ =	shalt  }
0x3e: {  	_ =	shalt  }
0x3f: {  	_ =	shalt  }
0x40: {  	_ =	shalt  }
0x41: {  	_ =	shalt  }
0x42: {  	_ =	shalt  }
0x43: {  	_ =	shalt  }
0x44: {  	_ =	shalt  }
0x45: {  	_ =	shalt  }
0x46: {  	_ =	shalt  }
0x47: {  	_ =	shalt  }
0x48: {  	_ =	shalt  }
0x49: {  	_ =	shalt  }
0x4a: {  	_ =	shalt  }
0x4b: {  	_ =	shalt  }
0x4c: {  	_ =	shalt  }
0x4d: {  	_ =	shalt  }
0x4e: {  	_ =	shalt  }
0x4f: {  	_ =	shalt  }
0x50: {  	_ =	shalt  }
0x51: {  	_ =	shalt  }
0x52: {  	_ =	shalt  }
0x53: {  	_ =	shalt  }
0x54: {  	_ =	shalt  }
0x55: {  	_ =	shalt  }
0x56: {  	_ =	shalt  }
0x57: {  	_ =	shalt  }
0x58: {  	_ =	shalt  }
0x59: {  	_ =	shalt  }
0x5a: {  	_ =	shalt  }
0x5b: {  	_ =	shalt  }
0x5c: {  	_ =	shalt  }
0x5d: {  	_ =	shalt  }
0x5e: {  	_ =	shalt  }
0x5f: {  	_ =	shalt  }
0x60: {  	_ =	shalt  }
0x61: {  	_ =	shalt  }
0x62: {  	_ =	shalt  }
0x63: {  	_ =	shalt  }
0x64: {  	_ =	shalt  }
0x65: {  	_ =	shalt  }
0x66: {  	_ =	shalt  }
0x67: {  	_ =	shalt  }
0x68: {  	_ =	shalt  }
0x69: {  	_ =	shalt  }
0x6a: {  	_ =	shalt  }
0x6b: {  	_ =	shalt  }
0x6c: {  	_ =	shalt  }
0x6d: {  	_ =	shalt  }
0x6e: {  	_ =	shalt  }
0x6f: {  	_ =	shalt  }
0x70: {  	_ =	shalt  }
0x71: {  	_ =	shalt  }
0x72: {  	_ =	shalt  }
0x73: {  	_ =	shalt  }
0x74: {  	_ =	shalt  }
0x75: {  	_ =	shalt  }
0x76: {  	_ =	shalt  }
0x77: {  	_ =	shalt  }
0x78: {  	_ =	shalt  }
0x79: {  	_ =	shalt  }
0x7a: {  	_ =	shalt  }
0x7b: {  	_ =	shalt  }
0x7c: {  	_ =	shalt  }
0x7d: {  	_ =	shalt  }
0x7e: {  	_ =	shalt  }
0x7f: {  	_ =	shalt  }
0x80: {  	_ =	shalt  }
0x81: {  	_ =	shalt  }
0x82: {  	_ =	shalt  }
0x83: {  	_ =	shalt  }
0x84: {  	_ =	shalt  }
0x85: {  	_ =	shalt  }
0x86: {  	_ =	shalt  }
0x87: {  	_ =	shalt  }
.Lfunc_end0:
.L_simem_size_0:
called_computation_lowered:
.L_overlay_start_0:
0x88: {  	s2 =	sld [smem:$0x3FD9]  }
0x89: {  	s3 =	sld [smem:$0x3FFE];
	_ =	sdelay $0x1  }
0x8a: {  	s1 =	srdreg.scid  }
0x8b: {  	s0 =	sand.u32 $0x1, s1  }
0x8c: {  	s16 =	sshll.u32 s0, $0xA;
	s2 =	sadd.s32 s3, s2  }
0x8d: {  	s2 =	sadd.s32 s2, s16  }
0x8e: {  	[smem:$0x3FBE] =	sst s2  }
0x8f: {  	_ = 	snop  }
0x90: {  	(tm) =	ssettm $0x1  }
0x91: {  	s17 =	sld [smem:$0x3FFB];
	_ =	sdelay $0x3  }
0x92: {  	_ =	strace s17  }
0x93: {  	s2 =	sld [smem:$0x3FFC];
	_ =	sdelay $0x3  }
0x94: {  	_ =	strace s2  }
0x95: {  	s2 =	sld [smem:$0x3FFD];
	_ =	sdelay $0x3  }
0x96: {  	_ =	strace s2  }
0x97: {  	_ =	strace $0x8FFFFFFF  }
0x98: {  	s18 =	sld [smem:$0x3FDB];
	_ =	sdelay $0x1  }
0x99: {  	s19 =	simm.s32 $_scs_section_size  }
0x9a: {  	s4 =	simm.s32 $_size__tile_overlayer_lowered;
	s5 =	simm.s32 $_tile_overlayer_lowered  }
0x9b: {  	s22 =	simm.s32 $0x1BFF;
	s21 =	sshll.u32 s5, $0x1;
	s2 =	sadd.s32 s19, s18  }
0x9c: {  	s6 =	simm.s32 $0x0;
	s20 =	sshll.u32 s4, $0x1;
	s4 =	sadd.s32 s21, s2  }
0x9d: {  	[timem:s6], [sflag:s22] =	dma.local [hbm:s4], s20  }
0x9e: {  	_ =	swait.ge [sflag:s22], s20  }
0x9f: {  	s3 =	ssub.s32 $0x0, s20;
	[sflag:s22] =	ssyncset.done $0x0  }
0xa0: {  	[sflag:s22] =	ssyncadd.s32 s3;
	_ =	sdelay $0x1  }
0xa1: {  	s23 =	simm.s32 $0x1B8B  }
0xa2: {  	_ =	swait.ge [sflag:s23], $0x1  }
0xa3: {  	[sflag:s23] =	ssyncset.done $0x0  }
0xa4: {  	s25 =	simm.s32 $0x1B8E;
	s24 =	sld [smem:$0x3FFE];
	[sflag:s23] =	ssyncadd.s32 $0xFFFFFFFF  }
0xa5: {  	s26 =	simm.s32 $execute0_lowered;
	[smem:$0x3FD2] =	sst s25  }
0xa6: {  	s4 =	sshll.u32 s26, $0x1;
	_ =	strace $0x80000046;
	[dreg:$0x1] =	wrdreg $0xFFFFFFFF  }
0xa7: {  	s28 =	simm.s32 $_size_execute0_lowered;
	s2 =	sadd.s32 s2, s4;
	[dreg:$0x0] =	wrdreg $0x0  }
0xa8: {  	s4 =	sshll.u32 s28, $0x1;
	[dreg:$0x2] =	wrdreg s2  }
0xa9: {  	[dreg:$0x3] =	wrdreg s4  }
0xaa: {  	[dreg:$0x4] =	wrdreg $0xC0  }
0xab: {  	_ =	task [dreg:s6], $0x5FFFF  }
0xac: {  	[dreg:$0x1] =	wrdreg $0xFFFFFFFF  }
0xad: {  	[dreg:$0x0] =	wrdreg $0x60  }
0xae: {  	[dreg:$0x2] =	wrdreg s24  }
0xaf: {  	[dreg:$0x3] =	wrdreg $0x9  }
0xb0: {  	_ =	task.clear_ibuf [dreg:s6], $0x4FFFF;
	_ =	strace $0x90000046  }
0xb1: {  	s29 =	simm.s32 $0x9;
	_ =	strace $0x80000048  }
0xb2: {  	_ =	swait.ge [sflag:s29], $0x1  }
0xb3: {  	[sflag:s29] =	ssyncadd.s32 $0xFFFFFFFF  }
0xb4: {  	_ =	strace $0x90000048  }
0xb5: {  	_ =	sfence  }
0xb6: {  	s30 =	sld [smem:$0x0];
	_ =	sdelay $0x2  }
0xb7: {  	s31 =	sshll.u32 s1, $0xD;
	s1 =	sshrl.u32 s1, $0x2  }
0xb8: {  	s3 =	sand.u32 $0x4000, s31;
	s1 =	sadd.s32 s1, s30  }
0xb9: {  	s0 =	sor.u32 s3, s0;
	s1 =	sshll.u32 s1, $0x11  }
0xba: {  	s0 =	sor.u32 s1, s0  }
0xbb: {  	s0 =	sadd.s32 $0x8F2B, s0  }
0xbc: {  	[sflag:s0] =	ssyncadd.remote.s32 $0x1  }
0xbd: {  	_ =	sfence.sel $0xFFFF  }
0xbe: {  	[dreg:$0x0] =	wrdreg $0xFFFFFFFF;
	(pc) =	sbr.abs _section_cstart, $3  }
0xbf: {  	[dreg:$0x1] =	wrdreg $0xFFFFFFFF  }
0xc0: {  	_ =	task.clear_ibuf [dreg:s6], $0x2FFFF;
	_ =	strace $0x9FFFFFFF  }
0xc1: {  	(tm) =	ssettm $0x7FFFFFFF  }
tec
execute0_lowered:
.L_overlay_start_1:
0x0: {  	(tag) =	ssettag $0x1  }
0x1: {  	s1 =	srdreg.scid  }
0x2: {  	s0 =	stileid.u32;
	s4 =	rddreg [dreg:$0x0]  }
0x3: {  	s2 =	simm.s32 $0x0;
	s13 =	simm.s32 $0x6800;
	s14 =	simm.s32 $0x1  }
0x4: {  	s15 =	simm.s32 $0x2;
	s16 =	simm.s32 $0x2780;
	s25 =	smul.u32 $0x280000, s0  }
0x5: {  	s17 =	simm.s32 $0x0;
	s7 =	sand.u32 $0x1, s1;
	s29 =	smul.u32 $0x50000, s0  }
0x6: {  	s3 =	sshll.u32 s0, $0x1;
	s1 =	rddreg [dreg:$0x1];
	s28 =	smul.u32 $0x140000, s7  }
0x7: {  	[smem:$0x7FF] =	sst s2;
	s5 =	sor.u32 s7, s3;
	s30 =	smul.u32 $0x28000, s7  }
0x8: {  	s12 =	sadd.s32 $0x5D200, s4;
	s8 =	ssub.s32 $0x2, s7;
	s6 =	smul.u32 $0x2800, s5  }
0x9: {  	_ =	strace $0x80000047;
	s9 =	smul.u32 $0x140000, s5;
	s10 =	sshrl.u32 s8, $0x1  }
0xa: {  	s3 =	sadd.s32 $0x35200, s4;
	s11 =	smul.u32 $0x28000, s5;
	s24 =	ssub.s32 s8, s10  }
0xb: {  	s8 =	sadd.s32 s28, s25;
	s10 =	sadd.s32 s29, s12;
	s6 =	sshrl.u32 s6, $0x3  }
0xc: {  	s26 =	sshrl.u32 s9, $0x3;
	s5 =	smax.u32 s24, $0x1;
	s31 =	sadd.s32 s12, s11  }
0xd: {  	s8 =	sshrl.u32 s8, $0x3;
	s9 =	sadd.s32 s30, s10;
	s10 =	simm.s32 $0x3  }
0xe: {  	s11 =	simm.s32 $0x2800;
	s6 =	sadd.s32 s6, s4;
	s7 =	sadd.s32 $0x27800, s31  }
0xf: {  	s8 =	sadd.s32 s8, s12;
	s4 =	sadd.s32 $0x2B200, s6;
	s6 =	sadd.s32 s12, s26  }
0x10: {  	s9 =	sadd.s32 $0x800, s9;
	s12 =	simm.s32 $0x80;
	s6 =	sadd.s32 $0x27000, s6  }
.LBB2_1:
0x11: {  	[tilespmem:s2], [sflag:$0x3] =	stream.linear.gather [hbm4b:s4+s2], $0x2800, $0x38;
	[tilespmem:$0xA800] =	vst v63  }
0x12: {  	_ =	swait.ge [sflag:s10], $0x2800  }
0x13: {  	[sflag:s10] =	ssyncset.done $0x0  }
0x14: {  	[sflag:s10] =	ssyncadd.s32 $0xFFFFD800  }
0x15: {  	[tilespmem:s11], [sflag:$0x1] =	stream.indirect.gather [hbm4b:s3+s12], $0x80, s2, s12, $0xb8;
	[tilespmem:$0xA800] =	vst v63  }
0x16: {  	_ = 	snop  }
0x17: {  	[tilespmem:s13], [sflag:$0x2] =	stream.indirect.gather [hbm4b:s3+s12], $0x80, s12, s12, $0xb8;
	[tilespmem:$0xA800] =	vst v63  }
0x18: {  	_ =	swait.ge [sflag:s14], $0x4000  }
0x19: {  	[sflag:s14] =	ssyncset.done $0x0  }
0x1a: {  	s18 =	sadd.s32 $0x0, s8;
	[sflag:s14] =	ssyncadd.s32 $0xFFFFC000  }
0x1b: {  	[hbm4b:s18+s2] =	stream.linear.scatter [tilespmem:s11], [sflag:$0x3], $0x4000, $0x38;
	[tilespmem:$0xA800] =	vst v63  }
0x1c: {  	_ =	swait.ge [sflag:s10], $0x4000  }
0x1d: {  	[sflag:s10] =	ssyncset.done $0x0  }
0x1e: {  	s30 =	simm.s32 $0x100;
	[sflag:s10] =	ssyncadd.s32 $0xFFFFC000  }
0x1f: {  	[tilespmem:s11], [sflag:$0x1] =	stream.indirect.gather [hbm4b:s3+s12], $0x80, s30, s12, $0xb8;
	[tilespmem:$0xA800] =	vst v63  }
0x20: {  	_ =	swait.ge [sflag:s15], $0x4000  }
0x21: {  	[sflag:s15] =	ssyncset.done $0x0  }
0x22: {  	s31 =	sadd.s32 $0x0, s9;
	[sflag:s15] =	ssyncadd.s32 $0xFFFFC000  }
0x23: {  	[hbm4b:s31+s2] =	stream.linear.scatter [tilespmem:s13], [sflag:$0x3], $0x4000, $0x38;
	[tilespmem:$0xA800] =	vst v63  }
0x24: {  	_ =	swait.ge [sflag:s10], $0x4000  }
0x25: {  	s19 =	simm.s32 $0x80;
	s18 =	simm.s32 $0x1000;
	[sflag:s10] =	ssyncset.done $0x0  }
.LBB2_2:
0x26: {  	p0 =	sne.s32 s18, $0x26000;
	[sflag:s10] =	ssyncadd.s32 $0xFFFFC000;
	s19 =	sadd.s32 $0x100, s19  }
0x27: {  	[tilespmem:s13], [sflag:$0x2] =	stream.indirect.gather [hbm4b:s3+s12], $0x80, s19, s12, $0xb8;
	[tilespmem:$0xA800] =	vst v63  }
0x28: {  	s20 =	smov.u32 s18;
	s18 =	sadd.s32 $0x1000, s18;
	_ =	swait.ge [sflag:s14], $0x4000  }
0x29: {  	[sflag:s14] =	ssyncset.done $0x0  }
0x2a: {  	s21 =	sadd.s32 s20, s8;
	[sflag:s14] =	ssyncadd.s32 $0xFFFFC000  }
0x2b: {  	[hbm4b:s21+s2] =	stream.linear.scatter [tilespmem:s11], [sflag:$0x3], $0x4000, $0x38;
	[tilespmem:$0xA800] =	vst v63  }
0x2c: {  	_ =	swait.ge [sflag:s10], $0x4000  }
0x2d: {  	[sflag:s10] =	ssyncset.done $0x0  }
0x2e: {  	s21 =	sadd.s32 $0x80, s19;
	[sflag:s10] =	ssyncadd.s32 $0xFFFFC000  }
0x2f: {  	[tilespmem:s11], [sflag:$0x1] =	stream.indirect.gather [hbm4b:s3+s12], $0x80, s21, s12, $0xb8;
	[tilespmem:$0xA800] =	vst v63  }
0x30: {  	_ =	swait.ge [sflag:s15], $0x4000  }
.Ltmp0:
0x31: {  	[sflag:s15] =	ssyncset.done $0x0;
	(pc) =	sbr.rel @p0 .LBB2_2-.Ltmp0, $4  }
0x32: {  	s20 =	sadd.s32 s20, s9;
	[sflag:s15] =	ssyncadd.s32 $0xFFFFC000  }
0x33: {  	[hbm4b:s20+s2] =	stream.linear.scatter [tilespmem:s13], [sflag:$0x3], $0x4000, $0x38;
	[tilespmem:$0xA800] =	vst v63  }
0x34: {  	_ =	swait.ge [sflag:s10], $0x4000  }
0x35: {  	[sflag:s10] =	ssyncset.done $0x0  }
0x36: {  	[sflag:s10] =	ssyncadd.s32 $0xFFFFC000  }
0x37: {  	[tilespmem:s13], [sflag:$0x2] =	stream.indirect.gather [hbm4b:s3+s12], $0x80, s16, s12, $0xb8;
	[tilespmem:$0xA800] =	vst v63  }
0x38: {  	_ =	swait.ge [sflag:s14], $0x4000  }
0x39: {  	[sflag:s14] =	ssyncset.done $0x0  }
0x3a: {  	[sflag:s14] =	ssyncadd.s32 $0xFFFFC000  }
0x3b: {  	[hbm4b:s6+s2] =	stream.linear.scatter [tilespmem:s11], [sflag:$0x3], $0x4000, $0x38;
	[tilespmem:$0xA800] =	vst v63  }
0x3c: {  	_ =	swait.ge [sflag:s10], $0x4000  }
0x3d: {  	[sflag:s10] =	ssyncset.done $0x0  }
0x3e: {  	[sflag:s10] =	ssyncadd.s32 $0xFFFFC000  }
0x3f: {  	s17 =	sadd.s32 $0x1, s17;
	_ =	swait.ge [sflag:s15], $0x4000  }
0x40: {  	p0 =	sne.s32 s17, s5;
	[sflag:s15] =	ssyncset.done $0x0  }
.Ltmp1:
0x41: {  	[sflag:s15] =	ssyncadd.s32 $0xFFFFC000;
	(pc) =	sbr.rel @p0 .LBB2_1-.Ltmp1, $4  }
0x42: {  	[hbm4b:s7+s2] =	stream.linear.scatter [tilespmem:s13], [sflag:$0x3], $0x4000, $0x38;
	[tilespmem:$0xA800] =	vst v63  }
0x43: {  	_ =	swait.ge [sflag:s10], $0x4000  }
0x44: {  	[sflag:s10] =	ssyncset.done $0x0  }
0x45: {  	[sflag:s10] =	ssyncadd.s32 $0xFFFFC000  }
0x46: {  	_ =	sfence.sel $0x180000  }
0x47: {  	[bflag:$0x0] =	sbarrier.arrive $0xFFFF  }
0x48: {  	p0 =	sne.s32 s0, $0x0;
	_ =	strace $0x90000047  }
0x49: {  	s0 =	sadd.s32 @!p0 $0x100000, s1;
	[bflag:$0x2] =	sbarrier.arrive $0xFFFF  }
0x4a: {  	[sflag:s0] =	ssyncadd.tile.s32 @!p0 $0x1;
	_ =	shalt  }
.Lfunc_end2:
_tile_overlayer_lowered:
.L_overlay_start_2:
0x4b: {  	(tag) =	ssettag $0x2  }
0x4c: {  	s0 =	rddreg [dreg:$0x0];
	s2 =	stileid.u32  }
0x4d: {  	s1 =	rddreg [dreg:$0x1];
	p0 =	sne.s32 s2, $0x0  }
0x4e: {  	s3 =	rddreg [dreg:$0x2];
	[bflag:$0x3] =	sbarrier.arrive $0xFFFF;
	s2 =	simm.s32 @!p0 $0x1C03  }
0x4f: {  	[timem:s3], [sflag:s2] =	dma.local @!p0 [hbm:s0], s1  }
0x50: {  	s0 =	simm.s32 @!p0 $0x3  }
0x51: {  	_ =	swait.ge @!p0 [sflag:s0], s1  }
0x52: {  	s1 =	ssub.s32 @!p0 $0x0, s1;
	[sflag:s0] =	ssyncset.done @!p0 $0x0  }
0x53: {  	[sflag:s0] =	ssyncadd.s32 @!p0 s1  }
0x54: {  	[bflag:$0x3] =	sbarrier.arrive $0xFFFF  }
0x55: {  	_ =	shalt  }

</sc_bundles>
